<compile_context>
chip_gen: v7x
topology: tpu7x:2x2x1
jax: 0.10.2.dev20260603
libtpu: 0.0.44.dev20260713+nightly
codegen_flags: <defaults>
</compile_context>

<pallas_src>
import functools

import jax
import jax.numpy as jnp
from jax import lax
from jax.experimental import pallas as pl
from jax.experimental.pallas import tpu as pltpu
from jax.experimental.pallas import tpu_sc as plsc

_NC = 2
_NS = 16
_NW = _NC * _NS

_CH = 80

_NB = 4


def _sc_edge_aggregate(h, eidx_flat, n_pad):
    _, d = h.shape
    e = eidx_flat.shape[0] // 2
    per_w = e // _NW
    n_chunks = per_w // _CH
    n_groups = n_chunks // _NB
    n_tail = n_chunks - n_groups * _NB
    rows_per_tile = n_pad // _NS

    mesh = plsc.VectorSubcoreMesh(
        core_axis_name="c", subcore_axis_name="s",
        num_cores=_NC, num_subcores=_NS)

    @functools.partial(
        pl.kernel,
        out_type=jax.ShapeDtypeStruct((_NC, n_pad, d), jnp.float32),
        mesh=mesh,
        scratch_types=[
            pltpu.VMEM((2 * _NB * _CH,), jnp.int32),
            pltpu.VMEM((2, _NB, _CH), jnp.int32),
            pltpu.VMEM((_NB * _CH, d), jnp.float32),
            pltpu.VMEM_SHARED((n_pad, d), jnp.float32),
            pltpu.SemaphoreType.DMA,
            pltpu.SemaphoreType.DMA,
            pltpu.SemaphoreType.DMA,
            pltpu.SemaphoreType.DMA,
        ],
    )
    def edge_agg(h_hbm, eidx_hbm, out_hbm,
                 sidx, didx, rows, acc, sem_i0, sem_i1, sem_g, sem_s):
        c = lax.axis_index("c")
        s = lax.axis_index("s")
        wid = s * _NC + c
        base_w = wid * per_w

        pltpu.async_copy(
            eidx_hbm.at[pl.ds(base_w, _NB * _CH)],
            sidx.at[pl.ds(0, _NB * _CH)], sem_i0)
        for b in range(_NB):
            pltpu.async_copy(
                eidx_hbm.at[pl.ds(e + base_w + b * _CH, _CH)], didx.at[0, b],
                sem_i0)
        zv = jnp.zeros((16,), jnp.float32)

        def zrow(r, carry):
            for k8 in range(d // 16):
                rows[r, pl.ds(k8 * 16, 16)] = zv
            return carry

        lax.fori_loop(0, _CH, zrow, 0)
        z_full = rows_per_tile // _CH
        z_rem = rows_per_tile - z_full * _CH
        for zb in range(z_full):
            pltpu.sync_copy(
                rows.at[pl.ds(0, _CH)],
                acc.at[pl.ds(s * rows_per_tile + zb * _CH, _CH)])
        if z_rem:
            pltpu.sync_copy(
                rows.at[pl.ds(0, z_rem)],
                acc.at[pl.ds(s * rows_per_tile + z_full * _CH, z_rem)])
        plsc.subcore_barrier()

        def group(g, carry):
            p = lax.rem(g, 2)
            @pl.when(g > 0)
            def _():
                pltpu.make_async_copy(
                    h_hbm.at[pl.ds(0, _NB * _CH)], rows, sem_s).wait()
            @pl.when(g + 1 < n_groups)
            def _():
                base_n = base_w + (g + 1) * _NB * _CH

                @pl.when(p == 0)
                def _():
                    pltpu.async_copy(
                        eidx_hbm.at[pl.ds(base_n, _NB * _CH)],
                        sidx.at[pl.ds(_NB * _CH, _NB * _CH)], sem_i1)
                    for b in range(_NB):
                        pltpu.async_copy(
                            eidx_hbm.at[pl.ds(e + base_n + b * _CH, _CH)],
                            didx.at[1, b], sem_i1)

                @pl.when(p == 1)
                def _():
                    pltpu.async_copy(
                        eidx_hbm.at[pl.ds(base_n, _NB * _CH)],
                        sidx.at[pl.ds(0, _NB * _CH)], sem_i0)
                    for b in range(_NB):
                        pltpu.async_copy(
                            eidx_hbm.at[pl.ds(e + base_n + b * _CH, _CH)],
                            didx.at[0, b], sem_i0)

            @pl.when(p == 0)
            def _():
                pltpu.make_async_copy(
                    eidx_hbm.at[pl.ds(0, _NB * _CH)],
                    sidx.at[pl.ds(0, _NB * _CH)], sem_i0).wait()
                pltpu.make_async_copy(
                    eidx_hbm.at[pl.ds(0, _NB * _CH)],
                    sidx.at[pl.ds(0, _NB * _CH)], sem_i0).wait()

            @pl.when(p == 1)
            def _():
                pltpu.make_async_copy(
                    eidx_hbm.at[pl.ds(0, _NB * _CH)],
                    sidx.at[pl.ds(0, _NB * _CH)], sem_i1).wait()
                pltpu.make_async_copy(
                    eidx_hbm.at[pl.ds(0, _NB * _CH)],
                    sidx.at[pl.ds(0, _NB * _CH)], sem_i1).wait()

            gd = []
            for b in range(_NB):
                gd.append(pltpu.async_copy(
                    h_hbm.at[sidx.at[pl.ds(p * _NB * _CH + b * _CH, _CH)]],
                    rows.at[pl.ds(b * _CH, _CH)], sem_g))
            for b in range(_NB):
                gd[b].wait()
                pltpu.async_copy(
                    rows.at[pl.ds(b * _CH, _CH)], acc.at[didx.at[p, b]],
                    sem_s, add=True)
            return carry

        lax.fori_loop(0, n_groups, group, 0)
        pltpu.make_async_copy(
            h_hbm.at[pl.ds(0, _NB * _CH)], rows, sem_s).wait()

        for t in range(n_tail):
            base_t = base_w + (n_groups * _NB + t) * _CH
            pltpu.sync_copy(
                eidx_hbm.at[pl.ds(base_t, _CH)], sidx.at[pl.ds(0, _CH)])
            pltpu.sync_copy(eidx_hbm.at[pl.ds(e + base_t, _CH)], didx.at[0, 0])
            pltpu.async_copy(
                h_hbm.at[sidx.at[pl.ds(0, _CH)]],
                rows.at[pl.ds(0, _CH)], sem_g).wait()
            pltpu.async_copy(
                rows.at[pl.ds(0, _CH)], acc.at[didx.at[0, 0]], sem_s,
                add=True).wait()

        plsc.subcore_barrier()

        pltpu.sync_copy(
            acc.at[pl.ds(s * rows_per_tile, rows_per_tile)],
            out_hbm.at[c, pl.ds(s * rows_per_tile, rows_per_tile)])

    return edge_agg(h, eidx_flat)


def _dot_bf16x3(x, w):
    xh = x.astype(jnp.bfloat16)
    wh = w.astype(jnp.bfloat16)
    xl = (x - xh.astype(jnp.float32)).astype(jnp.bfloat16)
    wl = (w - wh.astype(jnp.float32)).astype(jnp.bfloat16)
    f = jnp.float32
    return (jnp.dot(xh, wh, preferred_element_type=f)
            + jnp.dot(xh, wl, preferred_element_type=f)
            + jnp.dot(xl, wh, preferred_element_type=f))


def _linear_kernel(x_ref, w_ref, b_ref, o_ref):
    o_ref[...] = _dot_bf16x3(x_ref[...], w_ref[...]) + b_ref[...]


def _combine_linear_kernel(p_ref, w_ref, b_ref, o_ref):
    h = jnp.maximum(p_ref[0] + p_ref[1], 0.0)
    o_ref[...] = _dot_bf16x3(h, w_ref[...]) + b_ref[...]


def _pool_fc_kernel(p_ref, bat_ref, fw0_ref, fb0_ref, fw1_ref, fb1_ref,
                    o_ref, pooled_acc, *, g, blk, nblk):
    i = pl.program_id(0)

    @pl.when(i == 0)
    def _():
        pooled_acc[...] = jnp.zeros_like(pooled_acc)

    h = jnp.maximum(p_ref[0] + p_ref[1], 0.0)
    b = bat_ref[0]
    seg = lax.broadcasted_iota(jnp.int32, (g, blk), 0)
    onehot = (seg == b).astype(jnp.bfloat16)
    hh = h.astype(jnp.bfloat16)
    hl = (h - hh.astype(jnp.float32)).astype(jnp.bfloat16)
    pooled_acc[...] += (
        jnp.dot(onehot, hh, preferred_element_type=jnp.float32)
        + jnp.dot(onehot, hl, preferred_element_type=jnp.float32))

    @pl.when(i == nblk - 1)
    def _():
        pooled = pooled_acc[...]
        z = jnp.dot(pooled, fw0_ref[...], preferred_element_type=jnp.float32,
                    precision=lax.Precision.HIGHEST) + fb0_ref[...]
        z = jnp.dot(z, fw1_ref[...], preferred_element_type=jnp.float32,
                    precision=lax.Precision.HIGHEST) + fb1_ref[...]
        z = z - jnp.max(z, axis=1, keepdims=True)
        ez = jnp.exp(z)
        o_ref[...] = ez / jnp.sum(ez, axis=1, keepdims=True)


def kernel(node_attr, edge_index, batching, conv_w0, conv_b0, conv_w1,
           conv_b1, fc_w0, fc_b0, fc_w1, fc_b1):
    n, d_in = node_attr.shape
    d0 = conv_w0.shape[1]
    d1 = conv_w1.shape[1]
    f0 = fc_w0.shape[1]
    f1 = fc_w1.shape[1]
    g = 64

    eidx_flat = edge_index.reshape(-1)

    blk = 1000
    nblk = n // blk
    n_pad = ((n + 8 * _NS - 1) // (8 * _NS)) * (8 * _NS)

    h0 = pl.pallas_call(
        _linear_kernel,
        grid=(nblk,),
        in_specs=[
            pl.BlockSpec((blk, d_in), lambda i: (i, 0)),
            pl.BlockSpec((d_in, d0), lambda i: (0, 0)),
            pl.BlockSpec((1, d0), lambda i: (0, 0)),
        ],
        out_specs=pl.BlockSpec((blk, d0), lambda i: (i, 0)),
        out_shape=jax.ShapeDtypeStruct((n, d0), jnp.float32),
    )(node_attr, conv_w0, conv_b0.reshape(1, d0))

    part0 = _sc_edge_aggregate(h0, eidx_flat, n_pad)

    h1 = pl.pallas_call(
        _combine_linear_kernel,
        grid=(nblk,),
        in_specs=[
            pl.BlockSpec((_NC, blk, d0), lambda i: (0, i, 0)),
            pl.BlockSpec((d0, d1), lambda i: (0, 0)),
            pl.BlockSpec((1, d1), lambda i: (0, 0)),
        ],
        out_specs=pl.BlockSpec((blk, d1), lambda i: (i, 0)),
        out_shape=jax.ShapeDtypeStruct((n, d1), jnp.float32),
    )(part0, conv_w1, conv_b1.reshape(1, d1))

    part1 = _sc_edge_aggregate(h1, eidx_flat, n_pad)

    bat3 = batching.reshape(nblk, 1, blk)
    out = pl.pallas_call(
        functools.partial(_pool_fc_kernel, g=g, blk=blk, nblk=nblk),
        grid=(nblk,),
        in_specs=[
            pl.BlockSpec((_NC, blk, d1), lambda i: (0, i, 0)),
            pl.BlockSpec((1, 1, blk), lambda i: (i, 0, 0)),
            pl.BlockSpec((d1, f0), lambda i: (0, 0)),
            pl.BlockSpec((1, f0), lambda i: (0, 0)),
            pl.BlockSpec((f0, f1), lambda i: (0, 0)),
            pl.BlockSpec((1, f1), lambda i: (0, 0)),
        ],
        out_specs=pl.BlockSpec((g, f1), lambda i: (0, 0)),
        out_shape=jax.ShapeDtypeStruct((g, f1), jnp.float32),
        scratch_shapes=[pltpu.VMEM((g, d1), jnp.float32)],
    )(part1, bat3, fc_w0, fc_b0.reshape(1, f0), fc_w1, fc_b1.reshape(1, f1))

    return out

# --- scband reference (transcript-rebuilt; emitter-appended) ---
"""Pipeline reference for scband-graph-sparse-node-only-89275190215163 (READ-ONLY COPY).

The authoritative reference and input builder live on the scoring server;
editing this copy changes nothing except your own understanding.
"""

import jax, jax.numpy as jnp
import numpy as np

N = 10000
E = 320000
D_IN = 128
CONV_DIMS = [128, 128]
FC_DIMS = [64, 16]
G = 64  # number of graphs in batch


def setup_inputs(seed: int = 0) -> dict:
    key = jax.random.key(seed)
    ks = jax.random.split(key, 12)
    node_attr = jax.random.normal(ks[0], (N, D_IN), dtype=jnp.float32)
    edge_index = jax.random.randint(ks[1], (2, E), 0, N, dtype=jnp.int32)
    batching = jnp.sort(jax.random.randint(ks[2], (N,), 0, G, dtype=jnp.int32))
    # SparseNodeConv params (linear transform per conv layer)
    conv_w0 = jax.random.normal(ks[3], (D_IN, CONV_DIMS[0]), dtype=jnp.float32) / np.sqrt(D_IN)
    conv_b0 = jnp.zeros((CONV_DIMS[0],), dtype=jnp.float32)
    conv_w1 = jax.random.normal(ks[4], (CONV_DIMS[0], CONV_DIMS[1]), dtype=jnp.float32) / np.sqrt(CONV_DIMS[0])
    conv_b1 = jnp.zeros((CONV_DIMS[1],), dtype=jnp.float32)
    # FC layer params
    fc_w0 = jax.random.normal(ks[5], (CONV_DIMS[1], FC_DIMS[0]), dtype=jnp.float32) / np.sqrt(CONV_DIMS[1])
    fc_b0 = jnp.zeros((FC_DIMS[0],), dtype=jnp.float32)
    fc_w1 = jax.random.normal(ks[6], (FC_DIMS[0], FC_DIMS[1]), dtype=jnp.float32) / np.sqrt(FC_DIMS[0])
    fc_b1 = jnp.zeros((FC_DIMS[1],), dtype=jnp.float32)
    return {
        "node_attr": node_attr,
        "edge_index": edge_index,
        "batching": batching,
        "conv_w0": conv_w0, "conv_b0": conv_b0,
        "conv_w1": conv_w1, "conv_b1": conv_b1,
        "fc_w0": fc_w0, "fc_b0": fc_b0,
        "fc_w1": fc_w1, "fc_b1": fc_b1,
    }


def _sparse_node_conv(x, src, dst, w, b):
    # SparseNodeConv: linear transform then sparse (edge-list) neighbor aggregation
    h = x @ w + b
    agg = jnp.zeros((x.shape[0], w.shape[1]), dtype=h.dtype).at[dst].add(h[src])
    return agg


def reference(node_attr, edge_index, batching, conv_w0, conv_b0, conv_w1, conv_b1, fc_w0, fc_b0, fc_w1, fc_b1):
    src = edge_index[0]
    dst = edge_index[1]
    h = node_attr
    # conv layer 0 with clamp(0)
    h = jnp.maximum(_sparse_node_conv(h, src, dst, conv_w0, conv_b0), 0.0)
    # conv layer 1 with clamp(0)
    h = jnp.maximum(_sparse_node_conv(h, src, dst, conv_w1, conv_b1), 0.0)
    # global_sum_pool over per-graph segments
    pooled = jax.ops.segment_sum(h, batching, num_segments=G)
    # fc layers (no activation between, matching original forward)
    out = pooled @ fc_w0 + fc_b0
    out = out @ fc_w1 + fc_b1
    return jax.nn.softmax(out, axis=1)

if __name__ == "__main__":
    import jax
    _d = setup_inputs()
    print(jax.jit(kernel)(*tuple(_d.values())))

</pallas_src>

<mosaic_0001>
#map = affine_map<(d0, d1) -> (0, 0)>
#map1 = affine_map<(d0, d1) -> (0)>
#map2 = affine_map<(d0, d1) -> (0, 0, 0)>
module attributes {stable_mosaic.version = 14 : i64} {
  func.func @edge_agg(%arg0: i32, %arg1: i32, %arg2: memref<10000x128xf32, #tpu.memory_space<hbm>>, %arg3: memref<640000xi32, #tpu.memory_space<hbm>>, %arg4: memref<2x10112x128xf32, #tpu.memory_space<hbm>>, %arg5: memref<640xi32, #tpu.memory_space<vmem>>, %arg6: memref<2x4x80xi32, #tpu.memory_space<vmem>>, %arg7: memref<320x128xf32, #tpu.memory_space<vmem>>, %arg8: memref<10112x128xf32, #tpu.memory_space<vmem_shared>>, %arg9: memref<!tpu.dma_semaphore, #tpu.memory_space<semaphore_mem>>, %arg10: memref<!tpu.dma_semaphore, #tpu.memory_space<semaphore_mem>>, %arg11: memref<!tpu.dma_semaphore, #tpu.memory_space<semaphore_mem>>, %arg12: memref<!tpu.dma_semaphore, #tpu.memory_space<semaphore_mem>>) attributes {dimension_semantics = [#tpu.dimension_semantics<core_parallel>, #tpu.dimension_semantics<subcore_parallel>], iteration_bounds = array<i64: 2, 16>, scalar_prefetch = 0 : i64, scratch_operands = 8 : i64, tpu.core_type = #tpu.core_type<sc_vector_subcore>, window_params = [{transform_indices = #map}, {transform_indices = #map1}, {transform_indices = #map2}]} {
    %mul3A = arith.constant 2 : i32
    %mul3A_0 = arith.muli %arg1, %mul3A : i32
    %add3A = arith.addi %mul3A_0, %arg0 : i32
    %mul3A_1 = arith.constant 10000 : i32
    %mul3A_2 = arith.muli %add3A, %mul3A_1 : i32
    %dma_start3A = arith.constant 0 : i32
    %dma_start3A_3 = tpu.memref_slice %arg5[%dma_start3A] : memref<640xi32, #tpu.memory_space<vmem>> -> memref<320xi32, #tpu.memory_space<vmem>>
    %dma_start3A_4 = tpu.memref_slice %arg3[%mul3A_2] : memref<640000xi32, #tpu.memory_space<hbm>> -> memref<320xi32, #tpu.memory_space<hbm>>
    %dma_start3A_5 = arith.constant 0 : i32
    %dma_start3A_6 = tpu.memref_slice %arg5[%dma_start3A_5] : memref<640xi32, #tpu.memory_space<vmem>> -> memref<320xi32, #tpu.memory_space<vmem>>
    %dma_start3A_7 = tpu.memref_slice %arg3[%mul3A_2] : memref<640000xi32, #tpu.memory_space<hbm>> -> memref<320xi32, #tpu.memory_space<hbm>>
    tpu.enqueue_dma source(%dma_start3A_7 : memref<320xi32, #tpu.memory_space<hbm>>) target(%dma_start3A_6 : memref<320xi32, #tpu.memory_space<vmem>>) target_semaphore(%arg9 : memref<!tpu.dma_semaphore, #tpu.memory_space<semaphore_mem>>)
    %add3A_8 = arith.constant 320000 : i32
    %add3A_9 = arith.addi %add3A_8, %mul3A_2 : i32
    %add3A_10 = arith.constant 0 : i32
    %add3A_11 = arith.addi %add3A_9, %add3A_10 : i32
    %dma_start3A_12 = arith.constant 0 : i32
    %dma_start3A_13 = arith.constant 0 : i32
    %dma_start3A_14 = arith.constant 0 : i32
    %dma_start3A_15 = tpu.memref_slice %arg6[%dma_start3A_12, %dma_start3A_13, %dma_start3A_14] : memref<2x4x80xi32, #tpu.memory_space<vmem>> -> memref<1x1x80xi32, #tpu.memory_space<vmem>>
    %dma_start3A_16 = tpu.memref_squeeze %dma_start3A_15 : memref<1x1x80xi32, #tpu.memory_space<vmem>> -> memref<80xi32, #tpu.memory_space<vmem>>
    %dma_start3A_17 = tpu.memref_slice %arg3[%add3A_11] : memref<640000xi32, #tpu.memory_space<hbm>> -> memref<80xi32, #tpu.memory_space<hbm>>
    %dma_start3A_18 = arith.constant 0 : i32
    %dma_start3A_19 = tpu.memref_slice %arg6[%dma_start3A_12, %dma_start3A_13, %dma_start3A_18] : memref<2x4x80xi32, #tpu.memory_space<vmem>> -> memref<1x1x80xi32, #tpu.memory_space<vmem>>
    %dma_start3A_20 = tpu.memref_squeeze %dma_start3A_19 : memref<1x1x80xi32, #tpu.memory_space<vmem>> -> memref<80xi32, #tpu.memory_space<vmem>>
    %dma_start3A_21 = tpu.memref_slice %arg3[%add3A_11] : memref<640000xi32, #tpu.memory_space<hbm>> -> memref<80xi32, #tpu.memory_space<hbm>>
    tpu.enqueue_dma source(%dma_start3A_21 : memref<80xi32, #tpu.memory_space<hbm>>) target(%dma_start3A_20 : memref<80xi32, #tpu.memory_space<vmem>>) target_semaphore(%arg9 : memref<!tpu.dma_semaphore, #tpu.memory_space<semaphore_mem>>)
    %add3A_22 = arith.constant 320000 : i32
    %add3A_23 = arith.addi %add3A_22, %mul3A_2 : i32
    %add3A_24 = arith.constant 80 : i32
    %add3A_25 = arith.addi %add3A_23, %add3A_24 : i32
    %dma_start3A_26 = arith.constant 0 : i32
    %dma_start3A_27 = arith.constant 1 : i32
    %dma_start3A_28 = arith.constant 0 : i32
    %dma_start3A_29 = tpu.memref_slice %arg6[%dma_start3A_26, %dma_start3A_27, %dma_start3A_28] : memref<2x4x80xi32, #tpu.memory_space<vmem>> -> memref<1x1x80xi32, #tpu.memory_space<vmem>>
    %dma_start3A_30 = tpu.memref_squeeze %dma_start3A_29 : memref<1x1x80xi32, #tpu.memory_space<vmem>> -> memref<80xi32, #tpu.memory_space<vmem>>
    %dma_start3A_31 = tpu.memref_slice %arg3[%add3A_25] : memref<640000xi32, #tpu.memory_space<hbm>> -> memref<80xi32, #tpu.memory_space<hbm>>
    %dma_start3A_32 = arith.constant 0 : i32
    %dma_start3A_33 = tpu.memref_slice %arg6[%dma_start3A_26, %dma_start3A_27, %dma_start3A_32] : memref<2x4x80xi32, #tpu.memory_space<vmem>> -> memref<1x1x80xi32, #tpu.memory_space<vmem>>
    %dma_start3A_34 = tpu.memref_squeeze %dma_start3A_33 : memref<1x1x80xi32, #tpu.memory_space<vmem>> -> memref<80xi32, #tpu.memory_space<vmem>>
    %dma_start3A_35 = tpu.memref_slice %arg3[%add3A_25] : memref<640000xi32, #tpu.memory_space<hbm>> -> memref<80xi32, #tpu.memory_space<hbm>>
    tpu.enqueue_dma source(%dma_start3A_35 : memref<80xi32, #tpu.memory_space<hbm>>) target(%dma_start3A_34 : memref<80xi32, #tpu.memory_space<vmem>>) target_semaphore(%arg9 : memref<!tpu.dma_semaphore, #tpu.memory_space<semaphore_mem>>)
    %add3A_36 = arith.constant 320000 : i32
    %add3A_37 = arith.addi %add3A_36, %mul3A_2 : i32
    %add3A_38 = arith.constant 160 : i32
    %add3A_39 = arith.addi %add3A_37, %add3A_38 : i32
    %dma_start3A_40 = arith.constant 0 : i32
    %dma_start3A_41 = arith.constant 2 : i32
    %dma_start3A_42 = arith.constant 0 : i32
    %dma_start3A_43 = tpu.memref_slice %arg6[%dma_start3A_40, %dma_start3A_41, %dma_start3A_42] : memref<2x4x80xi32, #tpu.memory_space<vmem>> -> memref<1x1x80xi32, #tpu.memory_space<vmem>>
    %dma_start3A_44 = tpu.memref_squeeze %dma_start3A_43 : memref<1x1x80xi32, #tpu.memory_space<vmem>> -> memref<80xi32, #tpu.memory_space<vmem>>
    %dma_start3A_45 = tpu.memref_slice %arg3[%add3A_39] : memref<640000xi32, #tpu.memory_space<hbm>> -> memref<80xi32, #tpu.memory_space<hbm>>
    %dma_start3A_46 = arith.constant 0 : i32
    %dma_start3A_47 = tpu.memref_slice %arg6[%dma_start3A_40, %dma_start3A_41, %dma_start3A_46] : memref<2x4x80xi32, #tpu.memory_space<vmem>> -> memref<1x1x80xi32, #tpu.memory_space<vmem>>
    %dma_start3A_48 = tpu.memref_squeeze %dma_start3A_47 : memref<1x1x80xi32, #tpu.memory_space<vmem>> -> memref<80xi32, #tpu.memory_space<vmem>>
    %dma_start3A_49 = tpu.memref_slice %arg3[%add3A_39] : memref<640000xi32, #tpu.memory_space<hbm>> -> memref<80xi32, #tpu.memory_space<hbm>>
    tpu.enqueue_dma source(%dma_start3A_49 : memref<80xi32, #tpu.memory_space<hbm>>) target(%dma_start3A_48 : memref<80xi32, #tpu.memory_space<vmem>>) target_semaphore(%arg9 : memref<!tpu.dma_semaphore, #tpu.memory_space<semaphore_mem>>)
    %add3A_50 = arith.constant 320000 : i32
    %add3A_51 = arith.addi %add3A_50, %mul3A_2 : i32
    %add3A_52 = arith.constant 240 : i32
    %add3A_53 = arith.addi %add3A_51, %add3A_52 : i32
    %dma_start3A_54 = arith.constant 0 : i32
    %dma_start3A_55 = arith.constant 3 : i32
    %dma_start3A_56 = arith.constant 0 : i32
    %dma_start3A_57 = tpu.memref_slice %arg6[%dma_start3A_54, %dma_start3A_55, %dma_start3A_56] : memref<2x4x80xi32, #tpu.memory_space<vmem>> -> memref<1x1x80xi32, #tpu.memory_space<vmem>>
    %dma_start3A_58 = tpu.memref_squeeze %dma_start3A_57 : memref<1x1x80xi32, #tpu.memory_space<vmem>> -> memref<80xi32, #tpu.memory_space<vmem>>
    %dma_start3A_59 = tpu.memref_slice %arg3[%add3A_53] : memref<640000xi32, #tpu.memory_space<hbm>> -> memref<80xi32, #tpu.memory_space<hbm>>
    %dma_start3A_60 = arith.constant 0 : i32
    %dma_start3A_61 = tpu.memref_slice %arg6[%dma_start3A_54, %dma_start3A_55, %dma_start3A_60] : memref<2x4x80xi32, #tpu.memory_space<vmem>> -> memref<1x1x80xi32, #tpu.memory_space<vmem>>
    %dma_start3A_62 = tpu.memref_squeeze %dma_start3A_61 : memref<1x1x80xi32, #tpu.memory_space<vmem>> -> memref<80xi32, #tpu.memory_space<vmem>>
    %dma_start3A_63 = tpu.memref_slice %arg3[%add3A_53] : memref<640000xi32, #tpu.memory_space<hbm>> -> memref<80xi32, #tpu.memory_space<hbm>>
    tpu.enqueue_dma source(%dma_start3A_63 : memref<80xi32, #tpu.memory_space<hbm>>) target(%dma_start3A_62 : memref<80xi32, #tpu.memory_space<vmem>>) target_semaphore(%arg9 : memref<!tpu.dma_semaphore, #tpu.memory_space<semaphore_mem>>)
    %broadcast_in_dim3A = arith.constant 0.000000e+00 : f32
    %broadcast_in_dim3A_64 = vector.broadcast %broadcast_in_dim3A : f32 to vector<16xf32>
    %scan3A = arith.constant 0 : i32
    %scan3A_65 = arith.constant 0 : i32
    %scan3A_66 = arith.constant 80 : i32
    %scan3A_67 = arith.addi %scan3A_65, %scan3A_66 : i32
    %scan3A_68 = arith.constant 1 : i32
    scf.for %scan3A_161 = %scan3A_65 to %scan3A_67 step %scan3A_68  : i32 {
      %swap3A = arith.index_cast %scan3A_161 : i32 to index
      %swap3A_162 = arith.constant 0 : index
      %swap3A_163 = tpu.vector_load %arg7[%swap3A, %swap3A_162] {strides = array<i32>} : memref<320x128xf32, #tpu.memory_space<vmem>>, vector<1x16xf32>,
      %swap3A_164 = vector.shape_cast %swap3A_163 : vector<1x16xf32> to vector<16xf32>
      %swap3A_165 = vector.shape_cast %broadcast_in_dim3A_64 : vector<16xf32> to vector<1x16xf32>
      tpu.vector_store %arg7[%swap3A, %swap3A_162], %swap3A_165 {strides = array<i32>} : memref<320x128xf32, #tpu.memory_space<vmem>>, vector<1x16xf32>,
      %swap3A_166 = arith.index_cast %scan3A_161 : i32 to index
      %swap3A_167 = arith.constant 16 : index
      %swap3A_168 = tpu.vector_load %arg7[%swap3A_166, %swap3A_167] {strides = array<i32>} : memref<320x128xf32, #tpu.memory_space<vmem>>, vector<1x16xf32>,
      %swap3A_169 = vector.shape_cast %swap3A_168 : vector<1x16xf32> to vector<16xf32>
      %swap3A_170 = vector.shape_cast %broadcast_in_dim3A_64 : vector<16xf32> to vector<1x16xf32>
      tpu.vector_store %arg7[%swap3A_166, %swap3A_167], %swap3A_170 {strides = array<i32>} : memref<320x128xf32, #tpu.memory_space<vmem>>, vector<1x16xf32>,
      %swap3A_171 = arith.index_cast %scan3A_161 : i32 to index
      %swap3A_172 = arith.constant 32 : index
      %swap3A_173 = tpu.vector_load %arg7[%swap3A_171, %swap3A_172] {strides = array<i32>} : memref<320x128xf32, #tpu.memory_space<vmem>>, vector<1x16xf32>,
      %swap3A_174 = vector.shape_cast %swap3A_173 : vector<1x16xf32> to vector<16xf32>
      %swap3A_175 = vector.shape_cast %broadcast_in_dim3A_64 : vector<16xf32> to vector<1x16xf32>
      tpu.vector_store %arg7[%swap3A_171, %swap3A_172], %swap3A_175 {strides = array<i32>} : memref<320x128xf32, #tpu.memory_space<vmem>>, vector<1x16xf32>,
      %swap3A_176 = arith.index_cast %scan3A_161 : i32 to index
      %swap3A_177 = arith.constant 48 : index
      %swap3A_178 = tpu.vector_load %arg7[%swap3A_176, %swap3A_177] {strides = array<i32>} : memref<320x128xf32, #tpu.memory_space<vmem>>, vector<1x16xf32>,
      %swap3A_179 = vector.shape_cast %swap3A_178 : vector<1x16xf32> to vector<16xf32>
      %swap3A_180 = vector.shape_cast %broadcast_in_dim3A_64 : vector<16xf32> to vector<1x16xf32>
      tpu.vector_store %arg7[%swap3A_176, %swap3A_177], %swap3A_180 {strides = array<i32>} : memref<320x128xf32, #tpu.memory_space<vmem>>, vector<1x16xf32>,
      %swap3A_181 = arith.index_cast %scan3A_161 : i32 to index
      %swap3A_182 = arith.constant 64 : index
      %swap3A_183 = tpu.vector_load %arg7[%swap3A_181, %swap3A_182] {strides = array<i32>} : memref<320x128xf32, #tpu.memory_space<vmem>>, vector<1x16xf32>,
      %swap3A_184 = vector.shape_cast %swap3A_183 : vector<1x16xf32> to vector<16xf32>
      %swap3A_185 = vector.shape_cast %broadcast_in_dim3A_64 : vector<16xf32> to vector<1x16xf32>
      tpu.vector_store %arg7[%swap3A_181, %swap3A_182], %swap3A_185 {strides = array<i32>} : memref<320x128xf32, #tpu.memory_space<vmem>>, vector<1x16xf32>,
      %swap3A_186 = arith.index_cast %scan3A_161 : i32 to index
      %swap3A_187 = arith.constant 80 : index
      %swap3A_188 = tpu.vector_load %arg7[%swap3A_186, %swap3A_187] {strides = array<i32>} : memref<320x128xf32, #tpu.memory_space<vmem>>, vector<1x16xf32>,
      %swap3A_189 = vector.shape_cast %swap3A_188 : vector<1x16xf32> to vector<16xf32>
      %swap3A_190 = vector.shape_cast %broadcast_in_dim3A_64 : vector<16xf32> to vector<1x16xf32>
      tpu.vector_store %arg7[%swap3A_186, %swap3A_187], %swap3A_190 {strides = array<i32>} : memref<320x128xf32, #tpu.memory_space<vmem>>, vector<1x16xf32>,
      %swap3A_191 = arith.index_cast %scan3A_161 : i32 to index
      %swap3A_192 = arith.constant 96 : index
      %swap3A_193 = tpu.vector_load %arg7[%swap3A_191, %swap3A_192] {strides = array<i32>} : memref<320x128xf32, #tpu.memory_space<vmem>>, vector<1x16xf32>,
      %swap3A_194 = vector.shape_cast %swap3A_193 : vector<1x16xf32> to vector<16xf32>
      %swap3A_195 = vector.shape_cast %broadcast_in_dim3A_64 : vector<16xf32> to vector<1x16xf32>
      tpu.vector_store %arg7[%swap3A_191, %swap3A_192], %swap3A_195 {strides = array<i32>} : memref<320x128xf32, #tpu.memory_space<vmem>>, vector<1x16xf32>,
      %swap3A_196 = arith.index_cast %scan3A_161 : i32 to index
      %swap3A_197 = arith.constant 112 : index
      %swap3A_198 = tpu.vector_load %arg7[%swap3A_196, %swap3A_197] {strides = array<i32>} : memref<320x128xf32, #tpu.memory_space<vmem>>, vector<1x16xf32>,
      %swap3A_199 = vector.shape_cast %swap3A_198 : vector<1x16xf32> to vector<16xf32>
      %swap3A_200 = vector.shape_cast %broadcast_in_dim3A_64 : vector<16xf32> to vector<1x16xf32>
      tpu.vector_store %arg7[%swap3A_196, %swap3A_197], %swap3A_200 {strides = array<i32>} : memref<320x128xf32, #tpu.memory_space<vmem>>, vector<1x16xf32>,
    }
    %scan3A_69 = arith.constant 80 : i32
    %mul3A_70 = arith.constant 632 : i32
    %mul3A_71 = arith.muli %arg1, %mul3A_70 : i32
    %add3A_72 = arith.constant 0 : i32
    %add3A_73 = arith.addi %mul3A_71, %add3A_72 : i32
    "tpu.region"() ({
      %run_scoped3A_161 = tpu.sem_alloc : memref<!tpu.dma_semaphore, #tpu.memory_space<semaphore_mem>>
      %dma_start3A_162 = arith.constant 0 : i32
      %dma_start3A_163 = arith.constant 0 : i32
      %dma_start3A_164 = tpu.memref_slice %arg7[%dma_start3A_162, %dma_start3A_163] : memref<320x128xf32, #tpu.memory_space<vmem>> -> memref<80x128xf32, #tpu.memory_space<vmem>>
      %dma_start3A_165 = arith.constant 0 : i32
      %dma_start3A_166 = tpu.memref_slice %arg8[%add3A_73, %dma_start3A_165] : memref<10112x128xf32, #tpu.memory_space<vmem_shared>> -> memref<80x128xf32, #tpu.memory_space<vmem_shared>>
      %dma_start3A_167 = arith.constant 0 : i32
      %dma_start3A_168 = tpu.memref_slice %arg8[%add3A_73, %dma_start3A_167] : memref<10112x128xf32, #tpu.memory_space<vmem_shared>> -> memref<80x128xf32, #tpu.memory_space<vmem_shared>>
      %dma_start3A_169 = arith.constant 0 : i32
      %dma_start3A_170 = arith.constant 0 : i32
      %dma_start3A_171 = tpu.memref_slice %arg7[%dma_start3A_169, %dma_start3A_170] : memref<320x128xf32, #tpu.memory_space<vmem>> -> memref<80x128xf32, #tpu.memory_space<vmem>>
      tpu.enqueue_dma source(%dma_start3A_171 : memref<80x128xf32, #tpu.memory_space<vmem>>) target(%dma_start3A_168 : memref<80x128xf32, #tpu.memory_space<vmem_shared>>) target_semaphore(%run_scoped3A_161 : memref<!tpu.dma_semaphore, #tpu.memory_space<semaphore_mem>>)
      %dma_wait3A_172 = arith.constant 0 : i32
      %dma_wait3A_173 = arith.constant 0 : i32
      %dma_wait3A_174 = tpu.memref_slice %arg7[%dma_wait3A_172, %dma_wait3A_173] : memref<320x128xf32, #tpu.memory_space<vmem>> -> memref<80x128xf32, #tpu.memory_space<vmem>>
      %dma_wait3A_175 = arith.constant 0 : i32
      %dma_wait3A_176 = tpu.memref_slice %arg8[%add3A_73, %dma_wait3A_175] : memref<10112x128xf32, #tpu.memory_space<vmem_shared>> -> memref<80x128xf32, #tpu.memory_space<vmem_shared>>
      %dma_wait3A_177 = arith.constant 0 : i32
      %dma_wait3A_178 = tpu.memref_slice %arg8[%add3A_73, %dma_wait3A_177] : memref<10112x128xf32, #tpu.memory_space<vmem_shared>> -> memref<80x128xf32, #tpu.memory_space<vmem_shared>>
      %dma_wait3A_179 = arith.constant 0 : i32
      %dma_wait3A_180 = arith.constant 0 : i32
      %dma_wait3A_181 = tpu.memref_slice %arg7[%dma_wait3A_179, %dma_wait3A_180] : memref<320x128xf32, #tpu.memory_space<vmem>> -> memref<80x128xf32, #tpu.memory_space<vmem>>
      tpu.wait_dma2 semaphore(%run_scoped3A_161 : memref<!tpu.dma_semaphore, #tpu.memory_space<semaphore_mem>>) src(%dma_wait3A_181 : memref<80x128xf32, #tpu.memory_space<vmem>>) dst(%dma_wait3A_178 : memref<80x128xf32, #tpu.memory_space<vmem_shared>>)
      tpu.yield
    }) : () -> ()
    %mul3A_74 = arith.constant 632 : i32
    %mul3A_75 = arith.muli %arg1, %mul3A_74 : i32
    %add3A_76 = arith.constant 80 : i32
    %add3A_77 = arith.addi %mul3A_75, %add3A_76 : i32
    "tpu.region"() ({
      %run_scoped3A_161 = tpu.sem_alloc : memref<!tpu.dma_semaphore, #tpu.memory_space<semaphore_mem>>
      %dma_start3A_162 = arith.constant 0 : i32
      %dma_start3A_163 = arith.constant 0 : i32
      %dma_start3A_164 = tpu.memref_slice %arg7[%dma_start3A_162, %dma_start3A_163] : memref<320x128xf32, #tpu.memory_space<vmem>> -> memref<80x128xf32, #tpu.memory_space<vmem>>
      %dma_start3A_165 = arith.constant 0 : i32
      %dma_start3A_166 = tpu.memref_slice %arg8[%add3A_77, %dma_start3A_165] : memref<10112x128xf32, #tpu.memory_space<vmem_shared>> -> memref<80x128xf32, #tpu.memory_space<vmem_shared>>
      %dma_start3A_167 = arith.constant 0 : i32
      %dma_start3A_168 = tpu.memref_slice %arg8[%add3A_77, %dma_start3A_167] : memref<10112x128xf32, #tpu.memory_space<vmem_shared>> -> memref<80x128xf32, #tpu.memory_space<vmem_shared>>
      %dma_start3A_169 = arith.constant 0 : i32
      %dma_start3A_170 = arith.constant 0 : i32
      %dma_start3A_171 = tpu.memref_slice %arg7[%dma_start3A_169, %dma_start3A_170] : memref<320x128xf32, #tpu.memory_space<vmem>> -> memref<80x128xf32, #tpu.memory_space<vmem>>
      tpu.enqueue_dma source(%dma_start3A_171 : memref<80x128xf32, #tpu.memory_space<vmem>>) target(%dma_start3A_168 : memref<80x128xf32, #tpu.memory_space<vmem_shared>>) target_semaphore(%run_scoped3A_161 : memref<!tpu.dma_semaphore, #tpu.memory_space<semaphore_mem>>)
      %dma_wait3A_172 = arith.constant 0 : i32
      %dma_wait3A_173 = arith.constant 0 : i32
      %dma_wait3A_174 = tpu.memref_slice %arg7[%dma_wait3A_172, %dma_wait3A_173] : memref<320x128xf32, #tpu.memory_space<vmem>> -> memref<80x128xf32, #tpu.memory_space<vmem>>
      %dma_wait3A_175 = arith.constant 0 : i32
      %dma_wait3A_176 = tpu.memref_slice %arg8[%add3A_77, %dma_wait3A_175] : memref<10112x128xf32, #tpu.memory_space<vmem_shared>> -> memref<80x128xf32, #tpu.memory_space<vmem_shared>>
      %dma_wait3A_177 = arith.constant 0 : i32
      %dma_wait3A_178 = tpu.memref_slice %arg8[%add3A_77, %dma_wait3A_177] : memref<10112x128xf32, #tpu.memory_space<vmem_shared>> -> memref<80x128xf32, #tpu.memory_space<vmem_shared>>
      %dma_wait3A_179 = arith.constant 0 : i32
      %dma_wait3A_180 = arith.constant 0 : i32
      %dma_wait3A_181 = tpu.memref_slice %arg7[%dma_wait3A_179, %dma_wait3A_180] : memref<320x128xf32, #tpu.memory_space<vmem>> -> memref<80x128xf32, #tpu.memory_space<vmem>>
      tpu.wait_dma2 semaphore(%run_scoped3A_161 : memref<!tpu.dma_semaphore, #tpu.memory_space<semaphore_mem>>) src(%dma_wait3A_181 : memref<80x128xf32, #tpu.memory_space<vmem>>) dst(%dma_wait3A_178 : memref<80x128xf32, #tpu.memory_space<vmem_shared>>)
      tpu.yield
    }) : () -> ()
    %mul3A_78 = arith.constant 632 : i32
    %mul3A_79 = arith.muli %arg1, %mul3A_78 : i32
    %add3A_80 = arith.constant 160 : i32
    %add3A_81 = arith.addi %mul3A_79, %add3A_80 : i32
    "tpu.region"() ({
      %run_scoped3A_161 = tpu.sem_alloc : memref<!tpu.dma_semaphore, #tpu.memory_space<semaphore_mem>>
      %dma_start3A_162 = arith.constant 0 : i32
      %dma_start3A_163 = arith.constant 0 : i32
      %dma_start3A_164 = tpu.memref_slice %arg7[%dma_start3A_162, %dma_start3A_163] : memref<320x128xf32, #tpu.memory_space<vmem>> -> memref<80x128xf32, #tpu.memory_space<vmem>>
      %dma_start3A_165 = arith.constant 0 : i32
      %dma_start3A_166 = tpu.memref_slice %arg8[%add3A_81, %dma_start3A_165] : memref<10112x128xf32, #tpu.memory_space<vmem_shared>> -> memref<80x128xf32, #tpu.memory_space<vmem_shared>>
      %dma_start3A_167 = arith.constant 0 : i32
      %dma_start3A_168 = tpu.memref_slice %arg8[%add3A_81, %dma_start3A_167] : memref<10112x128xf32, #tpu.memory_space<vmem_shared>> -> memref<80x128xf32, #tpu.memory_space<vmem_shared>>
      %dma_start3A_169 = arith.constant 0 : i32
      %dma_start3A_170 = arith.constant 0 : i32
      %dma_start3A_171 = tpu.memref_slice %arg7[%dma_start3A_169, %dma_start3A_170] : memref<320x128xf32, #tpu.memory_space<vmem>> -> memref<80x128xf32, #tpu.memory_space<vmem>>
      tpu.enqueue_dma source(%dma_start3A_171 : memref<80x128xf32, #tpu.memory_space<vmem>>) target(%dma_start3A_168 : memref<80x128xf32, #tpu.memory_space<vmem_shared>>) target_semaphore(%run_scoped3A_161 : memref<!tpu.dma_semaphore, #tpu.memory_space<semaphore_mem>>)
      %dma_wait3A_172 = arith.constant 0 : i32
      %dma_wait3A_173 = arith.constant 0 : i32
      %dma_wait3A_174 = tpu.memref_slice %arg7[%dma_wait3A_172, %dma_wait3A_173] : memref<320x128xf32, #tpu.memory_space<vmem>> -> memref<80x128xf32, #tpu.memory_space<vmem>>
      %dma_wait3A_175 = arith.constant 0 : i32
      %dma_wait3A_176 = tpu.memref_slice %arg8[%add3A_81, %dma_wait3A_175] : memref<10112x128xf32, #tpu.memory_space<vmem_shared>> -> memref<80x128xf32, #tpu.memory_space<vmem_shared>>
      %dma_wait3A_177 = arith.constant 0 : i32
      %dma_wait3A_178 = tpu.memref_slice %arg8[%add3A_81, %dma_wait3A_177] : memref<10112x128xf32, #tpu.memory_space<vmem_shared>> -> memref<80x128xf32, #tpu.memory_space<vmem_shared>>
      %dma_wait3A_179 = arith.constant 0 : i32
      %dma_wait3A_180 = arith.constant 0 : i32
      %dma_wait3A_181 = tpu.memref_slice %arg7[%dma_wait3A_179, %dma_wait3A_180] : memref<320x128xf32, #tpu.memory_space<vmem>> -> memref<80x128xf32, #tpu.memory_space<vmem>>
      tpu.wait_dma2 semaphore(%run_scoped3A_161 : memref<!tpu.dma_semaphore, #tpu.memory_space<semaphore_mem>>) src(%dma_wait3A_181 : memref<80x128xf32, #tpu.memory_space<vmem>>) dst(%dma_wait3A_178 : memref<80x128xf32, #tpu.memory_space<vmem_shared>>)
      tpu.yield
    }) : () -> ()
    %mul3A_82 = arith.constant 632 : i32
    %mul3A_83 = arith.muli %arg1, %mul3A_82 : i32
    %add3A_84 = arith.constant 240 : i32
    %add3A_85 = arith.addi %mul3A_83, %add3A_84 : i32
    "tpu.region"() ({
      %run_scoped3A_161 = tpu.sem_alloc : memref<!tpu.dma_semaphore, #tpu.memory_space<semaphore_mem>>
      %dma_start3A_162 = arith.constant 0 : i32
      %dma_start3A_163 = arith.constant 0 : i32
      %dma_start3A_164 = tpu.memref_slice %arg7[%dma_start3A_162, %dma_start3A_163] : memref<320x128xf32, #tpu.memory_space<vmem>> -> memref<80x128xf32, #tpu.memory_space<vmem>>
      %dma_start3A_165 = arith.constant 0 : i32
      %dma_start3A_166 = tpu.memref_slice %arg8[%add3A_85, %dma_start3A_165] : memref<10112x128xf32, #tpu.memory_space<vmem_shared>> -> memref<80x128xf32, #tpu.memory_space<vmem_shared>>
      %dma_start3A_167 = arith.constant 0 : i32
      %dma_start3A_168 = tpu.memref_slice %arg8[%add3A_85, %dma_start3A_167] : memref<10112x128xf32, #tpu.memory_space<vmem_shared>> -> memref<80x128xf32, #tpu.memory_space<vmem_shared>>
      %dma_start3A_169 = arith.constant 0 : i32
      %dma_start3A_170 = arith.constant 0 : i32
      %dma_start3A_171 = tpu.memref_slice %arg7[%dma_start3A_169, %dma_start3A_170] : memref<320x128xf32, #tpu.memory_space<vmem>> -> memref<80x128xf32, #tpu.memory_space<vmem>>
      tpu.enqueue_dma source(%dma_start3A_171 : memref<80x128xf32, #tpu.memory_space<vmem>>) target(%dma_start3A_168 : memref<80x128xf32, #tpu.memory_space<vmem_shared>>) target_semaphore(%run_scoped3A_161 : memref<!tpu.dma_semaphore, #tpu.memory_space<semaphore_mem>>)
      %dma_wait3A_172 = arith.constant 0 : i32
      %dma_wait3A_173 = arith.constant 0 : i32
      %dma_wait3A_174 = tpu.memref_slice %arg7[%dma_wait3A_172, %dma_wait3A_173] : memref<320x128xf32, #tpu.memory_space<vmem>> -> memref<80x128xf32, #tpu.memory_space<vmem>>
      %dma_wait3A_175 = arith.constant 0 : i32
      %dma_wait3A_176 = tpu.memref_slice %arg8[%add3A_85, %dma_wait3A_175] : memref<10112x128xf32, #tpu.memory_space<vmem_shared>> -> memref<80x128xf32, #tpu.memory_space<vmem_shared>>
      %dma_wait3A_177 = arith.constant 0 : i32
      %dma_wait3A_178 = tpu.memref_slice %arg8[%add3A_85, %dma_wait3A_177] : memref<10112x128xf32, #tpu.memory_space<vmem_shared>> -> memref<80x128xf32, #tpu.memory_space<vmem_shared>>
      %dma_wait3A_179 = arith.constant 0 : i32
      %dma_wait3A_180 = arith.constant 0 : i32
      %dma_wait3A_181 = tpu.memref_slice %arg7[%dma_wait3A_179, %dma_wait3A_180] : memref<320x128xf32, #tpu.memory_space<vmem>> -> memref<80x128xf32, #tpu.memory_space<vmem>>
      tpu.wait_dma2 semaphore(%run_scoped3A_161 : memref<!tpu.dma_semaphore, #tpu.memory_space<semaphore_mem>>) src(%dma_wait3A_181 : memref<80x128xf32, #tpu.memory_space<vmem>>) dst(%dma_wait3A_178 : memref<80x128xf32, #tpu.memory_space<vmem_shared>>)
      tpu.yield
    }) : () -> ()
    %mul3A_86 = arith.constant 632 : i32
    %mul3A_87 = arith.muli %arg1, %mul3A_86 : i32
    %add3A_88 = arith.constant 320 : i32
    %add3A_89 = arith.addi %mul3A_87, %add3A_88 : i32
    "tpu.region"() ({
      %run_scoped3A_161 = tpu.sem_alloc : memref<!tpu.dma_semaphore, #tpu.memory_space<semaphore_mem>>
      %dma_start3A_162 = arith.constant 0 : i32
      %dma_start3A_163 = arith.constant 0 : i32
      %dma_start3A_164 = tpu.memref_slice %arg7[%dma_start3A_162, %dma_start3A_163] : memref<320x128xf32, #tpu.memory_space<vmem>> -> memref<80x128xf32, #tpu.memory_space<vmem>>
      %dma_start3A_165 = arith.constant 0 : i32
      %dma_start3A_166 = tpu.memref_slice %arg8[%add3A_89, %dma_start3A_165] : memref<10112x128xf32, #tpu.memory_space<vmem_shared>> -> memref<80x128xf32, #tpu.memory_space<vmem_shared>>
      %dma_start3A_167 = arith.constant 0 : i32
      %dma_start3A_168 = tpu.memref_slice %arg8[%add3A_89, %dma_start3A_167] : memref<10112x128xf32, #tpu.memory_space<vmem_shared>> -> memref<80x128xf32, #tpu.memory_space<vmem_shared>>
      %dma_start3A_169 = arith.constant 0 : i32
      %dma_start3A_170 = arith.constant 0 : i32
      %dma_start3A_171 = tpu.memref_slice %arg7[%dma_start3A_169, %dma_start3A_170] : memref<320x128xf32, #tpu.memory_space<vmem>> -> memref<80x128xf32, #tpu.memory_space<vmem>>
      tpu.enqueue_dma source(%dma_start3A_171 : memref<80x128xf32, #tpu.memory_space<vmem>>) target(%dma_start3A_168 : memref<80x128xf32, #tpu.memory_space<vmem_shared>>) target_semaphore(%run_scoped3A_161 : memref<!tpu.dma_semaphore, #tpu.memory_space<semaphore_mem>>)
      %dma_wait3A_172 = arith.constant 0 : i32
      %dma_wait3A_173 = arith.constant 0 : i32
      %dma_wait3A_174 = tpu.memref_slice %arg7[%dma_wait3A_172, %dma_wait3A_173] : memref<320x128xf32, #tpu.memory_space<vmem>> -> memref<80x128xf32, #tpu.memory_space<vmem>>
      %dma_wait3A_175 = arith.constant 0 : i32
      %dma_wait3A_176 = tpu.memref_slice %arg8[%add3A_89, %dma_wait3A_175] : memref<10112x128xf32, #tpu.memory_space<vmem_shared>> -> memref<80x128xf32, #tpu.memory_space<vmem_shared>>
      %dma_wait3A_177 = arith.constant 0 : i32
      %dma_wait3A_178 = tpu.memref_slice %arg8[%add3A_89, %dma_wait3A_177] : memref<10112x128xf32, #tpu.memory_space<vmem_shared>> -> memref<80x128xf32, #tpu.memory_space<vmem_shared>>
      %dma_wait3A_179 = arith.constant 0 : i32
      %dma_wait3A_180 = arith.constant 0 : i32
      %dma_wait3A_181 = tpu.memref_slice %arg7[%dma_wait3A_179, %dma_wait3A_180] : memref<320x128xf32, #tpu.memory_space<vmem>> -> memref<80x128xf32, #tpu.memory_space<vmem>>
      tpu.wait_dma2 semaphore(%run_scoped3A_161 : memref<!tpu.dma_semaphore, #tpu.memory_space<semaphore_mem>>) src(%dma_wait3A_181 : memref<80x128xf32, #tpu.memory_space<vmem>>) dst(%dma_wait3A_178 : memref<80x128xf32, #tpu.memory_space<vmem_shared>>)
      tpu.yield
    }) : () -> ()
    %mul3A_90 = arith.constant 632 : i32
    %mul3A_91 = arith.muli %arg1, %mul3A_90 : i32
    %add3A_92 = arith.constant 400 : i32
    %add3A_93 = arith.addi %mul3A_91, %add3A_92 : i32
    "tpu.region"() ({
      %run_scoped3A_161 = tpu.sem_alloc : memref<!tpu.dma_semaphore, #tpu.memory_space<semaphore_mem>>
      %dma_start3A_162 = arith.constant 0 : i32
      %dma_start3A_163 = arith.constant 0 : i32
      %dma_start3A_164 = tpu.memref_slice %arg7[%dma_start3A_162, %dma_start3A_163] : memref<320x128xf32, #tpu.memory_space<vmem>> -> memref<80x128xf32, #tpu.memory_space<vmem>>
      %dma_start3A_165 = arith.constant 0 : i32
      %dma_start3A_166 = tpu.memref_slice %arg8[%add3A_93, %dma_start3A_165] : memref<10112x128xf32, #tpu.memory_space<vmem_shared>> -> memref<80x128xf32, #tpu.memory_space<vmem_shared>>
      %dma_start3A_167 = arith.constant 0 : i32
      %dma_start3A_168 = tpu.memref_slice %arg8[%add3A_93, %dma_start3A_167] : memref<10112x128xf32, #tpu.memory_space<vmem_shared>> -> memref<80x128xf32, #tpu.memory_space<vmem_shared>>
      %dma_start3A_169 = arith.constant 0 : i32
      %dma_start3A_170 = arith.constant 0 : i32
      %dma_start3A_171 = tpu.memref_slice %arg7[%dma_start3A_169, %dma_start3A_170] : memref<320x128xf32, #tpu.memory_space<vmem>> -> memref<80x128xf32, #tpu.memory_space<vmem>>
      tpu.enqueue_dma source(%dma_start3A_171 : memref<80x128xf32, #tpu.memory_space<vmem>>) target(%dma_start3A_168 : memref<80x128xf32, #tpu.memory_space<vmem_shared>>) target_semaphore(%run_scoped3A_161 : memref<!tpu.dma_semaphore, #tpu.memory_space<semaphore_mem>>)
      %dma_wait3A_172 = arith.constant 0 : i32
      %dma_wait3A_173 = arith.constant 0 : i32
      %dma_wait3A_174 = tpu.memref_slice %arg7[%dma_wait3A_172, %dma_wait3A_173] : memref<320x128xf32, #tpu.memory_space<vmem>> -> memref<80x128xf32, #tpu.memory_space<vmem>>
      %dma_wait3A_175 = arith.constant 0 : i32
      %dma_wait3A_176 = tpu.memref_slice %arg8[%add3A_93, %dma_wait3A_175] : memref<10112x128xf32, #tpu.memory_space<vmem_shared>> -> memref<80x128xf32, #tpu.memory_space<vmem_shared>>
      %dma_wait3A_177 = arith.constant 0 : i32
      %dma_wait3A_178 = tpu.memref_slice %arg8[%add3A_93, %dma_wait3A_177] : memref<10112x128xf32, #tpu.memory_space<vmem_shared>> -> memref<80x128xf32, #tpu.memory_space<vmem_shared>>
      %dma_wait3A_179 = arith.constant 0 : i32
      %dma_wait3A_180 = arith.constant 0 : i32
      %dma_wait3A_181 = tpu.memref_slice %arg7[%dma_wait3A_179, %dma_wait3A_180] : memref<320x128xf32, #tpu.memory_space<vmem>> -> memref<80x128xf32, #tpu.memory_space<vmem>>
      tpu.wait_dma2 semaphore(%run_scoped3A_161 : memref<!tpu.dma_semaphore, #tpu.memory_space<semaphore_mem>>) src(%dma_wait3A_181 : memref<80x128xf32, #tpu.memory_space<vmem>>) dst(%dma_wait3A_178 : memref<80x128xf32, #tpu.memory_space<vmem_shared>>)
      tpu.yield
    }) : () -> ()
    %mul3A_94 = arith.constant 632 : i32
    %mul3A_95 = arith.muli %arg1, %mul3A_94 : i32
    %add3A_96 = arith.constant 480 : i32
    %add3A_97 = arith.addi %mul3A_95, %add3A_96 : i32
    "tpu.region"() ({
      %run_scoped3A_161 = tpu.sem_alloc : memref<!tpu.dma_semaphore, #tpu.memory_space<semaphore_mem>>
      %dma_start3A_162 = arith.constant 0 : i32
      %dma_start3A_163 = arith.constant 0 : i32
      %dma_start3A_164 = tpu.memref_slice %arg7[%dma_start3A_162, %dma_start3A_163] : memref<320x128xf32, #tpu.memory_space<vmem>> -> memref<80x128xf32, #tpu.memory_space<vmem>>
      %dma_start3A_165 = arith.constant 0 : i32
      %dma_start3A_166 = tpu.memref_slice %arg8[%add3A_97, %dma_start3A_165] : memref<10112x128xf32, #tpu.memory_space<vmem_shared>> -> memref<80x128xf32, #tpu.memory_space<vmem_shared>>
      %dma_start3A_167 = arith.constant 0 : i32
      %dma_start3A_168 = tpu.memref_slice %arg8[%add3A_97, %dma_start3A_167] : memref<10112x128xf32, #tpu.memory_space<vmem_shared>> -> memref<80x128xf32, #tpu.memory_space<vmem_shared>>
      %dma_start3A_169 = arith.constant 0 : i32
      %dma_start3A_170 = arith.constant 0 : i32
      %dma_start3A_171 = tpu.memref_slice %arg7[%dma_start3A_169, %dma_start3A_170] : memref<320x128xf32, #tpu.memory_space<vmem>> -> memref<80x128xf32, #tpu.memory_space<vmem>>
      tpu.enqueue_dma source(%dma_start3A_171 : memref<80x128xf32, #tpu.memory_space<vmem>>) target(%dma_start3A_168 : memref<80x128xf32, #tpu.memory_space<vmem_shared>>) target_semaphore(%run_scoped3A_161 : memref<!tpu.dma_semaphore, #tpu.memory_space<semaphore_mem>>)
      %dma_wait3A_172 = arith.constant 0 : i32
      %dma_wait3A_173 = arith.constant 0 : i32
      %dma_wait3A_174 = tpu.memref_slice %arg7[%dma_wait3A_172, %dma_wait3A_173] : memref<320x128xf32, #tpu.memory_space<vmem>> -> memref<80x128xf32, #tpu.memory_space<vmem>>
      %dma_wait3A_175 = arith.constant 0 : i32
      %dma_wait3A_176 = tpu.memref_slice %arg8[%add3A_97, %dma_wait3A_175] : memref<10112x128xf32, #tpu.memory_space<vmem_shared>> -> memref<80x128xf32, #tpu.memory_space<vmem_shared>>
      %dma_wait3A_177 = arith.constant 0 : i32
      %dma_wait3A_178 = tpu.memref_slice %arg8[%add3A_97, %dma_wait3A_177] : memref<10112x128xf32, #tpu.memory_space<vmem_shared>> -> memref<80x128xf32, #tpu.memory_space<vmem_shared>>
      %dma_wait3A_179 = arith.constant 0 : i32
      %dma_wait3A_180 = arith.constant 0 : i32
      %dma_wait3A_181 = tpu.memref_slice %arg7[%dma_wait3A_179, %dma_wait3A_180] : memref<320x128xf32, #tpu.memory_space<vmem>> -> memref<80x128xf32, #tpu.memory_space<vmem>>
      tpu.wait_dma2 semaphore(%run_scoped3A_161 : memref<!tpu.dma_semaphore, #tpu.memory_space<semaphore_mem>>) src(%dma_wait3A_181 : memref<80x128xf32, #tpu.memory_space<vmem>>) dst(%dma_wait3A_178 : memref<80x128xf32, #tpu.memory_space<vmem_shared>>)
      tpu.yield
    }) : () -> ()
    %mul3A_98 = arith.constant 632 : i32
    %mul3A_99 = arith.muli %arg1, %mul3A_98 : i32
    %add3A_100 = arith.constant 560 : i32
    %add3A_101 = arith.addi %mul3A_99, %add3A_100 : i32
    "tpu.region"() ({
      %run_scoped3A_161 = tpu.sem_alloc : memref<!tpu.dma_semaphore, #tpu.memory_space<semaphore_mem>>
      %dma_start3A_162 = arith.constant 0 : i32
      %dma_start3A_163 = arith.constant 0 : i32
      %dma_start3A_164 = tpu.memref_slice %arg7[%dma_start3A_162, %dma_start3A_163] : memref<320x128xf32, #tpu.memory_space<vmem>> -> memref<72x128xf32, #tpu.memory_space<vmem>>
      %dma_start3A_165 = arith.constant 0 : i32
      %dma_start3A_166 = tpu.memref_slice %arg8[%add3A_101, %dma_start3A_165] : memref<10112x128xf32, #tpu.memory_space<vmem_shared>> -> memref<72x128xf32, #tpu.memory_space<vmem_shared>>
      %dma_start3A_167 = arith.constant 0 : i32
      %dma_start3A_168 = tpu.memref_slice %arg8[%add3A_101, %dma_start3A_167] : memref<10112x128xf32, #tpu.memory_space<vmem_shared>> -> memref<72x128xf32, #tpu.memory_space<vmem_shared>>
      %dma_start3A_169 = arith.constant 0 : i32
      %dma_start3A_170 = arith.constant 0 : i32
      %dma_start3A_171 = tpu.memref_slice %arg7[%dma_start3A_169, %dma_start3A_170] : memref<320x128xf32, #tpu.memory_space<vmem>> -> memref<72x128xf32, #tpu.memory_space<vmem>>
      tpu.enqueue_dma source(%dma_start3A_171 : memref<72x128xf32, #tpu.memory_space<vmem>>) target(%dma_start3A_168 : memref<72x128xf32, #tpu.memory_space<vmem_shared>>) target_semaphore(%run_scoped3A_161 : memref<!tpu.dma_semaphore, #tpu.memory_space<semaphore_mem>>)
      %dma_wait3A_172 = arith.constant 0 : i32
      %dma_wait3A_173 = arith.constant 0 : i32
      %dma_wait3A_174 = tpu.memref_slice %arg7[%dma_wait3A_172, %dma_wait3A_173] : memref<320x128xf32, #tpu.memory_space<vmem>> -> memref<72x128xf32, #tpu.memory_space<vmem>>
      %dma_wait3A_175 = arith.constant 0 : i32
      %dma_wait3A_176 = tpu.memref_slice %arg8[%add3A_101, %dma_wait3A_175] : memref<10112x128xf32, #tpu.memory_space<vmem_shared>> -> memref<72x128xf32, #tpu.memory_space<vmem_shared>>
      %dma_wait3A_177 = arith.constant 0 : i32
      %dma_wait3A_178 = tpu.memref_slice %arg8[%add3A_101, %dma_wait3A_177] : memref<10112x128xf32, #tpu.memory_space<vmem_shared>> -> memref<72x128xf32, #tpu.memory_space<vmem_shared>>
      %dma_wait3A_179 = arith.constant 0 : i32
      %dma_wait3A_180 = arith.constant 0 : i32
      %dma_wait3A_181 = tpu.memref_slice %arg7[%dma_wait3A_179, %dma_wait3A_180] : memref<320x128xf32, #tpu.memory_space<vmem>> -> memref<72x128xf32, #tpu.memory_space<vmem>>
      tpu.wait_dma2 semaphore(%run_scoped3A_161 : memref<!tpu.dma_semaphore, #tpu.memory_space<semaphore_mem>>) src(%dma_wait3A_181 : memref<72x128xf32, #tpu.memory_space<vmem>>) dst(%dma_wait3A_178 : memref<72x128xf32, #tpu.memory_space<vmem_shared>>)
      tpu.yield
    }) : () -> ()
    %barrier3A = arith.constant 0 : index
    tpu.barrier barrier_id(%barrier3A)
    %scan3A_102 = arith.constant 0 : i32
    %scan3A_103 = arith.constant 0 : i32
    %scan3A_104 = arith.constant 31 : i32
    %scan3A_105 = arith.addi %scan3A_103, %scan3A_104 : i32
    %scan3A_106 = arith.constant 1 : i32
    scf.for %scan3A_161 = %scan3A_103 to %scan3A_105 step %scan3A_106  : i32 {
      %rem3A = arith.constant 2 : i32
      %rem3A_162 = arith.remsi %scan3A_161, %rem3A : i32
      %gt3A = arith.constant 0 : i32
      %gt3A_163 = arith.cmpi sgt, %scan3A_161, %gt3A : i32
      %convert_element_type3A = arith.extui %gt3A_163 : i1 to i32
      %cond3A = arith.constant 0 : i32
      %cond3A_164 = arith.cmpi ne, %convert_element_type3A, %cond3A : i32
      scf.if %cond3A_164 {
        %dma_wait3A_300 = arith.constant 0 : i32
        %dma_wait3A_301 = arith.constant 0 : i32
        %dma_wait3A_302 = tpu.memref_slice %arg2[%dma_wait3A_300, %dma_wait3A_301] : memref<10000x128xf32, #tpu.memory_space<hbm>> -> memref<320x128xf32, #tpu.memory_space<hbm>>
        %dma_wait3A_303 = arith.constant 0 : i32
        %dma_wait3A_304 = arith.constant 0 : i32
        %dma_wait3A_305 = tpu.memref_slice %arg2[%dma_wait3A_303, %dma_wait3A_304] : memref<10000x128xf32, #tpu.memory_space<hbm>> -> memref<320x128xf32, #tpu.memory_space<hbm>>
        tpu.wait_dma2 semaphore(%arg12 : memref<!tpu.dma_semaphore, #tpu.memory_space<semaphore_mem>>) src(%dma_wait3A_305 : memref<320x128xf32, #tpu.memory_space<hbm>>) dst(%arg7 : memref<320x128xf32, #tpu.memory_space<vmem>>)
      } else {
      }
      %add3A_165 = arith.constant 1 : i32
      %add3A_166 = arith.addi %scan3A_161, %add3A_165 : i32
      %lt3A = arith.constant 31 : i32
      %lt3A_167 = arith.cmpi slt, %add3A_166, %lt3A : i32
      %convert_element_type3A_168 = arith.extui %lt3A_167 : i1 to i32
      %cond3A_169 = arith.constant 0 : i32
      %cond3A_170 = arith.cmpi ne, %convert_element_type3A_168, %cond3A_169 : i32
      scf.if %cond3A_170 {
        %add3A_300 = arith.constant 1 : i32
        %add3A_301 = arith.addi %scan3A_161, %add3A_300 : i32
        %mul3A_302 = arith.constant 4 : i32
        %mul3A_303 = arith.muli %add3A_301, %mul3A_302 : i32
        %mul3A_304 = arith.constant 80 : i32
        %mul3A_305 = arith.muli %mul3A_303, %mul3A_304 : i32
        %add3A_306 = arith.addi %mul3A_2, %mul3A_305 : i32
        %eq3A_307 = arith.constant 0 : i32
        %eq3A_308 = arith.cmpi eq, %rem3A_162, %eq3A_307 : i32
        %convert_element_type3A_309 = arith.extui %eq3A_308 : i1 to i32
        %cond3A_310 = arith.constant 0 : i32
        %cond3A_311 = arith.cmpi ne, %convert_element_type3A_309, %cond3A_310 : i32
        scf.if %cond3A_311 {
          %dma_start3A_317 = arith.constant 320 : i32
          %dma_start3A_318 = tpu.memref_slice %arg5[%dma_start3A_317] : memref<640xi32, #tpu.memory_space<vmem>> -> memref<320xi32, #tpu.memory_space<vmem>>
          %dma_start3A_319 = tpu.memref_slice %arg3[%add3A_306] : memref<640000xi32, #tpu.memory_space<hbm>> -> memref<320xi32, #tpu.memory_space<hbm>>
          %dma_start3A_320 = arith.constant 320 : i32
          %dma_start3A_321 = tpu.memref_slice %arg5[%dma_start3A_320] : memref<640xi32, #tpu.memory_space<vmem>> -> memref<320xi32, #tpu.memory_space<vmem>>
          %dma_start3A_322 = tpu.memref_slice %arg3[%add3A_306] : memref<640000xi32, #tpu.memory_space<hbm>> -> memref<320xi32, #tpu.memory_space<hbm>>
          tpu.enqueue_dma source(%dma_start3A_322 : memref<320xi32, #tpu.memory_space<hbm>>) target(%dma_start3A_321 : memref<320xi32, #tpu.memory_space<vmem>>) target_semaphore(%arg10 : memref<!tpu.dma_semaphore, #tpu.memory_space<semaphore_mem>>)
          %add3A_323 = arith.constant 320000 : i32
          %add3A_324 = arith.addi %add3A_323, %add3A_306 : i32
          %add3A_325 = arith.constant 0 : i32
          %add3A_326 = arith.addi %add3A_324, %add3A_325 : i32
          %dma_start3A_327 = arith.constant 1 : i32
          %dma_start3A_328 = arith.constant 0 : i32
          %dma_start3A_329 = arith.constant 0 : i32
          %dma_start3A_330 = tpu.memref_slice %arg6[%dma_start3A_327, %dma_start3A_328, %dma_start3A_329] : memref<2x4x80xi32, #tpu.memory_space<vmem>> -> memref<1x1x80xi32, #tpu.memory_space<vmem>>
          %dma_start3A_331 = tpu.memref_squeeze %dma_start3A_330 : memref<1x1x80xi32, #tpu.memory_space<vmem>> -> memref<80xi32, #tpu.memory_space<vmem>>
          %dma_start3A_332 = tpu.memref_slice %arg3[%add3A_326] : memref<640000xi32, #tpu.memory_space<hbm>> -> memref<80xi32, #tpu.memory_space<hbm>>
          %dma_start3A_333 = arith.constant 0 : i32
          %dma_start3A_334 = tpu.memref_slice %arg6[%dma_start3A_327, %dma_start3A_328, %dma_start3A_333] : memref<2x4x80xi32, #tpu.memory_space<vmem>> -> memref<1x1x80xi32, #tpu.memory_space<vmem>>
          %dma_start3A_335 = tpu.memref_squeeze %dma_start3A_334 : memref<1x1x80xi32, #tpu.memory_space<vmem>> -> memref<80xi32, #tpu.memory_space<vmem>>
          %dma_start3A_336 = tpu.memref_slice %arg3[%add3A_326] : memref<640000xi32, #tpu.memory_space<hbm>> -> memref<80xi32, #tpu.memory_space<hbm>>
          tpu.enqueue_dma source(%dma_start3A_336 : memref<80xi32, #tpu.memory_space<hbm>>) target(%dma_start3A_335 : memref<80xi32, #tpu.memory_space<vmem>>) target_semaphore(%arg10 : memref<!tpu.dma_semaphore, #tpu.memory_space<semaphore_mem>>)
          %add3A_337 = arith.constant 320000 : i32
          %add3A_338 = arith.addi %add3A_337, %add3A_306 : i32
          %add3A_339 = arith.constant 80 : i32
          %add3A_340 = arith.addi %add3A_338, %add3A_339 : i32
          %dma_start3A_341 = arith.constant 1 : i32
          %dma_start3A_342 = arith.constant 1 : i32
          %dma_start3A_343 = arith.constant 0 : i32
          %dma_start3A_344 = tpu.memref_slice %arg6[%dma_start3A_341, %dma_start3A_342, %dma_start3A_343] : memref<2x4x80xi32, #tpu.memory_space<vmem>> -> memref<1x1x80xi32, #tpu.memory_space<vmem>>
          %dma_start3A_345 = tpu.memref_squeeze %dma_start3A_344 : memref<1x1x80xi32, #tpu.memory_space<vmem>> -> memref<80xi32, #tpu.memory_space<vmem>>
          %dma_start3A_346 = tpu.memref_slice %arg3[%add3A_340] : memref<640000xi32, #tpu.memory_space<hbm>> -> memref<80xi32, #tpu.memory_space<hbm>>
          %dma_start3A_347 = arith.constant 0 : i32
          %dma_start3A_348 = tpu.memref_slice %arg6[%dma_start3A_341, %dma_start3A_342, %dma_start3A_347] : memref<2x4x80xi32, #tpu.memory_space<vmem>> -> memref<1x1x80xi32, #tpu.memory_space<vmem>>
          %dma_start3A_349 = tpu.memref_squeeze %dma_start3A_348 : memref<1x1x80xi32, #tpu.memory_space<vmem>> -> memref<80xi32, #tpu.memory_space<vmem>>
          %dma_start3A_350 = tpu.memref_slice %arg3[%add3A_340] : memref<640000xi32, #tpu.memory_space<hbm>> -> memref<80xi32, #tpu.memory_space<hbm>>
          tpu.enqueue_dma source(%dma_start3A_350 : memref<80xi32, #tpu.memory_space<hbm>>) target(%dma_start3A_349 : memref<80xi32, #tpu.memory_space<vmem>>) target_semaphore(%arg10 : memref<!tpu.dma_semaphore, #tpu.memory_space<semaphore_mem>>)
          %add3A_351 = arith.constant 320000 : i32
          %add3A_352 = arith.addi %add3A_351, %add3A_306 : i32
          %add3A_353 = arith.constant 160 : i32
          %add3A_354 = arith.addi %add3A_352, %add3A_353 : i32
          %dma_start3A_355 = arith.constant 1 : i32
          %dma_start3A_356 = arith.constant 2 : i32
          %dma_start3A_357 = arith.constant 0 : i32
          %dma_start3A_358 = tpu.memref_slice %arg6[%dma_start3A_355, %dma_start3A_356, %dma_start3A_357] : memref<2x4x80xi32, #tpu.memory_space<vmem>> -> memref<1x1x80xi32, #tpu.memory_space<vmem>>
          %dma_start3A_359 = tpu.memref_squeeze %dma_start3A_358 : memref<1x1x80xi32, #tpu.memory_space<vmem>> -> memref<80xi32, #tpu.memory_space<vmem>>
          %dma_start3A_360 = tpu.memref_slice %arg3[%add3A_354] : memref<640000xi32, #tpu.memory_space<hbm>> -> memref<80xi32, #tpu.memory_space<hbm>>
          %dma_start3A_361 = arith.constant 0 : i32
          %dma_start3A_362 = tpu.memref_slice %arg6[%dma_start3A_355, %dma_start3A_356, %dma_start3A_361] : memref<2x4x80xi32, #tpu.memory_space<vmem>> -> memref<1x1x80xi32, #tpu.memory_space<vmem>>
          %dma_start3A_363 = tpu.memref_squeeze %dma_start3A_362 : memref<1x1x80xi32, #tpu.memory_space<vmem>> -> memref<80xi32, #tpu.memory_space<vmem>>
          %dma_start3A_364 = tpu.memref_slice %arg3[%add3A_354] : memref<640000xi32, #tpu.memory_space<hbm>> -> memref<80xi32, #tpu.memory_space<hbm>>
          tpu.enqueue_dma source(%dma_start3A_364 : memref<80xi32, #tpu.memory_space<hbm>>) target(%dma_start3A_363 : memref<80xi32, #tpu.memory_space<vmem>>) target_semaphore(%arg10 : memref<!tpu.dma_semaphore, #tpu.memory_space<semaphore_mem>>)
          %add3A_365 = arith.constant 320000 : i32
          %add3A_366 = arith.addi %add3A_365, %add3A_306 : i32
          %add3A_367 = arith.constant 240 : i32
          %add3A_368 = arith.addi %add3A_366, %add3A_367 : i32
          %dma_start3A_369 = arith.constant 1 : i32
          %dma_start3A_370 = arith.constant 3 : i32
          %dma_start3A_371 = arith.constant 0 : i32
          %dma_start3A_372 = tpu.memref_slice %arg6[%dma_start3A_369, %dma_start3A_370, %dma_start3A_371] : memref<2x4x80xi32, #tpu.memory_space<vmem>> -> memref<1x1x80xi32, #tpu.memory_space<vmem>>
          %dma_start3A_373 = tpu.memref_squeeze %dma_start3A_372 : memref<1x1x80xi32, #tpu.memory_space<vmem>> -> memref<80xi32, #tpu.memory_space<vmem>>
          %dma_start3A_374 = tpu.memref_slice %arg3[%add3A_368] : memref<640000xi32, #tpu.memory_space<hbm>> -> memref<80xi32, #tpu.memory_space<hbm>>
          %dma_start3A_375 = arith.constant 0 : i32
          %dma_start3A_376 = tpu.memref_slice %arg6[%dma_start3A_369, %dma_start3A_370, %dma_start3A_375] : memref<2x4x80xi32, #tpu.memory_space<vmem>> -> memref<1x1x80xi32, #tpu.memory_space<vmem>>
          %dma_start3A_377 = tpu.memref_squeeze %dma_start3A_376 : memref<1x1x80xi32, #tpu.memory_space<vmem>> -> memref<80xi32, #tpu.memory_space<vmem>>
          %dma_start3A_378 = tpu.memref_slice %arg3[%add3A_368] : memref<640000xi32, #tpu.memory_space<hbm>> -> memref<80xi32, #tpu.memory_space<hbm>>
          tpu.enqueue_dma source(%dma_start3A_378 : memref<80xi32, #tpu.memory_space<hbm>>) target(%dma_start3A_377 : memref<80xi32, #tpu.memory_space<vmem>>) target_semaphore(%arg10 : memref<!tpu.dma_semaphore, #tpu.memory_space<semaphore_mem>>)
        } else {
        }
        %eq3A_312 = arith.constant 1 : i32
        %eq3A_313 = arith.cmpi eq, %rem3A_162, %eq3A_312 : i32
        %convert_element_type3A_314 = arith.extui %eq3A_313 : i1 to i32
        %cond3A_315 = arith.constant 0 : i32
        %cond3A_316 = arith.cmpi ne, %convert_element_type3A_314, %cond3A_315 : i32
        scf.if %cond3A_316 {
          %dma_start3A_317 = arith.constant 0 : i32
          %dma_start3A_318 = tpu.memref_slice %arg5[%dma_start3A_317] : memref<640xi32, #tpu.memory_space<vmem>> -> memref<320xi32, #tpu.memory_space<vmem>>
          %dma_start3A_319 = tpu.memref_slice %arg3[%add3A_306] : memref<640000xi32, #tpu.memory_space<hbm>> -> memref<320xi32, #tpu.memory_space<hbm>>
          %dma_start3A_320 = arith.constant 0 : i32
          %dma_start3A_321 = tpu.memref_slice %arg5[%dma_start3A_320] : memref<640xi32, #tpu.memory_space<vmem>> -> memref<320xi32, #tpu.memory_space<vmem>>
          %dma_start3A_322 = tpu.memref_slice %arg3[%add3A_306] : memref<640000xi32, #tpu.memory_space<hbm>> -> memref<320xi32, #tpu.memory_space<hbm>>
          tpu.enqueue_dma source(%dma_start3A_322 : memref<320xi32, #tpu.memory_space<hbm>>) target(%dma_start3A_321 : memref<320xi32, #tpu.memory_space<vmem>>) target_semaphore(%arg9 : memref<!tpu.dma_semaphore, #tpu.memory_space<semaphore_mem>>)
          %add3A_323 = arith.constant 320000 : i32
          %add3A_324 = arith.addi %add3A_323, %add3A_306 : i32
          %add3A_325 = arith.constant 0 : i32
          %add3A_326 = arith.addi %add3A_324, %add3A_325 : i32
          %dma_start3A_327 = arith.constant 0 : i32
          %dma_start3A_328 = arith.constant 0 : i32
          %dma_start3A_329 = arith.constant 0 : i32
          %dma_start3A_330 = tpu.memref_slice %arg6[%dma_start3A_327, %dma_start3A_328, %dma_start3A_329] : memref<2x4x80xi32, #tpu.memory_space<vmem>> -> memref<1x1x80xi32, #tpu.memory_space<vmem>>
          %dma_start3A_331 = tpu.memref_squeeze %dma_start3A_330 : memref<1x1x80xi32, #tpu.memory_space<vmem>> -> memref<80xi32, #tpu.memory_space<vmem>>
          %dma_start3A_332 = tpu.memref_slice %arg3[%add3A_326] : memref<640000xi32, #tpu.memory_space<hbm>> -> memref<80xi32, #tpu.memory_space<hbm>>
          %dma_start3A_333 = arith.constant 0 : i32
          %dma_start3A_334 = tpu.memref_slice %arg6[%dma_start3A_327, %dma_start3A_328, %dma_start3A_333] : memref<2x4x80xi32, #tpu.memory_space<vmem>> -> memref<1x1x80xi32, #tpu.memory_space<vmem>>
          %dma_start3A_335 = tpu.memref_squeeze %dma_start3A_334 : memref<1x1x80xi32, #tpu.memory_space<vmem>> -> memref<80xi32, #tpu.memory_space<vmem>>
          %dma_start3A_336 = tpu.memref_slice %arg3[%add3A_326] : memref<640000xi32, #tpu.memory_space<hbm>> -> memref<80xi32, #tpu.memory_space<hbm>>
          tpu.enqueue_dma source(%dma_start3A_336 : memref<80xi32, #tpu.memory_space<hbm>>) target(%dma_start3A_335 : memref<80xi32, #tpu.memory_space<vmem>>) target_semaphore(%arg9 : memref<!tpu.dma_semaphore, #tpu.memory_space<semaphore_mem>>)
          %add3A_337 = arith.constant 320000 : i32
          %add3A_338 = arith.addi %add3A_337, %add3A_306 : i32
          %add3A_339 = arith.constant 80 : i32
          %add3A_340 = arith.addi %add3A_338, %add3A_339 : i32
          %dma_start3A_341 = arith.constant 0 : i32
          %dma_start3A_342 = arith.constant 1 : i32
          %dma_start3A_343 = arith.constant 0 : i32
          %dma_start3A_344 = tpu.memref_slice %arg6[%dma_start3A_341, %dma_start3A_342, %dma_start3A_343] : memref<2x4x80xi32, #tpu.memory_space<vmem>> -> memref<1x1x80xi32, #tpu.memory_space<vmem>>
          %dma_start3A_345 = tpu.memref_squeeze %dma_start3A_344 : memref<1x1x80xi32, #tpu.memory_space<vmem>> -> memref<80xi32, #tpu.memory_space<vmem>>
          %dma_start3A_346 = tpu.memref_slice %arg3[%add3A_340] : memref<640000xi32, #tpu.memory_space<hbm>> -> memref<80xi32, #tpu.memory_space<hbm>>
          %dma_start3A_347 = arith.constant 0 : i32
          %dma_start3A_348 = tpu.memref_slice %arg6[%dma_start3A_341, %dma_start3A_342, %dma_start3A_347] : memref<2x4x80xi32, #tpu.memory_space<vmem>> -> memref<1x1x80xi32, #tpu.memory_space<vmem>>
          %dma_start3A_349 = tpu.memref_squeeze %dma_start3A_348 : memref<1x1x80xi32, #tpu.memory_space<vmem>> -> memref<80xi32, #tpu.memory_space<vmem>>
          %dma_start3A_350 = tpu.memref_slice %arg3[%add3A_340] : memref<640000xi32, #tpu.memory_space<hbm>> -> memref<80xi32, #tpu.memory_space<hbm>>
          tpu.enqueue_dma source(%dma_start3A_350 : memref<80xi32, #tpu.memory_space<hbm>>) target(%dma_start3A_349 : memref<80xi32, #tpu.memory_space<vmem>>) target_semaphore(%arg9 : memref<!tpu.dma_semaphore, #tpu.memory_space<semaphore_mem>>)
          %add3A_351 = arith.constant 320000 : i32
          %add3A_352 = arith.addi %add3A_351, %add3A_306 : i32
          %add3A_353 = arith.constant 160 : i32
          %add3A_354 = arith.addi %add3A_352, %add3A_353 : i32
          %dma_start3A_355 = arith.constant 0 : i32
          %dma_start3A_356 = arith.constant 2 : i32
          %dma_start3A_357 = arith.constant 0 : i32
          %dma_start3A_358 = tpu.memref_slice %arg6[%dma_start3A_355, %dma_start3A_356, %dma_start3A_357] : memref<2x4x80xi32, #tpu.memory_space<vmem>> -> memref<1x1x80xi32, #tpu.memory_space<vmem>>
          %dma_start3A_359 = tpu.memref_squeeze %dma_start3A_358 : memref<1x1x80xi32, #tpu.memory_space<vmem>> -> memref<80xi32, #tpu.memory_space<vmem>>
          %dma_start3A_360 = tpu.memref_slice %arg3[%add3A_354] : memref<640000xi32, #tpu.memory_space<hbm>> -> memref<80xi32, #tpu.memory_space<hbm>>
          %dma_start3A_361 = arith.constant 0 : i32
          %dma_start3A_362 = tpu.memref_slice %arg6[%dma_start3A_355, %dma_start3A_356, %dma_start3A_361] : memref<2x4x80xi32, #tpu.memory_space<vmem>> -> memref<1x1x80xi32, #tpu.memory_space<vmem>>
          %dma_start3A_363 = tpu.memref_squeeze %dma_start3A_362 : memref<1x1x80xi32, #tpu.memory_space<vmem>> -> memref<80xi32, #tpu.memory_space<vmem>>
          %dma_start3A_364 = tpu.memref_slice %arg3[%add3A_354] : memref<640000xi32, #tpu.memory_space<hbm>> -> memref<80xi32, #tpu.memory_space<hbm>>
          tpu.enqueue_dma source(%dma_start3A_364 : memref<80xi32, #tpu.memory_space<hbm>>) target(%dma_start3A_363 : memref<80xi32, #tpu.memory_space<vmem>>) target_semaphore(%arg9 : memref<!tpu.dma_semaphore, #tpu.memory_space<semaphore_mem>>)
          %add3A_365 = arith.constant 320000 : i32
          %add3A_366 = arith.addi %add3A_365, %add3A_306 : i32
          %add3A_367 = arith.constant 240 : i32
          %add3A_368 = arith.addi %add3A_366, %add3A_367 : i32
          %dma_start3A_369 = arith.constant 0 : i32
          %dma_start3A_370 = arith.constant 3 : i32
          %dma_start3A_371 = arith.constant 0 : i32
          %dma_start3A_372 = tpu.memref_slice %arg6[%dma_start3A_369, %dma_start3A_370, %dma_start3A_371] : memref<2x4x80xi32, #tpu.memory_space<vmem>> -> memref<1x1x80xi32, #tpu.memory_space<vmem>>
          %dma_start3A_373 = tpu.memref_squeeze %dma_start3A_372 : memref<1x1x80xi32, #tpu.memory_space<vmem>> -> memref<80xi32, #tpu.memory_space<vmem>>
          %dma_start3A_374 = tpu.memref_slice %arg3[%add3A_368] : memref<640000xi32, #tpu.memory_space<hbm>> -> memref<80xi32, #tpu.memory_space<hbm>>
          %dma_start3A_375 = arith.constant 0 : i32
          %dma_start3A_376 = tpu.memref_slice %arg6[%dma_start3A_369, %dma_start3A_370, %dma_start3A_375] : memref<2x4x80xi32, #tpu.memory_space<vmem>> -> memref<1x1x80xi32, #tpu.memory_space<vmem>>
          %dma_start3A_377 = tpu.memref_squeeze %dma_start3A_376 : memref<1x1x80xi32, #tpu.memory_space<vmem>> -> memref<80xi32, #tpu.memory_space<vmem>>
          %dma_start3A_378 = tpu.memref_slice %arg3[%add3A_368] : memref<640000xi32, #tpu.memory_space<hbm>> -> memref<80xi32, #tpu.memory_space<hbm>>
          tpu.enqueue_dma source(%dma_start3A_378 : memref<80xi32, #tpu.memory_space<hbm>>) target(%dma_start3A_377 : memref<80xi32, #tpu.memory_space<vmem>>) target_semaphore(%arg9 : memref<!tpu.dma_semaphore, #tpu.memory_space<semaphore_mem>>)
        } else {
        }
      } else {
      }
      %eq3A = arith.constant 0 : i32
      %eq3A_171 = arith.cmpi eq, %rem3A_162, %eq3A : i32
      %convert_element_type3A_172 = arith.extui %eq3A_171 : i1 to i32
      %cond3A_173 = arith.constant 0 : i32
      %cond3A_174 = arith.cmpi ne, %convert_element_type3A_172, %cond3A_173 : i32
      scf.if %cond3A_174 {
        %dma_wait3A_300 = arith.constant 0 : i32
        %dma_wait3A_301 = tpu.memref_slice %arg5[%dma_wait3A_300] : memref<640xi32, #tpu.memory_space<vmem>> -> memref<320xi32, #tpu.memory_space<vmem>>
        %dma_wait3A_302 = arith.constant 0 : i32
        %dma_wait3A_303 = tpu.memref_slice %arg3[%dma_wait3A_302] : memref<640000xi32, #tpu.memory_space<hbm>> -> memref<320xi32, #tpu.memory_space<hbm>>
        %dma_wait3A_304 = arith.constant 0 : i32
        %dma_wait3A_305 = tpu.memref_slice %arg5[%dma_wait3A_304] : memref<640xi32, #tpu.memory_space<vmem>> -> memref<320xi32, #tpu.memory_space<vmem>>
        %dma_wait3A_306 = arith.constant 0 : i32
        %dma_wait3A_307 = tpu.memref_slice %arg3[%dma_wait3A_306] : memref<640000xi32, #tpu.memory_space<hbm>> -> memref<320xi32, #tpu.memory_space<hbm>>
        tpu.wait_dma2 semaphore(%arg9 : memref<!tpu.dma_semaphore, #tpu.memory_space<semaphore_mem>>) src(%dma_wait3A_307 : memref<320xi32, #tpu.memory_space<hbm>>) dst(%dma_wait3A_305 : memref<320xi32, #tpu.memory_space<vmem>>)
        %dma_wait3A_308 = arith.constant 0 : i32
        %dma_wait3A_309 = tpu.memref_slice %arg5[%dma_wait3A_308] : memref<640xi32, #tpu.memory_space<vmem>> -> memref<320xi32, #tpu.memory_space<vmem>>
        %dma_wait3A_310 = arith.constant 0 : i32
        %dma_wait3A_311 = tpu.memref_slice %arg3[%dma_wait3A_310] : memref<640000xi32, #tpu.memory_space<hbm>> -> memref<320xi32, #tpu.memory_space<hbm>>
        %dma_wait3A_312 = arith.constant 0 : i32
        %dma_wait3A_313 = tpu.memref_slice %arg5[%dma_wait3A_312] : memref<640xi32, #tpu.memory_space<vmem>> -> memref<320xi32, #tpu.memory_space<vmem>>
        %dma_wait3A_314 = arith.constant 0 : i32
        %dma_wait3A_315 = tpu.memref_slice %arg3[%dma_wait3A_314] : memref<640000xi32, #tpu.memory_space<hbm>> -> memref<320xi32, #tpu.memory_space<hbm>>
        tpu.wait_dma2 semaphore(%arg9 : memref<!tpu.dma_semaphore, #tpu.memory_space<semaphore_mem>>) src(%dma_wait3A_315 : memref<320xi32, #tpu.memory_space<hbm>>) dst(%dma_wait3A_313 : memref<320xi32, #tpu.memory_space<vmem>>)
      } else {
      }
      %eq3A_175 = arith.constant 1 : i32
      %eq3A_176 = arith.cmpi eq, %rem3A_162, %eq3A_175 : i32
      %convert_element_type3A_177 = arith.extui %eq3A_176 : i1 to i32
      %cond3A_178 = arith.constant 0 : i32
      %cond3A_179 = arith.cmpi ne, %convert_element_type3A_177, %cond3A_178 : i32
      scf.if %cond3A_179 {
        %dma_wait3A_300 = arith.constant 0 : i32
        %dma_wait3A_301 = tpu.memref_slice %arg5[%dma_wait3A_300] : memref<640xi32, #tpu.memory_space<vmem>> -> memref<320xi32, #tpu.memory_space<vmem>>
        %dma_wait3A_302 = arith.constant 0 : i32
        %dma_wait3A_303 = tpu.memref_slice %arg3[%dma_wait3A_302] : memref<640000xi32, #tpu.memory_space<hbm>> -> memref<320xi32, #tpu.memory_space<hbm>>
        %dma_wait3A_304 = arith.constant 0 : i32
        %dma_wait3A_305 = tpu.memref_slice %arg5[%dma_wait3A_304] : memref<640xi32, #tpu.memory_space<vmem>> -> memref<320xi32, #tpu.memory_space<vmem>>
        %dma_wait3A_306 = arith.constant 0 : i32
        %dma_wait3A_307 = tpu.memref_slice %arg3[%dma_wait3A_306] : memref<640000xi32, #tpu.memory_space<hbm>> -> memref<320xi32, #tpu.memory_space<hbm>>
        tpu.wait_dma2 semaphore(%arg10 : memref<!tpu.dma_semaphore, #tpu.memory_space<semaphore_mem>>) src(%dma_wait3A_307 : memref<320xi32, #tpu.memory_space<hbm>>) dst(%dma_wait3A_305 : memref<320xi32, #tpu.memory_space<vmem>>)
        %dma_wait3A_308 = arith.constant 0 : i32
        %dma_wait3A_309 = tpu.memref_slice %arg5[%dma_wait3A_308] : memref<640xi32, #tpu.memory_space<vmem>> -> memref<320xi32, #tpu.memory_space<vmem>>
        %dma_wait3A_310 = arith.constant 0 : i32
        %dma_wait3A_311 = tpu.memref_slice %arg3[%dma_wait3A_310] : memref<640000xi32, #tpu.memory_space<hbm>> -> memref<320xi32, #tpu.memory_space<hbm>>
        %dma_wait3A_312 = arith.constant 0 : i32
        %dma_wait3A_313 = tpu.memref_slice %arg5[%dma_wait3A_312] : memref<640xi32, #tpu.memory_space<vmem>> -> memref<320xi32, #tpu.memory_space<vmem>>
        %dma_wait3A_314 = arith.constant 0 : i32
        %dma_wait3A_315 = tpu.memref_slice %arg3[%dma_wait3A_314] : memref<640000xi32, #tpu.memory_space<hbm>> -> memref<320xi32, #tpu.memory_space<hbm>>
        tpu.wait_dma2 semaphore(%arg10 : memref<!tpu.dma_semaphore, #tpu.memory_space<semaphore_mem>>) src(%dma_wait3A_315 : memref<320xi32, #tpu.memory_space<hbm>>) dst(%dma_wait3A_313 : memref<320xi32, #tpu.memory_space<vmem>>)
      } else {
      }
      %mul3A_180 = arith.constant 4 : i32
      %mul3A_181 = arith.muli %rem3A_162, %mul3A_180 : i32
      %mul3A_182 = arith.constant 80 : i32
      %mul3A_183 = arith.muli %mul3A_181, %mul3A_182 : i32
      %add3A_184 = arith.constant 0 : i32
      %add3A_185 = arith.addi %mul3A_183, %add3A_184 : i32
      %dma_start3A_186 = arith.constant 0 : i32
      %dma_start3A_187 = arith.constant 0 : i32
      %dma_start3A_188 = tpu.memref_slice %arg7[%dma_start3A_186, %dma_start3A_187] : memref<320x128xf32, #tpu.memory_space<vmem>> -> memref<80x128xf32, #tpu.memory_space<vmem>>
      %dma_start3A_189 = tpu.memref_slice %arg5[%add3A_185] : memref<640xi32, #tpu.memory_space<vmem>> -> memref<80xi32, #tpu.memory_space<vmem>>
      %dma_start3A_190 = arith.constant 0 : i32
      %dma_start3A_191 = arith.constant 0 : i32
      %dma_start3A_192 = tpu.memref_slice %arg2[%dma_start3A_190, %dma_start3A_191] : memref<10000x128xf32, #tpu.memory_space<hbm>> -> memref<10000x128xf32, #tpu.memory_space<hbm>>
      tpu.enqueue_indirect_dma source(%dma_start3A_192 : memref<10000x128xf32, #tpu.memory_space<hbm>>) target(%dma_start3A_188 : memref<80x128xf32, #tpu.memory_space<vmem>>) offsets(%dma_start3A_189 : memref<80xi32, #tpu.memory_space<vmem>>) semaphore(%arg11 : memref<!tpu.dma_semaphore, #tpu.memory_space<semaphore_mem>>)
      %mul3A_193 = arith.constant 4 : i32
      %mul3A_194 = arith.muli %rem3A_162, %mul3A_193 : i32
      %mul3A_195 = arith.constant 80 : i32
      %mul3A_196 = arith.muli %mul3A_194, %mul3A_195 : i32
      %add3A_197 = arith.constant 80 : i32
      %add3A_198 = arith.addi %mul3A_196, %add3A_197 : i32
      %dma_start3A_199 = arith.constant 80 : i32
      %dma_start3A_200 = arith.constant 0 : i32
      %dma_start3A_201 = tpu.memref_slice %arg7[%dma_start3A_199, %dma_start3A_200] : memref<320x128xf32, #tpu.memory_space<vmem>> -> memref<80x128xf32, #tpu.memory_space<vmem>>
      %dma_start3A_202 = tpu.memref_slice %arg5[%add3A_198] : memref<640xi32, #tpu.memory_space<vmem>> -> memref<80xi32, #tpu.memory_space<vmem>>
      %dma_start3A_203 = arith.constant 0 : i32
      %dma_start3A_204 = arith.constant 0 : i32
      %dma_start3A_205 = tpu.memref_slice %arg2[%dma_start3A_203, %dma_start3A_204] : memref<10000x128xf32, #tpu.memory_space<hbm>> -> memref<10000x128xf32, #tpu.memory_space<hbm>>
      tpu.enqueue_indirect_dma source(%dma_start3A_205 : memref<10000x128xf32, #tpu.memory_space<hbm>>) target(%dma_start3A_201 : memref<80x128xf32, #tpu.memory_space<vmem>>) offsets(%dma_start3A_202 : memref<80xi32, #tpu.memory_space<vmem>>) semaphore(%arg11 : memref<!tpu.dma_semaphore, #tpu.memory_space<semaphore_mem>>)
      %mul3A_206 = arith.constant 4 : i32
      %mul3A_207 = arith.muli %rem3A_162, %mul3A_206 : i32
      %mul3A_208 = arith.constant 80 : i32
      %mul3A_209 = arith.muli %mul3A_207, %mul3A_208 : i32
      %add3A_210 = arith.constant 160 : i32
      %add3A_211 = arith.addi %mul3A_209, %add3A_210 : i32
      %dma_start3A_212 = arith.constant 160 : i32
      %dma_start3A_213 = arith.constant 0 : i32
      %dma_start3A_214 = tpu.memref_slice %arg7[%dma_start3A_212, %dma_start3A_213] : memref<320x128xf32, #tpu.memory_space<vmem>> -> memref<80x128xf32, #tpu.memory_space<vmem>>
      %dma_start3A_215 = tpu.memref_slice %arg5[%add3A_211] : memref<640xi32, #tpu.memory_space<vmem>> -> memref<80xi32, #tpu.memory_space<vmem>>
      %dma_start3A_216 = arith.constant 0 : i32
      %dma_start3A_217 = arith.constant 0 : i32
      %dma_start3A_218 = tpu.memref_slice %arg2[%dma_start3A_216, %dma_start3A_217] : memref<10000x128xf32, #tpu.memory_space<hbm>> -> memref<10000x128xf32, #tpu.memory_space<hbm>>
      tpu.enqueue_indirect_dma source(%dma_start3A_218 : memref<10000x128xf32, #tpu.memory_space<hbm>>) target(%dma_start3A_214 : memref<80x128xf32, #tpu.memory_space<vmem>>) offsets(%dma_start3A_215 : memref<80xi32, #tpu.memory_space<vmem>>) semaphore(%arg11 : memref<!tpu.dma_semaphore, #tpu.memory_space<semaphore_mem>>)
      %mul3A_219 = arith.constant 4 : i32
      %mul3A_220 = arith.muli %rem3A_162, %mul3A_219 : i32
      %mul3A_221 = arith.constant 80 : i32
      %mul3A_222 = arith.muli %mul3A_220, %mul3A_221 : i32
      %add3A_223 = arith.constant 240 : i32
      %add3A_224 = arith.addi %mul3A_222, %add3A_223 : i32
      %dma_start3A_225 = arith.constant 240 : i32
      %dma_start3A_226 = arith.constant 0 : i32
      %dma_start3A_227 = tpu.memref_slice %arg7[%dma_start3A_225, %dma_start3A_226] : memref<320x128xf32, #tpu.memory_space<vmem>> -> memref<80x128xf32, #tpu.memory_space<vmem>>
      %dma_start3A_228 = tpu.memref_slice %arg5[%add3A_224] : memref<640xi32, #tpu.memory_space<vmem>> -> memref<80xi32, #tpu.memory_space<vmem>>
      %dma_start3A_229 = arith.constant 0 : i32
      %dma_start3A_230 = arith.constant 0 : i32
      %dma_start3A_231 = tpu.memref_slice %arg2[%dma_start3A_229, %dma_start3A_230] : memref<10000x128xf32, #tpu.memory_space<hbm>> -> memref<10000x128xf32, #tpu.memory_space<hbm>>
      tpu.enqueue_indirect_dma source(%dma_start3A_231 : memref<10000x128xf32, #tpu.memory_space<hbm>>) target(%dma_start3A_227 : memref<80x128xf32, #tpu.memory_space<vmem>>) offsets(%dma_start3A_228 : memref<80xi32, #tpu.memory_space<vmem>>) semaphore(%arg11 : memref<!tpu.dma_semaphore, #tpu.memory_space<semaphore_mem>>)
      %dma_wait3A_232 = arith.constant 0 : i32
      %dma_wait3A_233 = arith.constant 0 : i32
      %dma_wait3A_234 = tpu.memref_slice %arg7[%dma_wait3A_232, %dma_wait3A_233] : memref<320x128xf32, #tpu.memory_space<vmem>> -> memref<80x128xf32, #tpu.memory_space<vmem>>
      %dma_wait3A_235 = tpu.memref_slice %arg5[%add3A_185] : memref<640xi32, #tpu.memory_space<vmem>> -> memref<80xi32, #tpu.memory_space<vmem>>
      %dma_wait3A_236 = arith.constant 0 : i32
      %dma_wait3A_237 = arith.constant 0 : i32
      %dma_wait3A_238 = tpu.memref_slice %arg2[%dma_wait3A_236, %dma_wait3A_237] : memref<10000x128xf32, #tpu.memory_space<hbm>> -> memref<10000x128xf32, #tpu.memory_space<hbm>>
      tpu.wait_indirect_dma semaphore(%arg11 : memref<!tpu.dma_semaphore, #tpu.memory_space<semaphore_mem>>) src(%dma_wait3A_238 : memref<10000x128xf32, #tpu.memory_space<hbm>>) dst(%dma_wait3A_234 : memref<80x128xf32, #tpu.memory_space<vmem>>)
      %dma_start3A_239 = arith.constant 0 : i32
      %dma_start3A_240 = arith.constant 0 : i32
      %dma_start3A_241 = arith.constant 0 : i32
      %dma_start3A_242 = tpu.memref_slice %arg7[%dma_start3A_240, %dma_start3A_241] : memref<320x128xf32, #tpu.memory_space<vmem>> -> memref<80x128xf32, #tpu.memory_space<vmem>>
      %dma_start3A_243 = arith.constant 0 : i32
      %dma_start3A_244 = tpu.memref_slice %arg6[%rem3A_162, %dma_start3A_239, %dma_start3A_243] : memref<2x4x80xi32, #tpu.memory_space<vmem>> -> memref<1x1x80xi32, #tpu.memory_space<vmem>>
      %dma_start3A_245 = tpu.memref_squeeze %dma_start3A_244 : memref<1x1x80xi32, #tpu.memory_space<vmem>> -> memref<80xi32, #tpu.memory_space<vmem>>
      %dma_start3A_246 = arith.constant 0 : i32
      %dma_start3A_247 = arith.constant 0 : i32
      %dma_start3A_248 = tpu.memref_slice %arg8[%dma_start3A_246, %dma_start3A_247] : memref<10112x128xf32, #tpu.memory_space<vmem_shared>> -> memref<10112x128xf32, #tpu.memory_space<vmem_shared>>
      tpu.enqueue_indirect_dma source(%dma_start3A_242 : memref<80x128xf32, #tpu.memory_space<vmem>>) target(%dma_start3A_248 : memref<10112x128xf32, #tpu.memory_space<vmem_shared>>) offsets(%dma_start3A_245 : memref<80xi32, #tpu.memory_space<vmem>>) semaphore(%arg12 : memref<!tpu.dma_semaphore, #tpu.memory_space<semaphore_mem>>) {add = true}
      %dma_wait3A_249 = arith.constant 80 : i32
      %dma_wait3A_250 = arith.constant 0 : i32
      %dma_wait3A_251 = tpu.memref_slice %arg7[%dma_wait3A_249, %dma_wait3A_250] : memref<320x128xf32, #tpu.memory_space<vmem>> -> memref<80x128xf32, #tpu.memory_space<vmem>>
      %dma_wait3A_252 = tpu.memref_slice %arg5[%add3A_198] : memref<640xi32, #tpu.memory_space<vmem>> -> memref<80xi32, #tpu.memory_space<vmem>>
      %dma_wait3A_253 = arith.constant 0 : i32
      %dma_wait3A_254 = arith.constant 0 : i32
      %dma_wait3A_255 = tpu.memref_slice %arg2[%dma_wait3A_253, %dma_wait3A_254] : memref<10000x128xf32, #tpu.memory_space<hbm>> -> memref<10000x128xf32, #tpu.memory_space<hbm>>
      tpu.wait_indirect_dma semaphore(%arg11 : memref<!tpu.dma_semaphore, #tpu.memory_space<semaphore_mem>>) src(%dma_wait3A_255 : memref<10000x128xf32, #tpu.memory_space<hbm>>) dst(%dma_wait3A_251 : memref<80x128xf32, #tpu.memory_space<vmem>>)
      %dma_start3A_256 = arith.constant 1 : i32
      %dma_start3A_257 = arith.constant 80 : i32
      %dma_start3A_258 = arith.constant 0 : i32
      %dma_start3A_259 = tpu.memref_slice %arg7[%dma_start3A_257, %dma_start3A_258] : memref<320x128xf32, #tpu.memory_space<vmem>> -> memref<80x128xf32, #tpu.memory_space<vmem>>
      %dma_start3A_260 = arith.constant 0 : i32
      %dma_start3A_261 = tpu.memref_slice %arg6[%rem3A_162, %dma_start3A_256, %dma_start3A_260] : memref<2x4x80xi32, #tpu.memory_space<vmem>> -> memref<1x1x80xi32, #tpu.memory_space<vmem>>
      %dma_start3A_262 = tpu.memref_squeeze %dma_start3A_261 : memref<1x1x80xi32, #tpu.memory_space<vmem>> -> memref<80xi32, #tpu.memory_space<vmem>>
      %dma_start3A_263 = arith.constant 0 : i32
      %dma_start3A_264 = arith.constant 0 : i32
      %dma_start3A_265 = tpu.memref_slice %arg8[%dma_start3A_263, %dma_start3A_264] : memref<10112x128xf32, #tpu.memory_space<vmem_shared>> -> memref<10112x128xf32, #tpu.memory_space<vmem_shared>>
      tpu.enqueue_indirect_dma source(%dma_start3A_259 : memref<80x128xf32, #tpu.memory_space<vmem>>) target(%dma_start3A_265 : memref<10112x128xf32, #tpu.memory_space<vmem_shared>>) offsets(%dma_start3A_262 : memref<80xi32, #tpu.memory_space<vmem>>) semaphore(%arg12 : memref<!tpu.dma_semaphore, #tpu.memory_space<semaphore_mem>>) {add = true}
      %dma_wait3A_266 = arith.constant 160 : i32
      %dma_wait3A_267 = arith.constant 0 : i32
      %dma_wait3A_268 = tpu.memref_slice %arg7[%dma_wait3A_266, %dma_wait3A_267] : memref<320x128xf32, #tpu.memory_space<vmem>> -> memref<80x128xf32, #tpu.memory_space<vmem>>
      %dma_wait3A_269 = tpu.memref_slice %arg5[%add3A_211] : memref<640xi32, #tpu.memory_space<vmem>> -> memref<80xi32, #tpu.memory_space<vmem>>
      %dma_wait3A_270 = arith.constant 0 : i32
      %dma_wait3A_271 = arith.constant 0 : i32
      %dma_wait3A_272 = tpu.memref_slice %arg2[%dma_wait3A_270, %dma_wait3A_271] : memref<10000x128xf32, #tpu.memory_space<hbm>> -> memref<10000x128xf32, #tpu.memory_space<hbm>>
      tpu.wait_indirect_dma semaphore(%arg11 : memref<!tpu.dma_semaphore, #tpu.memory_space<semaphore_mem>>) src(%dma_wait3A_272 : memref<10000x128xf32, #tpu.memory_space<hbm>>) dst(%dma_wait3A_268 : memref<80x128xf32, #tpu.memory_space<vmem>>)
      %dma_start3A_273 = arith.constant 2 : i32
      %dma_start3A_274 = arith.constant 160 : i32
      %dma_start3A_275 = arith.constant 0 : i32
      %dma_start3A_276 = tpu.memref_slice %arg7[%dma_start3A_274, %dma_start3A_275] : memref<320x128xf32, #tpu.memory_space<vmem>> -> memref<80x128xf32, #tpu.memory_space<vmem>>
      %dma_start3A_277 = arith.constant 0 : i32
      %dma_start3A_278 = tpu.memref_slice %arg6[%rem3A_162, %dma_start3A_273, %dma_start3A_277] : memref<2x4x80xi32, #tpu.memory_space<vmem>> -> memref<1x1x80xi32, #tpu.memory_space<vmem>>
      %dma_start3A_279 = tpu.memref_squeeze %dma_start3A_278 : memref<1x1x80xi32, #tpu.memory_space<vmem>> -> memref<80xi32, #tpu.memory_space<vmem>>
      %dma_start3A_280 = arith.constant 0 : i32
      %dma_start3A_281 = arith.constant 0 : i32
      %dma_start3A_282 = tpu.memref_slice %arg8[%dma_start3A_280, %dma_start3A_281] : memref<10112x128xf32, #tpu.memory_space<vmem_shared>> -> memref<10112x128xf32, #tpu.memory_space<vmem_shared>>
      tpu.enqueue_indirect_dma source(%dma_start3A_276 : memref<80x128xf32, #tpu.memory_space<vmem>>) target(%dma_start3A_282 : memref<10112x128xf32, #tpu.memory_space<vmem_shared>>) offsets(%dma_start3A_279 : memref<80xi32, #tpu.memory_space<vmem>>) semaphore(%arg12 : memref<!tpu.dma_semaphore, #tpu.memory_space<semaphore_mem>>) {add = true}
      %dma_wait3A_283 = arith.constant 240 : i32
      %dma_wait3A_284 = arith.constant 0 : i32
      %dma_wait3A_285 = tpu.memref_slice %arg7[%dma_wait3A_283, %dma_wait3A_284] : memref<320x128xf32, #tpu.memory_space<vmem>> -> memref<80x128xf32, #tpu.memory_space<vmem>>
      %dma_wait3A_286 = tpu.memref_slice %arg5[%add3A_224] : memref<640xi32, #tpu.memory_space<vmem>> -> memref<80xi32, #tpu.memory_space<vmem>>
      %dma_wait3A_287 = arith.constant 0 : i32
      %dma_wait3A_288 = arith.constant 0 : i32
      %dma_wait3A_289 = tpu.memref_slice %arg2[%dma_wait3A_287, %dma_wait3A_288] : memref<10000x128xf32, #tpu.memory_space<hbm>> -> memref<10000x128xf32, #tpu.memory_space<hbm>>
      tpu.wait_indirect_dma semaphore(%arg11 : memref<!tpu.dma_semaphore, #tpu.memory_space<semaphore_mem>>) src(%dma_wait3A_289 : memref<10000x128xf32, #tpu.memory_space<hbm>>) dst(%dma_wait3A_285 : memref<80x128xf32, #tpu.memory_space<vmem>>)
      %dma_start3A_290 = arith.constant 3 : i32
      %dma_start3A_291 = arith.constant 240 : i32
      %dma_start3A_292 = arith.constant 0 : i32
      %dma_start3A_293 = tpu.memref_slice %arg7[%dma_start3A_291, %dma_start3A_292] : memref<320x128xf32, #tpu.memory_space<vmem>> -> memref<80x128xf32, #tpu.memory_space<vmem>>
      %dma_start3A_294 = arith.constant 0 : i32
      %dma_start3A_295 = tpu.memref_slice %arg6[%rem3A_162, %dma_start3A_290, %dma_start3A_294] : memref<2x4x80xi32, #tpu.memory_space<vmem>> -> memref<1x1x80xi32, #tpu.memory_space<vmem>>
      %dma_start3A_296 = tpu.memref_squeeze %dma_start3A_295 : memref<1x1x80xi32, #tpu.memory_space<vmem>> -> memref<80xi32, #tpu.memory_space<vmem>>
      %dma_start3A_297 = arith.constant 0 : i32
      %dma_start3A_298 = arith.constant 0 : i32
      %dma_start3A_299 = tpu.memref_slice %arg8[%dma_start3A_297, %dma_start3A_298] : memref<10112x128xf32, #tpu.memory_space<vmem_shared>> -> memref<10112x128xf32, #tpu.memory_space<vmem_shared>>
      tpu.enqueue_indirect_dma source(%dma_start3A_293 : memref<80x128xf32, #tpu.memory_space<vmem>>) target(%dma_start3A_299 : memref<10112x128xf32, #tpu.memory_space<vmem_shared>>) offsets(%dma_start3A_296 : memref<80xi32, #tpu.memory_space<vmem>>) semaphore(%arg12 : memref<!tpu.dma_semaphore, #tpu.memory_space<semaphore_mem>>) {add = true}
    }
    %scan3A_107 = arith.constant 31 : i32
    %dma_wait3A = arith.constant 0 : i32
    %dma_wait3A_108 = arith.constant 0 : i32
    %dma_wait3A_109 = tpu.memref_slice %arg2[%dma_wait3A, %dma_wait3A_108] : memref<10000x128xf32, #tpu.memory_space<hbm>> -> memref<320x128xf32, #tpu.memory_space<hbm>>
    %dma_wait3A_110 = arith.constant 0 : i32
    %dma_wait3A_111 = arith.constant 0 : i32
    %dma_wait3A_112 = tpu.memref_slice %arg2[%dma_wait3A_110, %dma_wait3A_111] : memref<10000x128xf32, #tpu.memory_space<hbm>> -> memref<320x128xf32, #tpu.memory_space<hbm>>
    tpu.wait_dma2 semaphore(%arg12 : memref<!tpu.dma_semaphore, #tpu.memory_space<semaphore_mem>>) src(%dma_wait3A_112 : memref<320x128xf32, #tpu.memory_space<hbm>>) dst(%arg7 : memref<320x128xf32, #tpu.memory_space<vmem>>)
    %add3A_113 = arith.constant 9920 : i32
    %add3A_114 = arith.addi %mul3A_2, %add3A_113 : i32
    "tpu.region"() ({
      %run_scoped3A_161 = tpu.sem_alloc : memref<!tpu.dma_semaphore, #tpu.memory_space<semaphore_mem>>
      %dma_start3A_162 = arith.constant 0 : i32
      %dma_start3A_163 = tpu.memref_slice %arg5[%dma_start3A_162] : memref<640xi32, #tpu.memory_space<vmem>> -> memref<80xi32, #tpu.memory_space<vmem>>
      %dma_start3A_164 = tpu.memref_slice %arg3[%add3A_114] : memref<640000xi32, #tpu.memory_space<hbm>> -> memref<80xi32, #tpu.memory_space<hbm>>
      %dma_start3A_165 = arith.constant 0 : i32
      %dma_start3A_166 = tpu.memref_slice %arg5[%dma_start3A_165] : memref<640xi32, #tpu.memory_space<vmem>> -> memref<80xi32, #tpu.memory_space<vmem>>
      %dma_start3A_167 = tpu.memref_slice %arg3[%add3A_114] : memref<640000xi32, #tpu.memory_space<hbm>> -> memref<80xi32, #tpu.memory_space<hbm>>
      tpu.enqueue_dma source(%dma_start3A_167 : memref<80xi32, #tpu.memory_space<hbm>>) target(%dma_start3A_166 : memref<80xi32, #tpu.memory_space<vmem>>) target_semaphore(%run_scoped3A_161 : memref<!tpu.dma_semaphore, #tpu.memory_space<semaphore_mem>>)
      %dma_wait3A_168 = arith.constant 0 : i32
      %dma_wait3A_169 = tpu.memref_slice %arg5[%dma_wait3A_168] : memref<640xi32, #tpu.memory_space<vmem>> -> memref<80xi32, #tpu.memory_space<vmem>>
      %dma_wait3A_170 = tpu.memref_slice %arg3[%add3A_114] : memref<640000xi32, #tpu.memory_space<hbm>> -> memref<80xi32, #tpu.memory_space<hbm>>
      %dma_wait3A_171 = arith.constant 0 : i32
      %dma_wait3A_172 = tpu.memref_slice %arg5[%dma_wait3A_171] : memref<640xi32, #tpu.memory_space<vmem>> -> memref<80xi32, #tpu.memory_space<vmem>>
      %dma_wait3A_173 = tpu.memref_slice %arg3[%add3A_114] : memref<640000xi32, #tpu.memory_space<hbm>> -> memref<80xi32, #tpu.memory_space<hbm>>
      tpu.wait_dma2 semaphore(%run_scoped3A_161 : memref<!tpu.dma_semaphore, #tpu.memory_space<semaphore_mem>>) src(%dma_wait3A_173 : memref<80xi32, #tpu.memory_space<hbm>>) dst(%dma_wait3A_172 : memref<80xi32, #tpu.memory_space<vmem>>)
      tpu.yield
    }) : () -> ()
    %add3A_115 = arith.constant 320000 : i32
    %add3A_116 = arith.addi %add3A_115, %add3A_114 : i32
    %run_scoped3A = arith.constant 0 : i32
    %run_scoped3A_117 = arith.constant 0 : i32
    "tpu.region"() ({
      %run_scoped3A_161 = tpu.sem_alloc : memref<!tpu.dma_semaphore, #tpu.memory_space<semaphore_mem>>
      %dma_start3A_162 = arith.constant 0 : i32
      %dma_start3A_163 = tpu.memref_slice %arg6[%run_scoped3A, %run_scoped3A_117, %dma_start3A_162] : memref<2x4x80xi32, #tpu.memory_space<vmem>> -> memref<1x1x80xi32, #tpu.memory_space<vmem>>
      %dma_start3A_164 = tpu.memref_squeeze %dma_start3A_163 : memref<1x1x80xi32, #tpu.memory_space<vmem>> -> memref<80xi32, #tpu.memory_space<vmem>>
      %dma_start3A_165 = tpu.memref_slice %arg3[%add3A_116] : memref<640000xi32, #tpu.memory_space<hbm>> -> memref<80xi32, #tpu.memory_space<hbm>>
      %dma_start3A_166 = arith.constant 0 : i32
      %dma_start3A_167 = tpu.memref_slice %arg6[%run_scoped3A, %run_scoped3A_117, %dma_start3A_166] : memref<2x4x80xi32, #tpu.memory_space<vmem>> -> memref<1x1x80xi32, #tpu.memory_space<vmem>>
      %dma_start3A_168 = tpu.memref_squeeze %dma_start3A_167 : memref<1x1x80xi32, #tpu.memory_space<vmem>> -> memref<80xi32, #tpu.memory_space<vmem>>
      %dma_start3A_169 = tpu.memref_slice %arg3[%add3A_116] : memref<640000xi32, #tpu.memory_space<hbm>> -> memref<80xi32, #tpu.memory_space<hbm>>
      tpu.enqueue_dma source(%dma_start3A_169 : memref<80xi32, #tpu.memory_space<hbm>>) target(%dma_start3A_168 : memref<80xi32, #tpu.memory_space<vmem>>) target_semaphore(%run_scoped3A_161 : memref<!tpu.dma_semaphore, #tpu.memory_space<semaphore_mem>>)
      %dma_wait3A_170 = arith.constant 0 : i32
      %dma_wait3A_171 = tpu.memref_slice %arg6[%run_scoped3A, %run_scoped3A_117, %dma_wait3A_170] : memref<2x4x80xi32, #tpu.memory_space<vmem>> -> memref<1x1x80xi32, #tpu.memory_space<vmem>>
      %dma_wait3A_172 = tpu.memref_squeeze %dma_wait3A_171 : memref<1x1x80xi32, #tpu.memory_space<vmem>> -> memref<80xi32, #tpu.memory_space<vmem>>
      %dma_wait3A_173 = tpu.memref_slice %arg3[%add3A_116] : memref<640000xi32, #tpu.memory_space<hbm>> -> memref<80xi32, #tpu.memory_space<hbm>>
      %dma_wait3A_174 = arith.constant 0 : i32
      %dma_wait3A_175 = tpu.memref_slice %arg6[%run_scoped3A, %run_scoped3A_117, %dma_wait3A_174] : memref<2x4x80xi32, #tpu.memory_space<vmem>> -> memref<1x1x80xi32, #tpu.memory_space<vmem>>
      %dma_wait3A_176 = tpu.memref_squeeze %dma_wait3A_175 : memref<1x1x80xi32, #tpu.memory_space<vmem>> -> memref<80xi32, #tpu.memory_space<vmem>>
      %dma_wait3A_177 = tpu.memref_slice %arg3[%add3A_116] : memref<640000xi32, #tpu.memory_space<hbm>> -> memref<80xi32, #tpu.memory_space<hbm>>
      tpu.wait_dma2 semaphore(%run_scoped3A_161 : memref<!tpu.dma_semaphore, #tpu.memory_space<semaphore_mem>>) src(%dma_wait3A_177 : memref<80xi32, #tpu.memory_space<hbm>>) dst(%dma_wait3A_176 : memref<80xi32, #tpu.memory_space<vmem>>)
      tpu.yield
    }) : () -> ()
    %dma_start3A_118 = arith.constant 0 : i32
    %dma_start3A_119 = arith.constant 0 : i32
    %dma_start3A_120 = tpu.memref_slice %arg7[%dma_start3A_118, %dma_start3A_119] : memref<320x128xf32, #tpu.memory_space<vmem>> -> memref<80x128xf32, #tpu.memory_space<vmem>>
    %dma_start3A_121 = arith.constant 0 : i32
    %dma_start3A_122 = tpu.memref_slice %arg5[%dma_start3A_121] : memref<640xi32, #tpu.memory_space<vmem>> -> memref<80xi32, #tpu.memory_space<vmem>>
    %dma_start3A_123 = arith.constant 0 : i32
    %dma_start3A_124 = arith.constant 0 : i32
    %dma_start3A_125 = tpu.memref_slice %arg2[%dma_start3A_123, %dma_start3A_124] : memref<10000x128xf32, #tpu.memory_space<hbm>> -> memref<10000x128xf32, #tpu.memory_space<hbm>>
    tpu.enqueue_indirect_dma source(%dma_start3A_125 : memref<10000x128xf32, #tpu.memory_space<hbm>>) target(%dma_start3A_120 : memref<80x128xf32, #tpu.memory_space<vmem>>) offsets(%dma_start3A_122 : memref<80xi32, #tpu.memory_space<vmem>>) semaphore(%arg11 : memref<!tpu.dma_semaphore, #tpu.memory_space<semaphore_mem>>)
    %dma_wait3A_126 = arith.constant 0 : i32
    %dma_wait3A_127 = arith.constant 0 : i32
    %dma_wait3A_128 = tpu.memref_slice %arg7[%dma_wait3A_126, %dma_wait3A_127] : memref<320x128xf32, #tpu.memory_space<vmem>> -> memref<80x128xf32, #tpu.memory_space<vmem>>
    %dma_wait3A_129 = arith.constant 0 : i32
    %dma_wait3A_130 = tpu.memref_slice %arg5[%dma_wait3A_129] : memref<640xi32, #tpu.memory_space<vmem>> -> memref<80xi32, #tpu.memory_space<vmem>>
    %dma_wait3A_131 = arith.constant 0 : i32
    %dma_wait3A_132 = arith.constant 0 : i32
    %dma_wait3A_133 = tpu.memref_slice %arg2[%dma_wait3A_131, %dma_wait3A_132] : memref<10000x128xf32, #tpu.memory_space<hbm>> -> memref<10000x128xf32, #tpu.memory_space<hbm>>
    tpu.wait_indirect_dma semaphore(%arg11 : memref<!tpu.dma_semaphore, #tpu.memory_space<semaphore_mem>>) src(%dma_wait3A_133 : memref<10000x128xf32, #tpu.memory_space<hbm>>) dst(%dma_wait3A_128 : memref<80x128xf32, #tpu.memory_space<vmem>>)
    %dma_start3A_134 = arith.constant 0 : i32
    %dma_start3A_135 = arith.constant 0 : i32
    %dma_start3A_136 = arith.constant 0 : i32
    %dma_start3A_137 = arith.constant 0 : i32
    %dma_start3A_138 = tpu.memref_slice %arg7[%dma_start3A_136, %dma_start3A_137] : memref<320x128xf32, #tpu.memory_space<vmem>> -> memref<80x128xf32, #tpu.memory_space<vmem>>
    %dma_start3A_139 = arith.constant 0 : i32
    %dma_start3A_140 = tpu.memref_slice %arg6[%dma_start3A_134, %dma_start3A_135, %dma_start3A_139] : memref<2x4x80xi32, #tpu.memory_space<vmem>> -> memref<1x1x80xi32, #tpu.memory_space<vmem>>
    %dma_start3A_141 = tpu.memref_squeeze %dma_start3A_140 : memref<1x1x80xi32, #tpu.memory_space<vmem>> -> memref<80xi32, #tpu.memory_space<vmem>>
    %dma_start3A_142 = arith.constant 0 : i32
    %dma_start3A_143 = arith.constant 0 : i32
    %dma_start3A_144 = tpu.memref_slice %arg8[%dma_start3A_142, %dma_start3A_143] : memref<10112x128xf32, #tpu.memory_space<vmem_shared>> -> memref<10112x128xf32, #tpu.memory_space<vmem_shared>>
    tpu.enqueue_indirect_dma source(%dma_start3A_138 : memref<80x128xf32, #tpu.memory_space<vmem>>) target(%dma_start3A_144 : memref<10112x128xf32, #tpu.memory_space<vmem_shared>>) offsets(%dma_start3A_141 : memref<80xi32, #tpu.memory_space<vmem>>) semaphore(%arg12 : memref<!tpu.dma_semaphore, #tpu.memory_space<semaphore_mem>>) {add = true}
    %dma_wait3A_145 = arith.constant 0 : i32
    %dma_wait3A_146 = arith.constant 0 : i32
    %dma_wait3A_147 = arith.constant 0 : i32
    %dma_wait3A_148 = arith.constant 0 : i32
    %dma_wait3A_149 = tpu.memref_slice %arg7[%dma_wait3A_147, %dma_wait3A_148] : memref<320x128xf32, #tpu.memory_space<vmem>> -> memref<80x128xf32, #tpu.memory_space<vmem>>
    %dma_wait3A_150 = arith.constant 0 : i32
    %dma_wait3A_151 = tpu.memref_slice %arg6[%dma_wait3A_145, %dma_wait3A_146, %dma_wait3A_150] : memref<2x4x80xi32, #tpu.memory_space<vmem>> -> memref<1x1x80xi32, #tpu.memory_space<vmem>>
    %dma_wait3A_152 = tpu.memref_squeeze %dma_wait3A_151 : memref<1x1x80xi32, #tpu.memory_space<vmem>> -> memref<80xi32, #tpu.memory_space<vmem>>
    %dma_wait3A_153 = arith.constant 0 : i32
    %dma_wait3A_154 = arith.constant 0 : i32
    %dma_wait3A_155 = tpu.memref_slice %arg8[%dma_wait3A_153, %dma_wait3A_154] : memref<10112x128xf32, #tpu.memory_space<vmem_shared>> -> memref<10112x128xf32, #tpu.memory_space<vmem_shared>>
    tpu.wait_indirect_dma semaphore(%arg12 : memref<!tpu.dma_semaphore, #tpu.memory_space<semaphore_mem>>) src(%dma_wait3A_149 : memref<80x128xf32, #tpu.memory_space<vmem>>) dst(%dma_wait3A_155 : memref<10112x128xf32, #tpu.memory_space<vmem_shared>>)
    %barrier3A_156 = arith.constant 0 : index
    tpu.barrier barrier_id(%barrier3A_156)
    %mul3A_157 = arith.constant 632 : i32
    %mul3A_158 = arith.muli %arg1, %mul3A_157 : i32
    %mul3A_159 = arith.constant 632 : i32
    %mul3A_160 = arith.muli %arg1, %mul3A_159 : i32
    "tpu.region"() ({
      %run_scoped3A_161 = tpu.sem_alloc : memref<!tpu.dma_semaphore, #tpu.memory_space<semaphore_mem>>
      %dma_start3A_162 = arith.constant 0 : i32
      %dma_start3A_163 = tpu.memref_slice %arg4[%arg0, %mul3A_160, %dma_start3A_162] : memref<2x10112x128xf32, #tpu.memory_space<hbm>> -> memref<1x632x128xf32, #tpu.memory_space<hbm>>
      %dma_start3A_164 = tpu.memref_squeeze %dma_start3A_163 : memref<1x632x128xf32, #tpu.memory_space<hbm>> -> memref<632x128xf32, #tpu.memory_space<hbm>>
      %dma_start3A_165 = arith.constant 0 : i32
      %dma_start3A_166 = tpu.memref_slice %arg8[%mul3A_158, %dma_start3A_165] : memref<10112x128xf32, #tpu.memory_space<vmem_shared>> -> memref<632x128xf32, #tpu.memory_space<vmem_shared>>
      tpu.enqueue_dma source(%dma_start3A_166 : memref<632x128xf32, #tpu.memory_space<vmem_shared>>) target(%dma_start3A_164 : memref<632x128xf32, #tpu.memory_space<hbm>>) target_semaphore(%run_scoped3A_161 : memref<!tpu.dma_semaphore, #tpu.memory_space<semaphore_mem>>)
      %dma_wait3A_167 = arith.constant 0 : i32
      %dma_wait3A_168 = tpu.memref_slice %arg4[%arg0, %mul3A_160, %dma_wait3A_167] : memref<2x10112x128xf32, #tpu.memory_space<hbm>> -> memref<1x632x128xf32, #tpu.memory_space<hbm>>
      %dma_wait3A_169 = tpu.memref_squeeze %dma_wait3A_168 : memref<1x632x128xf32, #tpu.memory_space<hbm>> -> memref<632x128xf32, #tpu.memory_space<hbm>>
      %dma_wait3A_170 = arith.constant 0 : i32
      %dma_wait3A_171 = tpu.memref_slice %arg8[%mul3A_158, %dma_wait3A_170] : memref<10112x128xf32, #tpu.memory_space<vmem_shared>> -> memref<632x128xf32, #tpu.memory_space<vmem_shared>>
      tpu.wait_dma2 semaphore(%run_scoped3A_161 : memref<!tpu.dma_semaphore, #tpu.memory_space<semaphore_mem>>) src(%dma_wait3A_171 : memref<632x128xf32, #tpu.memory_space<vmem_shared>>) dst(%dma_wait3A_169 : memref<632x128xf32, #tpu.memory_space<hbm>>)
      tpu.yield
    }) : () -> ()
    return
  }
}

#map = affine_map<(d0, d1) -> (0, 0)>
#map1 = affine_map<(d0, d1) -> (0)>
#map2 = affine_map<(d0, d1) -> (0, 0, 0)>
module attributes {stable_mosaic.version = 14 : i64} {
  func.func @edge_agg(%arg0: i32, %arg1: i32, %arg2: memref<10000x128xf32, #tpu.memory_space<hbm>>, %arg3: memref<640000xi32, #tpu.memory_space<hbm>>, %arg4: memref<2x10112x128xf32, #tpu.memory_space<hbm>>, %arg5: memref<640xi32, #tpu.memory_space<vmem>>, %arg6: memref<2x4x80xi32, #tpu.memory_space<vmem>>, %arg7: memref<320x128xf32, #tpu.memory_space<vmem>>, %arg8: memref<10112x128xf32, #tpu.memory_space<vmem_shared>>, %arg9: memref<!tpu.dma_semaphore, #tpu.memory_space<semaphore_mem>>, %arg10: memref<!tpu.dma_semaphore, #tpu.memory_space<semaphore_mem>>, %arg11: memref<!tpu.dma_semaphore, #tpu.memory_space<semaphore_mem>>, %arg12: memref<!tpu.dma_semaphore, #tpu.memory_space<semaphore_mem>>) attributes {dimension_semantics = [#tpu.dimension_semantics<core_parallel>, #tpu.dimension_semantics<subcore_parallel>], iteration_bounds = array<i64: 2, 16>, scalar_prefetch = 0 : i64, scratch_operands = 8 : i64, tpu.core_type = #tpu.core_type<sc_vector_subcore>, window_params = [{transform_indices = #map}, {transform_indices = #map1}, {transform_indices = #map2}]} {
    %mul3A = arith.constant 2 : i32
    %mul3A_0 = arith.muli %arg1, %mul3A : i32
    %add3A = arith.addi %mul3A_0, %arg0 : i32
    %mul3A_1 = arith.constant 10000 : i32
    %mul3A_2 = arith.muli %add3A, %mul3A_1 : i32
    %dma_start3A = arith.constant 0 : i32
    %dma_start3A_3 = tpu.memref_slice %arg5[%dma_start3A] : memref<640xi32, #tpu.memory_space<vmem>> -> memref<320xi32, #tpu.memory_space<vmem>>
    %dma_start3A_4 = tpu.memref_slice %arg3[%mul3A_2] : memref<640000xi32, #tpu.memory_space<hbm>> -> memref<320xi32, #tpu.memory_space<hbm>>
    %dma_start3A_5 = arith.constant 0 : i32
    %dma_start3A_6 = tpu.memref_slice %arg5[%dma_start3A_5] : memref<640xi32, #tpu.memory_space<vmem>> -> memref<320xi32, #tpu.memory_space<vmem>>
    %dma_start3A_7 = tpu.memref_slice %arg3[%mul3A_2] : memref<640000xi32, #tpu.memory_space<hbm>> -> memref<320xi32, #tpu.memory_space<hbm>>
    tpu.enqueue_dma source(%dma_start3A_7 : memref<320xi32, #tpu.memory_space<hbm>>) target(%dma_start3A_6 : memref<320xi32, #tpu.memory_space<vmem>>) target_semaphore(%arg9 : memref<!tpu.dma_semaphore, #tpu.memory_space<semaphore_mem>>)
    %add3A_8 = arith.constant 320000 : i32
    %add3A_9 = arith.addi %add3A_8, %mul3A_2 : i32
    %add3A_10 = arith.constant 0 : i32
    %add3A_11 = arith.addi %add3A_9, %add3A_10 : i32
    %dma_start3A_12 = arith.constant 0 : i32
    %dma_start3A_13 = arith.constant 0 : i32
    %dma_start3A_14 = arith.constant 0 : i32
    %dma_start3A_15 = tpu.memref_slice %arg6[%dma_start3A_12, %dma_start3A_13, %dma_start3A_14] : memref<2x4x80xi32, #tpu.memory_space<vmem>> -> memref<1x1x80xi32, #tpu.memory_space<vmem>>
    %dma_start3A_16 = tpu.memref_squeeze %dma_start3A_15 : memref<1x1x80xi32, #tpu.memory_space<vmem>> -> memref<80xi32, #tpu.memory_space<vmem>>
    %dma_start3A_17 = tpu.memref_slice %arg3[%add3A_11] : memref<640000xi32, #tpu.memory_space<hbm>> -> memref<80xi32, #tpu.memory_space<hbm>>
    %dma_start3A_18 = arith.constant 0 : i32
    %dma_start3A_19 = tpu.memref_slice %arg6[%dma_start3A_12, %dma_start3A_13, %dma_start3A_18] : memref<2x4x80xi32, #tpu.memory_space<vmem>> -> memref<1x1x80xi32, #tpu.memory_space<vmem>>
    %dma_start3A_20 = tpu.memref_squeeze %dma_start3A_19 : memref<1x1x80xi32, #tpu.memory_space<vmem>> -> memref<80xi32, #tpu.memory_space<vmem>>
    %dma_start3A_21 = tpu.memref_slice %arg3[%add3A_11] : memref<640000xi32, #tpu.memory_space<hbm>> -> memref<80xi32, #tpu.memory_space<hbm>>
    tpu.enqueue_dma source(%dma_start3A_21 : memref<80xi32, #tpu.memory_space<hbm>>) target(%dma_start3A_20 : memref<80xi32, #tpu.memory_space<vmem>>) target_semaphore(%arg9 : memref<!tpu.dma_semaphore, #tpu.memory_space<semaphore_mem>>)
    %add3A_22 = arith.constant 320000 : i32
    %add3A_23 = arith.addi %add3A_22, %mul3A_2 : i32
    %add3A_24 = arith.constant 80 : i32
    %add3A_25 = arith.addi %add3A_23, %add3A_24 : i32
    %dma_start3A_26 = arith.constant 0 : i32
    %dma_start3A_27 = arith.constant 1 : i32
    %dma_start3A_28 = arith.constant 0 : i32
    %dma_start3A_29 = tpu.memref_slice %arg6[%dma_start3A_26, %dma_start3A_27, %dma_start3A_28] : memref<2x4x80xi32, #tpu.memory_space<vmem>> -> memref<1x1x80xi32, #tpu.memory_space<vmem>>
    %dma_start3A_30 = tpu.memref_squeeze %dma_start3A_29 : memref<1x1x80xi32, #tpu.memory_space<vmem>> -> memref<80xi32, #tpu.memory_space<vmem>>
    %dma_start3A_31 = tpu.memref_slice %arg3[%add3A_25] : memref<640000xi32, #tpu.memory_space<hbm>> -> memref<80xi32, #tpu.memory_space<hbm>>
    %dma_start3A_32 = arith.constant 0 : i32
    %dma_start3A_33 = tpu.memref_slice %arg6[%dma_start3A_26, %dma_start3A_27, %dma_start3A_32] : memref<2x4x80xi32, #tpu.memory_space<vmem>> -> memref<1x1x80xi32, #tpu.memory_space<vmem>>
    %dma_start3A_34 = tpu.memref_squeeze %dma_start3A_33 : memref<1x1x80xi32, #tpu.memory_space<vmem>> -> memref<80xi32, #tpu.memory_space<vmem>>
    %dma_start3A_35 = tpu.memref_slice %arg3[%add3A_25] : memref<640000xi32, #tpu.memory_space<hbm>> -> memref<80xi32, #tpu.memory_space<hbm>>
    tpu.enqueue_dma source(%dma_start3A_35 : memref<80xi32, #tpu.memory_space<hbm>>) target(%dma_start3A_34 : memref<80xi32, #tpu.memory_space<vmem>>) target_semaphore(%arg9 : memref<!tpu.dma_semaphore, #tpu.memory_space<semaphore_mem>>)
    %add3A_36 = arith.constant 320000 : i32
    %add3A_37 = arith.addi %add3A_36, %mul3A_2 : i32
    %add3A_38 = arith.constant 160 : i32
    %add3A_39 = arith.addi %add3A_37, %add3A_38 : i32
    %dma_start3A_40 = arith.constant 0 : i32
    %dma_start3A_41 = arith.constant 2 : i32
    %dma_start3A_42 = arith.constant 0 : i32
    %dma_start3A_43 = tpu.memref_slice %arg6[%dma_start3A_40, %dma_start3A_41, %dma_start3A_42] : memref<2x4x80xi32, #tpu.memory_space<vmem>> -> memref<1x1x80xi32, #tpu.memory_space<vmem>>
    %dma_start3A_44 = tpu.memref_squeeze %dma_start3A_43 : memref<1x1x80xi32, #tpu.memory_space<vmem>> -> memref<80xi32, #tpu.memory_space<vmem>>
    %dma_start3A_45 = tpu.memref_slice %arg3[%add3A_39] : memref<640000xi32, #tpu.memory_space<hbm>> -> memref<80xi32, #tpu.memory_space<hbm>>
    %dma_start3A_46 = arith.constant 0 : i32
    %dma_start3A_47 = tpu.memref_slice %arg6[%dma_start3A_40, %dma_start3A_41, %dma_start3A_46] : memref<2x4x80xi32, #tpu.memory_space<vmem>> -> memref<1x1x80xi32, #tpu.memory_space<vmem>>
    %dma_start3A_48 = tpu.memref_squeeze %dma_start3A_47 : memref<1x1x80xi32, #tpu.memory_space<vmem>> -> memref<80xi32, #tpu.memory_space<vmem>>
    %dma_start3A_49 = tpu.memref_slice %arg3[%add3A_39] : memref<640000xi32, #tpu.memory_space<hbm>> -> memref<80xi32, #tpu.memory_space<hbm>>
    tpu.enqueue_dma source(%dma_start3A_49 : memref<80xi32, #tpu.memory_space<hbm>>) target(%dma_start3A_48 : memref<80xi32, #tpu.memory_space<vmem>>) target_semaphore(%arg9 : memref<!tpu.dma_semaphore, #tpu.memory_space<semaphore_mem>>)
    %add3A_50 = arith.constant 320000 : i32
    %add3A_51 = arith.addi %add3A_50, %mul3A_2 : i32
    %add3A_52 = arith.constant 240 : i32
    %add3A_53 = arith.addi %add3A_51, %add3A_52 : i32
    %dma_start3A_54 = arith.constant 0 : i32
    %dma_start3A_55 = arith.constant 3 : i32
    %dma_start3A_56 = arith.constant 0 : i32
    %dma_start3A_57 = tpu.memref_slice %arg6[%dma_start3A_54, %dma_start3A_55, %dma_start3A_56] : memref<2x4x80xi32, #tpu.memory_space<vmem>> -> memref<1x1x80xi32, #tpu.memory_space<vmem>>
    %dma_start3A_58 = tpu.memref_squeeze %dma_start3A_57 : memref<1x1x80xi32, #tpu.memory_space<vmem>> -> memref<80xi32, #tpu.memory_space<vmem>>
    %dma_start3A_59 = tpu.memref_slice %arg3[%add3A_53] : memref<640000xi32, #tpu.memory_space<hbm>> -> memref<80xi32, #tpu.memory_space<hbm>>
    %dma_start3A_60 = arith.constant 0 : i32
    %dma_start3A_61 = tpu.memref_slice %arg6[%dma_start3A_54, %dma_start3A_55, %dma_start3A_60] : memref<2x4x80xi32, #tpu.memory_space<vmem>> -> memref<1x1x80xi32, #tpu.memory_space<vmem>>
    %dma_start3A_62 = tpu.memref_squeeze %dma_start3A_61 : memref<1x1x80xi32, #tpu.memory_space<vmem>> -> memref<80xi32, #tpu.memory_space<vmem>>
    %dma_start3A_63 = tpu.memref_slice %arg3[%add3A_53] : memref<640000xi32, #tpu.memory_space<hbm>> -> memref<80xi32, #tpu.memory_space<hbm>>
    tpu.enqueue_dma source(%dma_start3A_63 : memref<80xi32, #tpu.memory_space<hbm>>) target(%dma_start3A_62 : memref<80xi32, #tpu.memory_space<vmem>>) target_semaphore(%arg9 : memref<!tpu.dma_semaphore, #tpu.memory_space<semaphore_mem>>)
    %broadcast_in_dim3A = arith.constant 0.000000e+00 : f32
    %broadcast_in_dim3A_64 = vector.broadcast %broadcast_in_dim3A : f32 to vector<16xf32>
    %scan3A = arith.constant 0 : i32
    %scan3A_65 = arith.constant 0 : i32
    %scan3A_66 = arith.constant 80 : i32
    %scan3A_67 = arith.addi %scan3A_65, %scan3A_66 : i32
    %scan3A_68 = arith.constant 1 : i32
    scf.for %scan3A_161 = %scan3A_65 to %scan3A_67 step %scan3A_68  : i32 {
      %swap3A = arith.index_cast %scan3A_161 : i32 to index
      %swap3A_162 = arith.constant 0 : index
      %swap3A_163 = tpu.vector_load %arg7[%swap3A, %swap3A_162] {strides = array<i32>} : memref<320x128xf32, #tpu.memory_space<vmem>>, vector<1x16xf32>,
      %swap3A_164 = vector.shape_cast %swap3A_163 : vector<1x16xf32> to vector<16xf32>
      %swap3A_165 = vector.shape_cast %broadcast_in_dim3A_64 : vector<16xf32> to vector<1x16xf32>
      tpu.vector_store %arg7[%swap3A, %swap3A_162], %swap3A_165 {strides = array<i32>} : memref<320x128xf32, #tpu.memory_space<vmem>>, vector<1x16xf32>,
      %swap3A_166 = arith.index_cast %scan3A_161 : i32 to index
      %swap3A_167 = arith.constant 16 : index
      %swap3A_168 = tpu.vector_load %arg7[%swap3A_166, %swap3A_167] {strides = array<i32>} : memref<320x128xf32, #tpu.memory_space<vmem>>, vector<1x16xf32>,
      %swap3A_169 = vector.shape_cast %swap3A_168 : vector<1x16xf32> to vector<16xf32>
      %swap3A_170 = vector.shape_cast %broadcast_in_dim3A_64 : vector<16xf32> to vector<1x16xf32>
      tpu.vector_store %arg7[%swap3A_166, %swap3A_167], %swap3A_170 {strides = array<i32>} : memref<320x128xf32, #tpu.memory_space<vmem>>, vector<1x16xf32>,
      %swap3A_171 = arith.index_cast %scan3A_161 : i32 to index
      %swap3A_172 = arith.constant 32 : index
      %swap3A_173 = tpu.vector_load %arg7[%swap3A_171, %swap3A_172] {strides = array<i32>} : memref<320x128xf32, #tpu.memory_space<vmem>>, vector<1x16xf32>,
      %swap3A_174 = vector.shape_cast %swap3A_173 : vector<1x16xf32> to vector<16xf32>
      %swap3A_175 = vector.shape_cast %broadcast_in_dim3A_64 : vector<16xf32> to vector<1x16xf32>
      tpu.vector_store %arg7[%swap3A_171, %swap3A_172], %swap3A_175 {strides = array<i32>} : memref<320x128xf32, #tpu.memory_space<vmem>>, vector<1x16xf32>,
      %swap3A_176 = arith.index_cast %scan3A_161 : i32 to index
      %swap3A_177 = arith.constant 48 : index
      %swap3A_178 = tpu.vector_load %arg7[%swap3A_176, %swap3A_177] {strides = array<i32>} : memref<320x128xf32, #tpu.memory_space<vmem>>, vector<1x16xf32>,
      %swap3A_179 = vector.shape_cast %swap3A_178 : vector<1x16xf32> to vector<16xf32>
      %swap3A_180 = vector.shape_cast %broadcast_in_dim3A_64 : vector<16xf32> to vector<1x16xf32>
      tpu.vector_store %arg7[%swap3A_176, %swap3A_177], %swap3A_180 {strides = array<i32>} : memref<320x128xf32, #tpu.memory_space<vmem>>, vector<1x16xf32>,
      %swap3A_181 = arith.index_cast %scan3A_161 : i32 to index
      %swap3A_182 = arith.constant 64 : index
      %swap3A_183 = tpu.vector_load %arg7[%swap3A_181, %swap3A_182] {strides = array<i32>} : memref<320x128xf32, #tpu.memory_space<vmem>>, vector<1x16xf32>,
      %swap3A_184 = vector.shape_cast %swap3A_183 : vector<1x16xf32> to vector<16xf32>
      %swap3A_185 = vector.shape_cast %broadcast_in_dim3A_64 : vector<16xf32> to vector<1x16xf32>
      tpu.vector_store %arg7[%swap3A_181, %swap3A_182], %swap3A_185 {strides = array<i32>} : memref<320x128xf32, #tpu.memory_space<vmem>>, vector<1x16xf32>,
      %swap3A_186 = arith.index_cast %scan3A_161 : i32 to index
      %swap3A_187 = arith.constant 80 : index
      %swap3A_188 = tpu.vector_load %arg7[%swap3A_186, %swap3A_187] {strides = array<i32>} : memref<320x128xf32, #tpu.memory_space<vmem>>, vector<1x16xf32>,
      %swap3A_189 = vector.shape_cast %swap3A_188 : vector<1x16xf32> to vector<16xf32>
      %swap3A_190 = vector.shape_cast %broadcast_in_dim3A_64 : vector<16xf32> to vector<1x16xf32>
      tpu.vector_store %arg7[%swap3A_186, %swap3A_187], %swap3A_190 {strides = array<i32>} : memref<320x128xf32, #tpu.memory_space<vmem>>, vector<1x16xf32>,
      %swap3A_191 = arith.index_cast %scan3A_161 : i32 to index
      %swap3A_192 = arith.constant 96 : index
      %swap3A_193 = tpu.vector_load %arg7[%swap3A_191, %swap3A_192] {strides = array<i32>} : memref<320x128xf32, #tpu.memory_space<vmem>>, vector<1x16xf32>,
      %swap3A_194 = vector.shape_cast %swap3A_193 : vector<1x16xf32> to vector<16xf32>
      %swap3A_195 = vector.shape_cast %broadcast_in_dim3A_64 : vector<16xf32> to vector<1x16xf32>
      tpu.vector_store %arg7[%swap3A_191, %swap3A_192], %swap3A_195 {strides = array<i32>} : memref<320x128xf32, #tpu.memory_space<vmem>>, vector<1x16xf32>,
      %swap3A_196 = arith.index_cast %scan3A_161 : i32 to index
      %swap3A_197 = arith.constant 112 : index
      %swap3A_198 = tpu.vector_load %arg7[%swap3A_196, %swap3A_197] {strides = array<i32>} : memref<320x128xf32, #tpu.memory_space<vmem>>, vector<1x16xf32>,
      %swap3A_199 = vector.shape_cast %swap3A_198 : vector<1x16xf32> to vector<16xf32>
      %swap3A_200 = vector.shape_cast %broadcast_in_dim3A_64 : vector<16xf32> to vector<1x16xf32>
      tpu.vector_store %arg7[%swap3A_196, %swap3A_197], %swap3A_200 {strides = array<i32>} : memref<320x128xf32, #tpu.memory_space<vmem>>, vector<1x16xf32>,
    }
    %scan3A_69 = arith.constant 80 : i32
    %mul3A_70 = arith.constant 632 : i32
    %mul3A_71 = arith.muli %arg1, %mul3A_70 : i32
    %add3A_72 = arith.constant 0 : i32
    %add3A_73 = arith.addi %mul3A_71, %add3A_72 : i32
    "tpu.region"() ({
      %run_scoped3A_161 = tpu.sem_alloc : memref<!tpu.dma_semaphore, #tpu.memory_space<semaphore_mem>>
      %dma_start3A_162 = arith.constant 0 : i32
      %dma_start3A_163 = arith.constant 0 : i32
      %dma_start3A_164 = tpu.memref_slice %arg7[%dma_start3A_162, %dma_start3A_163] : memref<320x128xf32, #tpu.memory_space<vmem>> -> memref<80x128xf32, #tpu.memory_space<vmem>>
      %dma_start3A_165 = arith.constant 0 : i32
      %dma_start3A_166 = tpu.memref_slice %arg8[%add3A_73, %dma_start3A_165] : memref<10112x128xf32, #tpu.memory_space<vmem_shared>> -> memref<80x128xf32, #tpu.memory_space<vmem_shared>>
      %dma_start3A_167 = arith.constant 0 : i32
      %dma_start3A_168 = tpu.memref_slice %arg8[%add3A_73, %dma_start3A_167] : memref<10112x128xf32, #tpu.memory_space<vmem_shared>> -> memref<80x128xf32, #tpu.memory_space<vmem_shared>>
      %dma_start3A_169 = arith.constant 0 : i32
      %dma_start3A_170 = arith.constant 0 : i32
      %dma_start3A_171 = tpu.memref_slice %arg7[%dma_start3A_169, %dma_start3A_170] : memref<320x128xf32, #tpu.memory_space<vmem>> -> memref<80x128xf32, #tpu.memory_space<vmem>>
      tpu.enqueue_dma source(%dma_start3A_171 : memref<80x128xf32, #tpu.memory_space<vmem>>) target(%dma_start3A_168 : memref<80x128xf32, #tpu.memory_space<vmem_shared>>) target_semaphore(%run_scoped3A_161 : memref<!tpu.dma_semaphore, #tpu.memory_space<semaphore_mem>>)
      %dma_wait3A_172 = arith.constant 0 : i32
      %dma_wait3A_173 = arith.constant 0 : i32
      %dma_wait3A_174 = tpu.memref_slice %arg7[%dma_wait3A_172, %dma_wait3A_173] : memref<320x128xf32, #tpu.memory_space<vmem>> -> memref<80x128xf32, #tpu.memory_space<vmem>>
      %dma_wait3A_175 = arith.constant 0 : i32
      %dma_wait3A_176 = tpu.memref_slice %arg8[%add3A_73, %dma_wait3A_175] : memref<10112x128xf32, #tpu.memory_space<vmem_shared>> -> memref<80x128xf32, #tpu.memory_space<vmem_shared>>
      %dma_wait3A_177 = arith.constant 0 : i32
      %dma_wait3A_178 = tpu.memref_slice %arg8[%add3A_73, %dma_wait3A_177] : memref<10112x128xf32, #tpu.memory_space<vmem_shared>> -> memref<80x128xf32, #tpu.memory_space<vmem_shared>>
      %dma_wait3A_179 = arith.constant 0 : i32
      %dma_wait3A_180 = arith.constant 0 : i32
      %dma_wait3A_181 = tpu.memref_slice %arg7[%dma_wait3A_179, %dma_wait3A_180] : memref<320x128xf32, #tpu.memory_space<vmem>> -> memref<80x128xf32, #tpu.memory_space<vmem>>
      tpu.wait_dma2 semaphore(%run_scoped3A_161 : memref<!tpu.dma_semaphore, #tpu.memory_space<semaphore_mem>>) src(%dma_wait3A_181 : memref<80x128xf32, #tpu.memory_space<vmem>>) dst(%dma_wait3A_178 : memref<80x128xf32, #tpu.memory_space<vmem_shared>>)
      tpu.yield
    }) : () -> ()
    %mul3A_74 = arith.constant 632 : i32
    %mul3A_75 = arith.muli %arg1, %mul3A_74 : i32
    %add3A_76 = arith.constant 80 : i32
    %add3A_77 = arith.addi %mul3A_75, %add3A_76 : i32
    "tpu.region"() ({
      %run_scoped3A_161 = tpu.sem_alloc : memref<!tpu.dma_semaphore, #tpu.memory_space<semaphore_mem>>
      %dma_start3A_162 = arith.constant 0 : i32
      %dma_start3A_163 = arith.constant 0 : i32
      %dma_start3A_164 = tpu.memref_slice %arg7[%dma_start3A_162, %dma_start3A_163] : memref<320x128xf32, #tpu.memory_space<vmem>> -> memref<80x128xf32, #tpu.memory_space<vmem>>
      %dma_start3A_165 = arith.constant 0 : i32
      %dma_start3A_166 = tpu.memref_slice %arg8[%add3A_77, %dma_start3A_165] : memref<10112x128xf32, #tpu.memory_space<vmem_shared>> -> memref<80x128xf32, #tpu.memory_space<vmem_shared>>
      %dma_start3A_167 = arith.constant 0 : i32
      %dma_start3A_168 = tpu.memref_slice %arg8[%add3A_77, %dma_start3A_167] : memref<10112x128xf32, #tpu.memory_space<vmem_shared>> -> memref<80x128xf32, #tpu.memory_space<vmem_shared>>
      %dma_start3A_169 = arith.constant 0 : i32
      %dma_start3A_170 = arith.constant 0 : i32
      %dma_start3A_171 = tpu.memref_slice %arg7[%dma_start3A_169, %dma_start3A_170] : memref<320x128xf32, #tpu.memory_space<vmem>> -> memref<80x128xf32, #tpu.memory_space<vmem>>
      tpu.enqueue_dma source(%dma_start3A_171 : memref<80x128xf32, #tpu.memory_space<vmem>>) target(%dma_start3A_168 : memref<80x128xf32, #tpu.memory_space<vmem_shared>>) target_semaphore(%run_scoped3A_161 : memref<!tpu.dma_semaphore, #tpu.memory_space<semaphore_mem>>)
      %dma_wait3A_172 = arith.constant 0 : i32
      %dma_wait3A_173 = arith.constant 0 : i32
      %dma_wait3A_174 = tpu.memref_slice %arg7[%dma_wait3A_172, %dma_wait3A_173] : memref<320x128xf32, #tpu.memory_space<vmem>> -> memref<80x128xf32, #tpu.memory_space<vmem>>
      %dma_wait3A_175 = arith.constant 0 : i32
      %dma_wait3A_176 = tpu.memref_slice %arg8[%add3A_77, %dma_wait3A_175] : memref<10112x128xf32, #tpu.memory_space<vmem_shared>> -> memref<80x128xf32, #tpu.memory_space<vmem_shared>>
      %dma_wait3A_177 = arith.constant 0 : i32
      %dma_wait3A_178 = tpu.memref_slice %arg8[%add3A_77, %dma_wait3A_177] : memref<10112x128xf32, #tpu.memory_space<vmem_shared>> -> memref<80x128xf32, #tpu.memory_space<vmem_shared>>
      %dma_wait3A_179 = arith.constant 0 : i32
      %dma_wait3A_180 = arith.constant 0 : i32
      %dma_wait3A_181 = tpu.memref_slice %arg7[%dma_wait3A_179, %dma_wait3A_180] : memref<320x128xf32, #tpu.memory_space<vmem>> -> memref<80x128xf32, #tpu.memory_space<vmem>>
      tpu.wait_dma2 semaphore(%run_scoped3A_161 : memref<!tpu.dma_semaphore, #tpu.memory_space<semaphore_mem>>) src(%dma_wait3A_181 : memref<80x128xf32, #tpu.memory_space<vmem>>) dst(%dma_wait3A_178 : memref<80x128xf32, #tpu.memory_space<vmem_shared>>)
      tpu.yield
    }) : () -> ()
    %mul3A_78 = arith.constant 632 : i32
    %mul3A_79 = arith.muli %arg1, %mul3A_78 : i32
    %add3A_80 = arith.constant 160 : i32
    %add3A_81 = arith.addi %mul3A_79, %add3A_80 : i32
    "tpu.region"() ({
      %run_scoped3A_161 = tpu.sem_alloc : memref<!tpu.dma_semaphore, #tpu.memory_space<semaphore_mem>>
      %dma_start3A_162 = arith.constant 0 : i32
      %dma_start3A_163 = arith.constant 0 : i32
      %dma_start3A_164 = tpu.memref_slice %arg7[%dma_start3A_162, %dma_start3A_163] : memref<320x128xf32, #tpu.memory_space<vmem>> -> memref<80x128xf32, #tpu.memory_space<vmem>>
      %dma_start3A_165 = arith.constant 0 : i32
      %dma_start3A_166 = tpu.memref_slice %arg8[%add3A_81, %dma_start3A_165] : memref<10112x128xf32, #tpu.memory_space<vmem_shared>> -> memref<80x128xf32, #tpu.memory_space<vmem_shared>>
      %dma_start3A_167 = arith.constant 0 : i32
      %dma_start3A_168 = tpu.memref_slice %arg8[%add3A_81, %dma_start3A_167] : memref<10112x128xf32, #tpu.memory_space<vmem_shared>> -> memref<80x128xf32, #tpu.memory_space<vmem_shared>>
      %dma_start3A_169 = arith.constant 0 : i32
      %dma_start3A_170 = arith.constant 0 : i32
      %dma_start3A_171 = tpu.memref_slice %arg7[%dma_start3A_169, %dma_start3A_170] : memref<320x128xf32, #tpu.memory_space<vmem>> -> memref<80x128xf32, #tpu.memory_space<vmem>>
      tpu.enqueue_dma source(%dma_start3A_171 : memref<80x128xf32, #tpu.memory_space<vmem>>) target(%dma_start3A_168 : memref<80x128xf32, #tpu.memory_space<vmem_shared>>) target_semaphore(%run_scoped3A_161 : memref<!tpu.dma_semaphore, #tpu.memory_space<semaphore_mem>>)
      %dma_wait3A_172 = arith.constant 0 : i32
      %dma_wait3A_173 = arith.constant 0 : i32
      %dma_wait3A_174 = tpu.memref_slice %arg7[%dma_wait3A_172, %dma_wait3A_173] : memref<320x128xf32, #tpu.memory_space<vmem>> -> memref<80x128xf32, #tpu.memory_space<vmem>>
      %dma_wait3A_175 = arith.constant 0 : i32
      %dma_wait3A_176 = tpu.memref_slice %arg8[%add3A_81, %dma_wait3A_175] : memref<10112x128xf32, #tpu.memory_space<vmem_shared>> -> memref<80x128xf32, #tpu.memory_space<vmem_shared>>
      %dma_wait3A_177 = arith.constant 0 : i32
      %dma_wait3A_178 = tpu.memref_slice %arg8[%add3A_81, %dma_wait3A_177] : memref<10112x128xf32, #tpu.memory_space<vmem_shared>> -> memref<80x128xf32, #tpu.memory_space<vmem_shared>>
      %dma_wait3A_179 = arith.constant 0 : i32
      %dma_wait3A_180 = arith.constant 0 : i32
      %dma_wait3A_181 = tpu.memref_slice %arg7[%dma_wait3A_179, %dma_wait3A_180] : memref<320x128xf32, #tpu.memory_space<vmem>> -> memref<80x128xf32, #tpu.memory_space<vmem>>
      tpu.wait_dma2 semaphore(%run_scoped3A_161 : memref<!tpu.dma_semaphore, #tpu.memory_space<semaphore_mem>>) src(%dma_wait3A_181 : memref<80x128xf32, #tpu.memory_space<vmem>>) dst(%dma_wait3A_178 : memref<80x128xf32, #tpu.memory_space<vmem_shared>>)
      tpu.yield
    }) : () -> ()
    %mul3A_82 = arith.constant 632 : i32
    %mul3A_83 = arith.muli %arg1, %mul3A_82 : i32
    %add3A_84 = arith.constant 240 : i32
    %add3A_85 = arith.addi %mul3A_83, %add3A_84 : i32
    "tpu.region"() ({
      %run_scoped3A_161 = tpu.sem_alloc : memref<!tpu.dma_semaphore, #tpu.memory_space<semaphore_mem>>
      %dma_start3A_162 = arith.constant 0 : i32
      %dma_start3A_163 = arith.constant 0 : i32
      %dma_start3A_164 = tpu.memref_slice %arg7[%dma_start3A_162, %dma_start3A_163] : memref<320x128xf32, #tpu.memory_space<vmem>> -> memref<80x128xf32, #tpu.memory_space<vmem>>
      %dma_start3A_165 = arith.constant 0 : i32
      %dma_start3A_166 = tpu.memref_slice %arg8[%add3A_85, %dma_start3A_165] : memref<10112x128xf32, #tpu.memory_space<vmem_shared>> -> memref<80x128xf32, #tpu.memory_space<vmem_shared>>
      %dma_start3A_167 = arith.constant 0 : i32
      %dma_start3A_168 = tpu.memref_slice %arg8[%add3A_85, %dma_start3A_167] : memref<10112x128xf32, #tpu.memory_space<vmem_shared>> -> memref<80x128xf32, #tpu.memory_space<vmem_shared>>
      %dma_start3A_169 = arith.constant 0 : i32
      %dma_start3A_170 = arith.constant 0 : i32
      %dma_start3A_171 = tpu.memref_slice %arg7[%dma_start3A_169, %dma_start3A_170] : memref<320x128xf32, #tpu.memory_space<vmem>> -> memref<80x128xf32, #tpu.memory_space<vmem>>
      tpu.enqueue_dma source(%dma_start3A_171 : memref<80x128xf32, #tpu.memory_space<vmem>>) target(%dma_start3A_168 : memref<80x128xf32, #tpu.memory_space<vmem_shared>>) target_semaphore(%run_scoped3A_161 : memref<!tpu.dma_semaphore, #tpu.memory_space<semaphore_mem>>)
      %dma_wait3A_172 = arith.constant 0 : i32
      %dma_wait3A_173 = arith.constant 0 : i32
      %dma_wait3A_174 = tpu.memref_slice %arg7[%dma_wait3A_172, %dma_wait3A_173] : memref<320x128xf32, #tpu.memory_space<vmem>> -> memref<80x128xf32, #tpu.memory_space<vmem>>
      %dma_wait3A_175 = arith.constant 0 : i32
      %dma_wait3A_176 = tpu.memref_slice %arg8[%add3A_85, %dma_wait3A_175] : memref<10112x128xf32, #tpu.memory_space<vmem_shared>> -> memref<80x128xf32, #tpu.memory_space<vmem_shared>>
      %dma_wait3A_177 = arith.constant 0 : i32
      %dma_wait3A_178 = tpu.memref_slice %arg8[%add3A_85, %dma_wait3A_177] : memref<10112x128xf32, #tpu.memory_space<vmem_shared>> -> memref<80x128xf32, #tpu.memory_space<vmem_shared>>
      %dma_wait3A_179 = arith.constant 0 : i32
      %dma_wait3A_180 = arith.constant 0 : i32
      %dma_wait3A_181 = tpu.memref_slice %arg7[%dma_wait3A_179, %dma_wait3A_180] : memref<320x128xf32, #tpu.memory_space<vmem>> -> memref<80x128xf32, #tpu.memory_space<vmem>>
      tpu.wait_dma2 semaphore(%run_scoped3A_161 : memref<!tpu.dma_semaphore, #tpu.memory_space<semaphore_mem>>) src(%dma_wait3A_181 : memref<80x128xf32, #tpu.memory_space<vmem>>) dst(%dma_wait3A_178 : memref<80x128xf32, #tpu.memory_space<vmem_shared>>)
      tpu.yield
    }) : () -> ()
    %mul3A_86 = arith.constant 632 : i32
    %mul3A_87 = arith.muli %arg1, %mul3A_86 : i32
    %add3A_88 = arith.constant 320 : i32
    %add3A_89 = arith.addi %mul3A_87, %add3A_88 : i32
    "tpu.region"() ({
      %run_scoped3A_161 = tpu.sem_alloc : memref<!tpu.dma_semaphore, #tpu.memory_space<semaphore_mem>>
      %dma_start3A_162 = arith.constant 0 : i32
      %dma_start3A_163 = arith.constant 0 : i32
      %dma_start3A_164 = tpu.memref_slice %arg7[%dma_start3A_162, %dma_start3A_163] : memref<320x128xf32, #tpu.memory_space<vmem>> -> memref<80x128xf32, #tpu.memory_space<vmem>>
      %dma_start3A_165 = arith.constant 0 : i32
      %dma_start3A_166 = tpu.memref_slice %arg8[%add3A_89, %dma_start3A_165] : memref<10112x128xf32, #tpu.memory_space<vmem_shared>> -> memref<80x128xf32, #tpu.memory_space<vmem_shared>>
      %dma_start3A_167 = arith.constant 0 : i32
      %dma_start3A_168 = tpu.memref_slice %arg8[%add3A_89, %dma_start3A_167] : memref<10112x128xf32, #tpu.memory_space<vmem_shared>> -> memref<80x128xf32, #tpu.memory_space<vmem_shared>>
      %dma_start3A_169 = arith.constant 0 : i32
      %dma_start3A_170 = arith.constant 0 : i32
      %dma_start3A_171 = tpu.memref_slice %arg7[%dma_start3A_169, %dma_start3A_170] : memref<320x128xf32, #tpu.memory_space<vmem>> -> memref<80x128xf32, #tpu.memory_space<vmem>>
      tpu.enqueue_dma source(%dma_start3A_171 : memref<80x128xf32, #tpu.memory_space<vmem>>) target(%dma_start3A_168 : memref<80x128xf32, #tpu.memory_space<vmem_shared>>) target_semaphore(%run_scoped3A_161 : memref<!tpu.dma_semaphore, #tpu.memory_space<semaphore_mem>>)
      %dma_wait3A_172 = arith.constant 0 : i32
      %dma_wait3A_173 = arith.constant 0 : i32
      %dma_wait3A_174 = tpu.memref_slice %arg7[%dma_wait3A_172, %dma_wait3A_173] : memref<320x128xf32, #tpu.memory_space<vmem>> -> memref<80x128xf32, #tpu.memory_space<vmem>>
      %dma_wait3A_175 = arith.constant 0 : i32
      %dma_wait3A_176 = tpu.memref_slice %arg8[%add3A_89, %dma_wait3A_175] : memref<10112x128xf32, #tpu.memory_space<vmem_shared>> -> memref<80x128xf32, #tpu.memory_space<vmem_shared>>
      %dma_wait3A_177 = arith.constant 0 : i32
      %dma_wait3A_178 = tpu.memref_slice %arg8[%add3A_89, %dma_wait3A_177] : memref<10112x128xf32, #tpu.memory_space<vmem_shared>> -> memref<80x128xf32, #tpu.memory_space<vmem_shared>>
      %dma_wait3A_179 = arith.constant 0 : i32
      %dma_wait3A_180 = arith.constant 0 : i32
      %dma_wait3A_181 = tpu.memref_slice %arg7[%dma_wait3A_179, %dma_wait3A_180] : memref<320x128xf32, #tpu.memory_space<vmem>> -> memref<80x128xf32, #tpu.memory_space<vmem>>
      tpu.wait_dma2 semaphore(%run_scoped3A_161 : memref<!tpu.dma_semaphore, #tpu.memory_space<semaphore_mem>>) src(%dma_wait3A_181 : memref<80x128xf32, #tpu.memory_space<vmem>>) dst(%dma_wait3A_178 : memref<80x128xf32, #tpu.memory_space<vmem_shared>>)
      tpu.yield
    }) : () -> ()
    %mul3A_90 = arith.constant 632 : i32
    %mul3A_91 = arith.muli %arg1, %mul3A_90 : i32
    %add3A_92 = arith.constant 400 : i32
    %add3A_93 = arith.addi %mul3A_91, %add3A_92 : i32
    "tpu.region"() ({
      %run_scoped3A_161 = tpu.sem_alloc : memref<!tpu.dma_semaphore, #tpu.memory_space<semaphore_mem>>
      %dma_start3A_162 = arith.constant 0 : i32
      %dma_start3A_163 = arith.constant 0 : i32
      %dma_start3A_164 = tpu.memref_slice %arg7[%dma_start3A_162, %dma_start3A_163] : memref<320x128xf32, #tpu.memory_space<vmem>> -> memref<80x128xf32, #tpu.memory_space<vmem>>
      %dma_start3A_165 = arith.constant 0 : i32
      %dma_start3A_166 = tpu.memref_slice %arg8[%add3A_93, %dma_start3A_165] : memref<10112x128xf32, #tpu.memory_space<vmem_shared>> -> memref<80x128xf32, #tpu.memory_space<vmem_shared>>
      %dma_start3A_167 = arith.constant 0 : i32
      %dma_start3A_168 = tpu.memref_slice %arg8[%add3A_93, %dma_start3A_167] : memref<10112x128xf32, #tpu.memory_space<vmem_shared>> -> memref<80x128xf32, #tpu.memory_space<vmem_shared>>
      %dma_start3A_169 = arith.constant 0 : i32
      %dma_start3A_170 = arith.constant 0 : i32
      %dma_start3A_171 = tpu.memref_slice %arg7[%dma_start3A_169, %dma_start3A_170] : memref<320x128xf32, #tpu.memory_space<vmem>> -> memref<80x128xf32, #tpu.memory_space<vmem>>
      tpu.enqueue_dma source(%dma_start3A_171 : memref<80x128xf32, #tpu.memory_space<vmem>>) target(%dma_start3A_168 : memref<80x128xf32, #tpu.memory_space<vmem_shared>>) target_semaphore(%run_scoped3A_161 : memref<!tpu.dma_semaphore, #tpu.memory_space<semaphore_mem>>)
      %dma_wait3A_172 = arith.constant 0 : i32
      %dma_wait3A_173 = arith.constant 0 : i32
      %dma_wait3A_174 = tpu.memref_slice %arg7[%dma_wait3A_172, %dma_wait3A_173] : memref<320x128xf32, #tpu.memory_space<vmem>> -> memref<80x128xf32, #tpu.memory_space<vmem>>
      %dma_wait3A_175 = arith.constant 0 : i32
      %dma_wait3A_176 = tpu.memref_slice %arg8[%add3A_93, %dma_wait3A_175] : memref<10112x128xf32, #tpu.memory_space<vmem_shared>> -> memref<80x128xf32, #tpu.memory_space<vmem_shared>>
      %dma_wait3A_177 = arith.constant 0 : i32
      %dma_wait3A_178 = tpu.memref_slice %arg8[%add3A_93, %dma_wait3A_177] : memref<10112x128xf32, #tpu.memory_space<vmem_shared>> -> memref<80x128xf32, #tpu.memory_space<vmem_shared>>
      %dma_wait3A_179 = arith.constant 0 : i32
      %dma_wait3A_180 = arith.constant 0 : i32
      %dma_wait3A_181 = tpu.memref_slice %arg7[%dma_wait3A_179, %dma_wait3A_180] : memref<320x128xf32, #tpu.memory_space<vmem>> -> memref<80x128xf32, #tpu.memory_space<vmem>>
      tpu.wait_dma2 semaphore(%run_scoped3A_161 : memref<!tpu.dma_semaphore, #tpu.memory_space<semaphore_mem>>) src(%dma_wait3A_181 : memref<80x128xf32, #tpu.memory_space<vmem>>) dst(%dma_wait3A_178 : memref<80x128xf32, #tpu.memory_space<vmem_shared>>)
      tpu.yield
    }) : () -> ()
    %mul3A_94 = arith.constant 632 : i32
    %mul3A_95 = arith.muli %arg1, %mul3A_94 : i32
    %add3A_96 = arith.constant 480 : i32
    %add3A_97 = arith.addi %mul3A_95, %add3A_96 : i32
    "tpu.region"() ({
      %run_scoped3A_161 = tpu.sem_alloc : memref<!tpu.dma_semaphore, #tpu.memory_space<semaphore_mem>>
      %dma_start3A_162 = arith.constant 0 : i32
      %dma_start3A_163 = arith.constant 0 : i32
      %dma_start3A_164 = tpu.memref_slice %arg7[%dma_start3A_162, %dma_start3A_163] : memref<320x128xf32, #tpu.memory_space<vmem>> -> memref<80x128xf32, #tpu.memory_space<vmem>>
      %dma_start3A_165 = arith.constant 0 : i32
      %dma_start3A_166 = tpu.memref_slice %arg8[%add3A_97, %dma_start3A_165] : memref<10112x128xf32, #tpu.memory_space<vmem_shared>> -> memref<80x128xf32, #tpu.memory_space<vmem_shared>>
      %dma_start3A_167 = arith.constant 0 : i32
      %dma_start3A_168 = tpu.memref_slice %arg8[%add3A_97, %dma_start3A_167] : memref<10112x128xf32, #tpu.memory_space<vmem_shared>> -> memref<80x128xf32, #tpu.memory_space<vmem_shared>>
      %dma_start3A_169 = arith.constant 0 : i32
      %dma_start3A_170 = arith.constant 0 : i32
      %dma_start3A_171 = tpu.memref_slice %arg7[%dma_start3A_169, %dma_start3A_170] : memref<320x128xf32, #tpu.memory_space<vmem>> -> memref<80x128xf32, #tpu.memory_space<vmem>>
      tpu.enqueue_dma source(%dma_start3A_171 : memref<80x128xf32, #tpu.memory_space<vmem>>) target(%dma_start3A_168 : memref<80x128xf32, #tpu.memory_space<vmem_shared>>) target_semaphore(%run_scoped3A_161 : memref<!tpu.dma_semaphore, #tpu.memory_space<semaphore_mem>>)
      %dma_wait3A_172 = arith.constant 0 : i32
      %dma_wait3A_173 = arith.constant 0 : i32
      %dma_wait3A_174 = tpu.memref_slice %arg7[%dma_wait3A_172, %dma_wait3A_173] : memref<320x128xf32, #tpu.memory_space<vmem>> -> memref<80x128xf32, #tpu.memory_space<vmem>>
      %dma_wait3A_175 = arith.constant 0 : i32
      %dma_wait3A_176 = tpu.memref_slice %arg8[%add3A_97, %dma_wait3A_175] : memref<10112x128xf32, #tpu.memory_space<vmem_shared>> -> memref<80x128xf32, #tpu.memory_space<vmem_shared>>
      %dma_wait3A_177 = arith.constant 0 : i32
      %dma_wait3A_178 = tpu.memref_slice %arg8[%add3A_97, %dma_wait3A_177] : memref<10112x128xf32, #tpu.memory_space<vmem_shared>> -> memref<80x128xf32, #tpu.memory_space<vmem_shared>>
      %dma_wait3A_179 = arith.constant 0 : i32
      %dma_wait3A_180 = arith.constant 0 : i32
      %dma_wait3A_181 = tpu.memref_slice %arg7[%dma_wait3A_179, %dma_wait3A_180] : memref<320x128xf32, #tpu.memory_space<vmem>> -> memref<80x128xf32, #tpu.memory_space<vmem>>
      tpu.wait_dma2 semaphore(%run_scoped3A_161 : memref<!tpu.dma_semaphore, #tpu.memory_space<semaphore_mem>>) src(%dma_wait3A_181 : memref<80x128xf32, #tpu.memory_space<vmem>>) dst(%dma_wait3A_178 : memref<80x128xf32, #tpu.memory_space<vmem_shared>>)
      tpu.yield
    }) : () -> ()
    %mul3A_98 = arith.constant 632 : i32
    %mul3A_99 = arith.muli %arg1, %mul3A_98 : i32
    %add3A_100 = arith.constant 560 : i32
    %add3A_101 = arith.addi %mul3A_99, %add3A_100 : i32
    "tpu.region"() ({
      %run_scoped3A_161 = tpu.sem_alloc : memref<!tpu.dma_semaphore, #tpu.memory_space<semaphore_mem>>
      %dma_start3A_162 = arith.constant 0 : i32
      %dma_start3A_163 = arith.constant 0 : i32
      %dma_start3A_164 = tpu.memref_slice %arg7[%dma_start3A_162, %dma_start3A_163] : memref<320x128xf32, #tpu.memory_space<vmem>> -> memref<72x128xf32, #tpu.memory_space<vmem>>
      %dma_start3A_165 = arith.constant 0 : i32
      %dma_start3A_166 = tpu.memref_slice %arg8[%add3A_101, %dma_start3A_165] : memref<10112x128xf32, #tpu.memory_space<vmem_shared>> -> memref<72x128xf32, #tpu.memory_space<vmem_shared>>
      %dma_start3A_167 = arith.constant 0 : i32
      %dma_start3A_168 = tpu.memref_slice %arg8[%add3A_101, %dma_start3A_167] : memref<10112x128xf32, #tpu.memory_space<vmem_shared>> -> memref<72x128xf32, #tpu.memory_space<vmem_shared>>
      %dma_start3A_169 = arith.constant 0 : i32
      %dma_start3A_170 = arith.constant 0 : i32
      %dma_start3A_171 = tpu.memref_slice %arg7[%dma_start3A_169, %dma_start3A_170] : memref<320x128xf32, #tpu.memory_space<vmem>> -> memref<72x128xf32, #tpu.memory_space<vmem>>
      tpu.enqueue_dma source(%dma_start3A_171 : memref<72x128xf32, #tpu.memory_space<vmem>>) target(%dma_start3A_168 : memref<72x128xf32, #tpu.memory_space<vmem_shared>>) target_semaphore(%run_scoped3A_161 : memref<!tpu.dma_semaphore, #tpu.memory_space<semaphore_mem>>)
      %dma_wait3A_172 = arith.constant 0 : i32
      %dma_wait3A_173 = arith.constant 0 : i32
      %dma_wait3A_174 = tpu.memref_slice %arg7[%dma_wait3A_172, %dma_wait3A_173] : memref<320x128xf32, #tpu.memory_space<vmem>> -> memref<72x128xf32, #tpu.memory_space<vmem>>
      %dma_wait3A_175 = arith.constant 0 : i32
      %dma_wait3A_176 = tpu.memref_slice %arg8[%add3A_101, %dma_wait3A_175] : memref<10112x128xf32, #tpu.memory_space<vmem_shared>> -> memref<72x128xf32, #tpu.memory_space<vmem_shared>>
      %dma_wait3A_177 = arith.constant 0 : i32
      %dma_wait3A_178 = tpu.memref_slice %arg8[%add3A_101, %dma_wait3A_177] : memref<10112x128xf32, #tpu.memory_space<vmem_shared>> -> memref<72x128xf32, #tpu.memory_space<vmem_shared>>
      %dma_wait3A_179 = arith.constant 0 : i32
      %dma_wait3A_180 = arith.constant 0 : i32
      %dma_wait3A_181 = tpu.memref_slice %arg7[%dma_wait3A_179, %dma_wait3A_180] : memref<320x128xf32, #tpu.memory_space<vmem>> -> memref<72x128xf32, #tpu.memory_space<vmem>>
      tpu.wait_dma2 semaphore(%run_scoped3A_161 : memref<!tpu.dma_semaphore, #tpu.memory_space<semaphore_mem>>) src(%dma_wait3A_181 : memref<72x128xf32, #tpu.memory_space<vmem>>) dst(%dma_wait3A_178 : memref<72x128xf32, #tpu.memory_space<vmem_shared>>)
      tpu.yield
    }) : () -> ()
    %barrier3A = arith.constant 0 : index
    tpu.barrier barrier_id(%barrier3A)
    %scan3A_102 = arith.constant 0 : i32
    %scan3A_103 = arith.constant 0 : i32
    %scan3A_104 = arith.constant 31 : i32
    %scan3A_105 = arith.addi %scan3A_103, %scan3A_104 : i32
    %scan3A_106 = arith.constant 1 : i32
    scf.for %scan3A_161 = %scan3A_103 to %scan3A_105 step %scan3A_106  : i32 {
      %rem3A = arith.constant 2 : i32
      %rem3A_162 = arith.remsi %scan3A_161, %rem3A : i32
      %gt3A = arith.constant 0 : i32
      %gt3A_163 = arith.cmpi sgt, %scan3A_161, %gt3A : i32
      %convert_element_type3A = arith.extui %gt3A_163 : i1 to i32
      %cond3A = arith.constant 0 : i32
      %cond3A_164 = arith.cmpi ne, %convert_element_type3A, %cond3A : i32
      scf.if %cond3A_164 {
        %dma_wait3A_300 = arith.constant 0 : i32
        %dma_wait3A_301 = arith.constant 0 : i32
        %dma_wait3A_302 = tpu.memref_slice %arg2[%dma_wait3A_300, %dma_wait3A_301] : memref<10000x128xf32, #tpu.memory_space<hbm>> -> memref<320x128xf32, #tpu.memory_space<hbm>>
        %dma_wait3A_303 = arith.constant 0 : i32
        %dma_wait3A_304 = arith.constant 0 : i32
        %dma_wait3A_305 = tpu.memref_slice %arg2[%dma_wait3A_303, %dma_wait3A_304] : memref<10000x128xf32, #tpu.memory_space<hbm>> -> memref<320x128xf32, #tpu.memory_space<hbm>>
        tpu.wait_dma2 semaphore(%arg12 : memref<!tpu.dma_semaphore, #tpu.memory_space<semaphore_mem>>) src(%dma_wait3A_305 : memref<320x128xf32, #tpu.memory_space<hbm>>) dst(%arg7 : memref<320x128xf32, #tpu.memory_space<vmem>>)
      } else {
      }
      %add3A_165 = arith.constant 1 : i32
      %add3A_166 = arith.addi %scan3A_161, %add3A_165 : i32
      %lt3A = arith.constant 31 : i32
      %lt3A_167 = arith.cmpi slt, %add3A_166, %lt3A : i32
      %convert_element_type3A_168 = arith.extui %lt3A_167 : i1 to i32
      %cond3A_169 = arith.constant 0 : i32
      %cond3A_170 = arith.cmpi ne, %convert_element_type3A_168, %cond3A_169 : i32
      scf.if %cond3A_170 {
        %add3A_300 = arith.constant 1 : i32
        %add3A_301 = arith.addi %scan3A_161, %add3A_300 : i32
        %mul3A_302 = arith.constant 4 : i32
        %mul3A_303 = arith.muli %add3A_301, %mul3A_302 : i32
        %mul3A_304 = arith.constant 80 : i32
        %mul3A_305 = arith.muli %mul3A_303, %mul3A_304 : i32
        %add3A_306 = arith.addi %mul3A_2, %mul3A_305 : i32
        %eq3A_307 = arith.constant 0 : i32
        %eq3A_308 = arith.cmpi eq, %rem3A_162, %eq3A_307 : i32
        %convert_element_type3A_309 = arith.extui %eq3A_308 : i1 to i32
        %cond3A_310 = arith.constant 0 : i32
        %cond3A_311 = arith.cmpi ne, %convert_element_type3A_309, %cond3A_310 : i32
        scf.if %cond3A_311 {
          %dma_start3A_317 = arith.constant 320 : i32
          %dma_start3A_318 = tpu.memref_slice %arg5[%dma_start3A_317] : memref<640xi32, #tpu.memory_space<vmem>> -> memref<320xi32, #tpu.memory_space<vmem>>
          %dma_start3A_319 = tpu.memref_slice %arg3[%add3A_306] : memref<640000xi32, #tpu.memory_space<hbm>> -> memref<320xi32, #tpu.memory_space<hbm>>
          %dma_start3A_320 = arith.constant 320 : i32
          %dma_start3A_321 = tpu.memref_slice %arg5[%dma_start3A_320] : memref<640xi32, #tpu.memory_space<vmem>> -> memref<320xi32, #tpu.memory_space<vmem>>
          %dma_start3A_322 = tpu.memref_slice %arg3[%add3A_306] : memref<640000xi32, #tpu.memory_space<hbm>> -> memref<320xi32, #tpu.memory_space<hbm>>
          tpu.enqueue_dma source(%dma_start3A_322 : memref<320xi32, #tpu.memory_space<hbm>>) target(%dma_start3A_321 : memref<320xi32, #tpu.memory_space<vmem>>) target_semaphore(%arg10 : memref<!tpu.dma_semaphore, #tpu.memory_space<semaphore_mem>>)
          %add3A_323 = arith.constant 320000 : i32
          %add3A_324 = arith.addi %add3A_323, %add3A_306 : i32
          %add3A_325 = arith.constant 0 : i32
          %add3A_326 = arith.addi %add3A_324, %add3A_325 : i32
          %dma_start3A_327 = arith.constant 1 : i32
          %dma_start3A_328 = arith.constant 0 : i32
          %dma_start3A_329 = arith.constant 0 : i32
          %dma_start3A_330 = tpu.memref_slice %arg6[%dma_start3A_327, %dma_start3A_328, %dma_start3A_329] : memref<2x4x80xi32, #tpu.memory_space<vmem>> -> memref<1x1x80xi32, #tpu.memory_space<vmem>>
          %dma_start3A_331 = tpu.memref_squeeze %dma_start3A_330 : memref<1x1x80xi32, #tpu.memory_space<vmem>> -> memref<80xi32, #tpu.memory_space<vmem>>
          %dma_start3A_332 = tpu.memref_slice %arg3[%add3A_326] : memref<640000xi32, #tpu.memory_space<hbm>> -> memref<80xi32, #tpu.memory_space<hbm>>
          %dma_start3A_333 = arith.constant 0 : i32
          %dma_start3A_334 = tpu.memref_slice %arg6[%dma_start3A_327, %dma_start3A_328, %dma_start3A_333] : memref<2x4x80xi32, #tpu.memory_space<vmem>> -> memref<1x1x80xi32, #tpu.memory_space<vmem>>
          %dma_start3A_335 = tpu.memref_squeeze %dma_start3A_334 : memref<1x1x80xi32, #tpu.memory_space<vmem>> -> memref<80xi32, #tpu.memory_space<vmem>>
          %dma_start3A_336 = tpu.memref_slice %arg3[%add3A_326] : memref<640000xi32, #tpu.memory_space<hbm>> -> memref<80xi32, #tpu.memory_space<hbm>>
          tpu.enqueue_dma source(%dma_start3A_336 : memref<80xi32, #tpu.memory_space<hbm>>) target(%dma_start3A_335 : memref<80xi32, #tpu.memory_space<vmem>>) target_semaphore(%arg10 : memref<!tpu.dma_semaphore, #tpu.memory_space<semaphore_mem>>)
          %add3A_337 = arith.constant 320000 : i32
          %add3A_338 = arith.addi %add3A_337, %add3A_306 : i32
          %add3A_339 = arith.constant 80 : i32
          %add3A_340 = arith.addi %add3A_338, %add3A_339 : i32
          %dma_start3A_341 = arith.constant 1 : i32
          %dma_start3A_342 = arith.constant 1 : i32
          %dma_start3A_343 = arith.constant 0 : i32
          %dma_start3A_344 = tpu.memref_slice %arg6[%dma_start3A_341, %dma_start3A_342, %dma_start3A_343] : memref<2x4x80xi32, #tpu.memory_space<vmem>> -> memref<1x1x80xi32, #tpu.memory_space<vmem>>
          %dma_start3A_345 = tpu.memref_squeeze %dma_start3A_344 : memref<1x1x80xi32, #tpu.memory_space<vmem>> -> memref<80xi32, #tpu.memory_space<vmem>>
          %dma_start3A_346 = tpu.memref_slice %arg3[%add3A_340] : memref<640000xi32, #tpu.memory_space<hbm>> -> memref<80xi32, #tpu.memory_space<hbm>>
          %dma_start3A_347 = arith.constant 0 : i32
          %dma_start3A_348 = tpu.memref_slice %arg6[%dma_start3A_341, %dma_start3A_342, %dma_start3A_347] : memref<2x4x80xi32, #tpu.memory_space<vmem>> -> memref<1x1x80xi32, #tpu.memory_space<vmem>>
          %dma_start3A_349 = tpu.memref_squeeze %dma_start3A_348 : memref<1x1x80xi32, #tpu.memory_space<vmem>> -> memref<80xi32, #tpu.memory_space<vmem>>
          %dma_start3A_350 = tpu.memref_slice %arg3[%add3A_340] : memref<640000xi32, #tpu.memory_space<hbm>> -> memref<80xi32, #tpu.memory_space<hbm>>
          tpu.enqueue_dma source(%dma_start3A_350 : memref<80xi32, #tpu.memory_space<hbm>>) target(%dma_start3A_349 : memref<80xi32, #tpu.memory_space<vmem>>) target_semaphore(%arg10 : memref<!tpu.dma_semaphore, #tpu.memory_space<semaphore_mem>>)
          %add3A_351 = arith.constant 320000 : i32
          %add3A_352 = arith.addi %add3A_351, %add3A_306 : i32
          %add3A_353 = arith.constant 160 : i32
          %add3A_354 = arith.addi %add3A_352, %add3A_353 : i32
          %dma_start3A_355 = arith.constant 1 : i32
          %dma_start3A_356 = arith.constant 2 : i32
          %dma_start3A_357 = arith.constant 0 : i32
          %dma_start3A_358 = tpu.memref_slice %arg6[%dma_start3A_355, %dma_start3A_356, %dma_start3A_357] : memref<2x4x80xi32, #tpu.memory_space<vmem>> -> memref<1x1x80xi32, #tpu.memory_space<vmem>>
          %dma_start3A_359 = tpu.memref_squeeze %dma_start3A_358 : memref<1x1x80xi32, #tpu.memory_space<vmem>> -> memref<80xi32, #tpu.memory_space<vmem>>
          %dma_start3A_360 = tpu.memref_slice %arg3[%add3A_354] : memref<640000xi32, #tpu.memory_space<hbm>> -> memref<80xi32, #tpu.memory_space<hbm>>
          %dma_start3A_361 = arith.constant 0 : i32
          %dma_start3A_362 = tpu.memref_slice %arg6[%dma_start3A_355, %dma_start3A_356, %dma_start3A_361] : memref<2x4x80xi32, #tpu.memory_space<vmem>> -> memref<1x1x80xi32, #tpu.memory_space<vmem>>
          %dma_start3A_363 = tpu.memref_squeeze %dma_start3A_362 : memref<1x1x80xi32, #tpu.memory_space<vmem>> -> memref<80xi32, #tpu.memory_space<vmem>>
          %dma_start3A_364 = tpu.memref_slice %arg3[%add3A_354] : memref<640000xi32, #tpu.memory_space<hbm>> -> memref<80xi32, #tpu.memory_space<hbm>>
          tpu.enqueue_dma source(%dma_start3A_364 : memref<80xi32, #tpu.memory_space<hbm>>) target(%dma_start3A_363 : memref<80xi32, #tpu.memory_space<vmem>>) target_semaphore(%arg10 : memref<!tpu.dma_semaphore, #tpu.memory_space<semaphore_mem>>)
          %add3A_365 = arith.constant 320000 : i32
          %add3A_366 = arith.addi %add3A_365, %add3A_306 : i32
          %add3A_367 = arith.constant 240 : i32
          %add3A_368 = arith.addi %add3A_366, %add3A_367 : i32
          %dma_start3A_369 = arith.constant 1 : i32
          %dma_start3A_370 = arith.constant 3 : i32
          %dma_start3A_371 = arith.constant 0 : i32
          %dma_start3A_372 = tpu.memref_slice %arg6[%dma_start3A_369, %dma_start3A_370, %dma_start3A_371] : memref<2x4x80xi32, #tpu.memory_space<vmem>> -> memref<1x1x80xi32, #tpu.memory_space<vmem>>
          %dma_start3A_373 = tpu.memref_squeeze %dma_start3A_372 : memref<1x1x80xi32, #tpu.memory_space<vmem>> -> memref<80xi32, #tpu.memory_space<vmem>>
          %dma_start3A_374 = tpu.memref_slice %arg3[%add3A_368] : memref<640000xi32, #tpu.memory_space<hbm>> -> memref<80xi32, #tpu.memory_space<hbm>>
          %dma_start3A_375 = arith.constant 0 : i32
          %dma_start3A_376 = tpu.memref_slice %arg6[%dma_start3A_369, %dma_start3A_370, %dma_start3A_375] : memref<2x4x80xi32, #tpu.memory_space<vmem>> -> memref<1x1x80xi32, #tpu.memory_space<vmem>>
          %dma_start3A_377 = tpu.memref_squeeze %dma_start3A_376 : memref<1x1x80xi32, #tpu.memory_space<vmem>> -> memref<80xi32, #tpu.memory_space<vmem>>
          %dma_start3A_378 = tpu.memref_slice %arg3[%add3A_368] : memref<640000xi32, #tpu.memory_space<hbm>> -> memref<80xi32, #tpu.memory_space<hbm>>
          tpu.enqueue_dma source(%dma_start3A_378 : memref<80xi32, #tpu.memory_space<hbm>>) target(%dma_start3A_377 : memref<80xi32, #tpu.memory_space<vmem>>) target_semaphore(%arg10 : memref<!tpu.dma_semaphore, #tpu.memory_space<semaphore_mem>>)
        } else {
        }
        %eq3A_312 = arith.constant 1 : i32
        %eq3A_313 = arith.cmpi eq, %rem3A_162, %eq3A_312 : i32
        %convert_element_type3A_314 = arith.extui %eq3A_313 : i1 to i32
        %cond3A_315 = arith.constant 0 : i32
        %cond3A_316 = arith.cmpi ne, %convert_element_type3A_314, %cond3A_315 : i32
        scf.if %cond3A_316 {
          %dma_start3A_317 = arith.constant 0 : i32
          %dma_start3A_318 = tpu.memref_slice %arg5[%dma_start3A_317] : memref<640xi32, #tpu.memory_space<vmem>> -> memref<320xi32, #tpu.memory_space<vmem>>
          %dma_start3A_319 = tpu.memref_slice %arg3[%add3A_306] : memref<640000xi32, #tpu.memory_space<hbm>> -> memref<320xi32, #tpu.memory_space<hbm>>
          %dma_start3A_320 = arith.constant 0 : i32
          %dma_start3A_321 = tpu.memref_slice %arg5[%dma_start3A_320] : memref<640xi32, #tpu.memory_space<vmem>> -> memref<320xi32, #tpu.memory_space<vmem>>
          %dma_start3A_322 = tpu.memref_slice %arg3[%add3A_306] : memref<640000xi32, #tpu.memory_space<hbm>> -> memref<320xi32, #tpu.memory_space<hbm>>
          tpu.enqueue_dma source(%dma_start3A_322 : memref<320xi32, #tpu.memory_space<hbm>>) target(%dma_start3A_321 : memref<320xi32, #tpu.memory_space<vmem>>) target_semaphore(%arg9 : memref<!tpu.dma_semaphore, #tpu.memory_space<semaphore_mem>>)
          %add3A_323 = arith.constant 320000 : i32
          %add3A_324 = arith.addi %add3A_323, %add3A_306 : i32
          %add3A_325 = arith.constant 0 : i32
          %add3A_326 = arith.addi %add3A_324, %add3A_325 : i32
          %dma_start3A_327 = arith.constant 0 : i32
          %dma_start3A_328 = arith.constant 0 : i32
          %dma_start3A_329 = arith.constant 0 : i32
          %dma_start3A_330 = tpu.memref_slice %arg6[%dma_start3A_327, %dma_start3A_328, %dma_start3A_329] : memref<2x4x80xi32, #tpu.memory_space<vmem>> -> memref<1x1x80xi32, #tpu.memory_space<vmem>>
          %dma_start3A_331 = tpu.memref_squeeze %dma_start3A_330 : memref<1x1x80xi32, #tpu.memory_space<vmem>> -> memref<80xi32, #tpu.memory_space<vmem>>
          %dma_start3A_332 = tpu.memref_slice %arg3[%add3A_326] : memref<640000xi32, #tpu.memory_space<hbm>> -> memref<80xi32, #tpu.memory_space<hbm>>
          %dma_start3A_333 = arith.constant 0 : i32
          %dma_start3A_334 = tpu.memref_slice %arg6[%dma_start3A_327, %dma_start3A_328, %dma_start3A_333] : memref<2x4x80xi32, #tpu.memory_space<vmem>> -> memref<1x1x80xi32, #tpu.memory_space<vmem>>
          %dma_start3A_335 = tpu.memref_squeeze %dma_start3A_334 : memref<1x1x80xi32, #tpu.memory_space<vmem>> -> memref<80xi32, #tpu.memory_space<vmem>>
          %dma_start3A_336 = tpu.memref_slice %arg3[%add3A_326] : memref<640000xi32, #tpu.memory_space<hbm>> -> memref<80xi32, #tpu.memory_space<hbm>>
          tpu.enqueue_dma source(%dma_start3A_336 : memref<80xi32, #tpu.memory_space<hbm>>) target(%dma_start3A_335 : memref<80xi32, #tpu.memory_space<vmem>>) target_semaphore(%arg9 : memref<!tpu.dma_semaphore, #tpu.memory_space<semaphore_mem>>)
          %add3A_337 = arith.constant 320000 : i32
          %add3A_338 = arith.addi %add3A_337, %add3A_306 : i32
          %add3A_339 = arith.constant 80 : i32
          %add3A_340 = arith.addi %add3A_338, %add3A_339 : i32
          %dma_start3A_341 = arith.constant 0 : i32
          %dma_start3A_342 = arith.constant 1 : i32
          %dma_start3A_343 = arith.constant 0 : i32
          %dma_start3A_344 = tpu.memref_slice %arg6[%dma_start3A_341, %dma_start3A_342, %dma_start3A_343] : memref<2x4x80xi32, #tpu.memory_space<vmem>> -> memref<1x1x80xi32, #tpu.memory_space<vmem>>
          %dma_start3A_345 = tpu.memref_squeeze %dma_start3A_344 : memref<1x1x80xi32, #tpu.memory_space<vmem>> -> memref<80xi32, #tpu.memory_space<vmem>>
          %dma_start3A_346 = tpu.memref_slice %arg3[%add3A_340] : memref<640000xi32, #tpu.memory_space<hbm>> -> memref<80xi32, #tpu.memory_space<hbm>>
          %dma_start3A_347 = arith.constant 0 : i32
          %dma_start3A_348 = tpu.memref_slice %arg6[%dma_start3A_341, %dma_start3A_342, %dma_start3A_347] : memref<2x4x80xi32, #tpu.memory_space<vmem>> -> memref<1x1x80xi32, #tpu.memory_space<vmem>>
          %dma_start3A_349 = tpu.memref_squeeze %dma_start3A_348 : memref<1x1x80xi32, #tpu.memory_space<vmem>> -> memref<80xi32, #tpu.memory_space<vmem>>
          %dma_start3A_350 = tpu.memref_slice %arg3[%add3A_340] : memref<640000xi32, #tpu.memory_space<hbm>> -> memref<80xi32, #tpu.memory_space<hbm>>
          tpu.enqueue_dma source(%dma_start3A_350 : memref<80xi32, #tpu.memory_space<hbm>>) target(%dma_start3A_349 : memref<80xi32, #tpu.memory_space<vmem>>) target_semaphore(%arg9 : memref<!tpu.dma_semaphore, #tpu.memory_space<semaphore_mem>>)
          %add3A_351 = arith.constant 320000 : i32
          %add3A_352 = arith.addi %add3A_351, %add3A_306 : i32
          %add3A_353 = arith.constant 160 : i32
          %add3A_354 = arith.addi %add3A_352, %add3A_353 : i32
          %dma_start3A_355 = arith.constant 0 : i32
          %dma_start3A_356 = arith.constant 2 : i32
          %dma_start3A_357 = arith.constant 0 : i32
          %dma_start3A_358 = tpu.memref_slice %arg6[%dma_start3A_355, %dma_start3A_356, %dma_start3A_357] : memref<2x4x80xi32, #tpu.memory_space<vmem>> -> memref<1x1x80xi32, #tpu.memory_space<vmem>>
          %dma_start3A_359 = tpu.memref_squeeze %dma_start3A_358 : memref<1x1x80xi32, #tpu.memory_space<vmem>> -> memref<80xi32, #tpu.memory_space<vmem>>
          %dma_start3A_360 = tpu.memref_slice %arg3[%add3A_354] : memref<640000xi32, #tpu.memory_space<hbm>> -> memref<80xi32, #tpu.memory_space<hbm>>
          %dma_start3A_361 = arith.constant 0 : i32
          %dma_start3A_362 = tpu.memref_slice %arg6[%dma_start3A_355, %dma_start3A_356, %dma_start3A_361] : memref<2x4x80xi32, #tpu.memory_space<vmem>> -> memref<1x1x80xi32, #tpu.memory_space<vmem>>
          %dma_start3A_363 = tpu.memref_squeeze %dma_start3A_362 : memref<1x1x80xi32, #tpu.memory_space<vmem>> -> memref<80xi32, #tpu.memory_space<vmem>>
          %dma_start3A_364 = tpu.memref_slice %arg3[%add3A_354] : memref<640000xi32, #tpu.memory_space<hbm>> -> memref<80xi32, #tpu.memory_space<hbm>>
          tpu.enqueue_dma source(%dma_start3A_364 : memref<80xi32, #tpu.memory_space<hbm>>) target(%dma_start3A_363 : memref<80xi32, #tpu.memory_space<vmem>>) target_semaphore(%arg9 : memref<!tpu.dma_semaphore, #tpu.memory_space<semaphore_mem>>)
          %add3A_365 = arith.constant 320000 : i32
          %add3A_366 = arith.addi %add3A_365, %add3A_306 : i32
          %add3A_367 = arith.constant 240 : i32
          %add3A_368 = arith.addi %add3A_366, %add3A_367 : i32
          %dma_start3A_369 = arith.constant 0 : i32
          %dma_start3A_370 = arith.constant 3 : i32
          %dma_start3A_371 = arith.constant 0 : i32
          %dma_start3A_372 = tpu.memref_slice %arg6[%dma_start3A_369, %dma_start3A_370, %dma_start3A_371] : memref<2x4x80xi32, #tpu.memory_space<vmem>> -> memref<1x1x80xi32, #tpu.memory_space<vmem>>
          %dma_start3A_373 = tpu.memref_squeeze %dma_start3A_372 : memref<1x1x80xi32, #tpu.memory_space<vmem>> -> memref<80xi32, #tpu.memory_space<vmem>>
          %dma_start3A_374 = tpu.memref_slice %arg3[%add3A_368] : memref<640000xi32, #tpu.memory_space<hbm>> -> memref<80xi32, #tpu.memory_space<hbm>>
          %dma_start3A_375 = arith.constant 0 : i32
          %dma_start3A_376 = tpu.memref_slice %arg6[%dma_start3A_369, %dma_start3A_370, %dma_start3A_375] : memref<2x4x80xi32, #tpu.memory_space<vmem>> -> memref<1x1x80xi32, #tpu.memory_space<vmem>>
          %dma_start3A_377 = tpu.memref_squeeze %dma_start3A_376 : memref<1x1x80xi32, #tpu.memory_space<vmem>> -> memref<80xi32, #tpu.memory_space<vmem>>
          %dma_start3A_378 = tpu.memref_slice %arg3[%add3A_368] : memref<640000xi32, #tpu.memory_space<hbm>> -> memref<80xi32, #tpu.memory_space<hbm>>
          tpu.enqueue_dma source(%dma_start3A_378 : memref<80xi32, #tpu.memory_space<hbm>>) target(%dma_start3A_377 : memref<80xi32, #tpu.memory_space<vmem>>) target_semaphore(%arg9 : memref<!tpu.dma_semaphore, #tpu.memory_space<semaphore_mem>>)
        } else {
        }
      } else {
      }
      %eq3A = arith.constant 0 : i32
      %eq3A_171 = arith.cmpi eq, %rem3A_162, %eq3A : i32
      %convert_element_type3A_172 = arith.extui %eq3A_171 : i1 to i32
      %cond3A_173 = arith.constant 0 : i32
      %cond3A_174 = arith.cmpi ne, %convert_element_type3A_172, %cond3A_173 : i32
      scf.if %cond3A_174 {
        %dma_wait3A_300 = arith.constant 0 : i32
        %dma_wait3A_301 = tpu.memref_slice %arg5[%dma_wait3A_300] : memref<640xi32, #tpu.memory_space<vmem>> -> memref<320xi32, #tpu.memory_space<vmem>>
        %dma_wait3A_302 = arith.constant 0 : i32
        %dma_wait3A_303 = tpu.memref_slice %arg3[%dma_wait3A_302] : memref<640000xi32, #tpu.memory_space<hbm>> -> memref<320xi32, #tpu.memory_space<hbm>>
        %dma_wait3A_304 = arith.constant 0 : i32
        %dma_wait3A_305 = tpu.memref_slice %arg5[%dma_wait3A_304] : memref<640xi32, #tpu.memory_space<vmem>> -> memref<320xi32, #tpu.memory_space<vmem>>
        %dma_wait3A_306 = arith.constant 0 : i32
        %dma_wait3A_307 = tpu.memref_slice %arg3[%dma_wait3A_306] : memref<640000xi32, #tpu.memory_space<hbm>> -> memref<320xi32, #tpu.memory_space<hbm>>
        tpu.wait_dma2 semaphore(%arg9 : memref<!tpu.dma_semaphore, #tpu.memory_space<semaphore_mem>>) src(%dma_wait3A_307 : memref<320xi32, #tpu.memory_space<hbm>>) dst(%dma_wait3A_305 : memref<320xi32, #tpu.memory_space<vmem>>)
        %dma_wait3A_308 = arith.constant 0 : i32
        %dma_wait3A_309 = tpu.memref_slice %arg5[%dma_wait3A_308] : memref<640xi32, #tpu.memory_space<vmem>> -> memref<320xi32, #tpu.memory_space<vmem>>
        %dma_wait3A_310 = arith.constant 0 : i32
        %dma_wait3A_311 = tpu.memref_slice %arg3[%dma_wait3A_310] : memref<640000xi32, #tpu.memory_space<hbm>> -> memref<320xi32, #tpu.memory_space<hbm>>
        %dma_wait3A_312 = arith.constant 0 : i32
        %dma_wait3A_313 = tpu.memref_slice %arg5[%dma_wait3A_312] : memref<640xi32, #tpu.memory_space<vmem>> -> memref<320xi32, #tpu.memory_space<vmem>>
        %dma_wait3A_314 = arith.constant 0 : i32
        %dma_wait3A_315 = tpu.memref_slice %arg3[%dma_wait3A_314] : memref<640000xi32, #tpu.memory_space<hbm>> -> memref<320xi32, #tpu.memory_space<hbm>>
        tpu.wait_dma2 semaphore(%arg9 : memref<!tpu.dma_semaphore, #tpu.memory_space<semaphore_mem>>) src(%dma_wait3A_315 : memref<320xi32, #tpu.memory_space<hbm>>) dst(%dma_wait3A_313 : memref<320xi32, #tpu.memory_space<vmem>>)
      } else {
      }
      %eq3A_175 = arith.constant 1 : i32
      %eq3A_176 = arith.cmpi eq, %rem3A_162, %eq3A_175 : i32
      %convert_element_type3A_177 = arith.extui %eq3A_176 : i1 to i32
      %cond3A_178 = arith.constant 0 : i32
      %cond3A_179 = arith.cmpi ne, %convert_element_type3A_177, %cond3A_178 : i32
      scf.if %cond3A_179 {
        %dma_wait3A_300 = arith.constant 0 : i32
        %dma_wait3A_301 = tpu.memref_slice %arg5[%dma_wait3A_300] : memref<640xi32, #tpu.memory_space<vmem>> -> memref<320xi32, #tpu.memory_space<vmem>>
        %dma_wait3A_302 = arith.constant 0 : i32
        %dma_wait3A_303 = tpu.memref_slice %arg3[%dma_wait3A_302] : memref<640000xi32, #tpu.memory_space<hbm>> -> memref<320xi32, #tpu.memory_space<hbm>>
        %dma_wait3A_304 = arith.constant 0 : i32
        %dma_wait3A_305 = tpu.memref_slice %arg5[%dma_wait3A_304] : memref<640xi32, #tpu.memory_space<vmem>> -> memref<320xi32, #tpu.memory_space<vmem>>
        %dma_wait3A_306 = arith.constant 0 : i32
        %dma_wait3A_307 = tpu.memref_slice %arg3[%dma_wait3A_306] : memref<640000xi32, #tpu.memory_space<hbm>> -> memref<320xi32, #tpu.memory_space<hbm>>
        tpu.wait_dma2 semaphore(%arg10 : memref<!tpu.dma_semaphore, #tpu.memory_space<semaphore_mem>>) src(%dma_wait3A_307 : memref<320xi32, #tpu.memory_space<hbm>>) dst(%dma_wait3A_305 : memref<320xi32, #tpu.memory_space<vmem>>)
        %dma_wait3A_308 = arith.constant 0 : i32
        %dma_wait3A_309 = tpu.memref_slice %arg5[%dma_wait3A_308] : memref<640xi32, #tpu.memory_space<vmem>> -> memref<320xi32, #tpu.memory_space<vmem>>
        %dma_wait3A_310 = arith.constant 0 : i32
        %dma_wait3A_311 = tpu.memref_slice %arg3[%dma_wait3A_310] : memref<640000xi32, #tpu.memory_space<hbm>> -> memref<320xi32, #tpu.memory_space<hbm>>
        %dma_wait3A_312 = arith.constant 0 : i32
        %dma_wait3A_313 = tpu.memref_slice %arg5[%dma_wait3A_312] : memref<640xi32, #tpu.memory_space<vmem>> -> memref<320xi32, #tpu.memory_space<vmem>>
        %dma_wait3A_314 = arith.constant 0 : i32
        %dma_wait3A_315 = tpu.memref_slice %arg3[%dma_wait3A_314] : memref<640000xi32, #tpu.memory_space<hbm>> -> memref<320xi32, #tpu.memory_space<hbm>>
        tpu.wait_dma2 semaphore(%arg10 : memref<!tpu.dma_semaphore, #tpu.memory_space<semaphore_mem>>) src(%dma_wait3A_315 : memref<320xi32, #tpu.memory_space<hbm>>) dst(%dma_wait3A_313 : memref<320xi32, #tpu.memory_space<vmem>>)
      } else {
      }
      %mul3A_180 = arith.constant 4 : i32
      %mul3A_181 = arith.muli %rem3A_162, %mul3A_180 : i32
      %mul3A_182 = arith.constant 80 : i32
      %mul3A_183 = arith.muli %mul3A_181, %mul3A_182 : i32
      %add3A_184 = arith.constant 0 : i32
      %add3A_185 = arith.addi %mul3A_183, %add3A_184 : i32
      %dma_start3A_186 = arith.constant 0 : i32
      %dma_start3A_187 = arith.constant 0 : i32
      %dma_start3A_188 = tpu.memref_slice %arg7[%dma_start3A_186, %dma_start3A_187] : memref<320x128xf32, #tpu.memory_space<vmem>> -> memref<80x128xf32, #tpu.memory_space<vmem>>
      %dma_start3A_189 = tpu.memref_slice %arg5[%add3A_185] : memref<640xi32, #tpu.memory_space<vmem>> -> memref<80xi32, #tpu.memory_space<vmem>>
      %dma_start3A_190 = arith.constant 0 : i32
      %dma_start3A_191 = arith.constant 0 : i32
      %dma_start3A_192 = tpu.memref_slice %arg2[%dma_start3A_190, %dma_start3A_191] : memref<10000x128xf32, #tpu.memory_space<hbm>> -> memref<10000x128xf32, #tpu.memory_space<hbm>>
      tpu.enqueue_indirect_dma source(%dma_start3A_192 : memref<10000x128xf32, #tpu.memory_space<hbm>>) target(%dma_start3A_188 : memref<80x128xf32, #tpu.memory_space<vmem>>) offsets(%dma_start3A_189 : memref<80xi32, #tpu.memory_space<vmem>>) semaphore(%arg11 : memref<!tpu.dma_semaphore, #tpu.memory_space<semaphore_mem>>)
      %mul3A_193 = arith.constant 4 : i32
      %mul3A_194 = arith.muli %rem3A_162, %mul3A_193 : i32
      %mul3A_195 = arith.constant 80 : i32
      %mul3A_196 = arith.muli %mul3A_194, %mul3A_195 : i32
      %add3A_197 = arith.constant 80 : i32
      %add3A_198 = arith.addi %mul3A_196, %add3A_197 : i32
      %dma_start3A_199 = arith.constant 80 : i32
      %dma_start3A_200 = arith.constant 0 : i32
      %dma_start3A_201 = tpu.memref_slice %arg7[%dma_start3A_199, %dma_start3A_200] : memref<320x128xf32, #tpu.memory_space<vmem>> -> memref<80x128xf32, #tpu.memory_space<vmem>>
      %dma_start3A_202 = tpu.memref_slice %arg5[%add3A_198] : memref<640xi32, #tpu.memory_space<vmem>> -> memref<80xi32, #tpu.memory_space<vmem>>
      %dma_start3A_203 = arith.constant 0 : i32
      %dma_start3A_204 = arith.constant 0 : i32
      %dma_start3A_205 = tpu.memref_slice %arg2[%dma_start3A_203, %dma_start3A_204] : memref<10000x128xf32, #tpu.memory_space<hbm>> -> memref<10000x128xf32, #tpu.memory_space<hbm>>
      tpu.enqueue_indirect_dma source(%dma_start3A_205 : memref<10000x128xf32, #tpu.memory_space<hbm>>) target(%dma_start3A_201 : memref<80x128xf32, #tpu.memory_space<vmem>>) offsets(%dma_start3A_202 : memref<80xi32, #tpu.memory_space<vmem>>) semaphore(%arg11 : memref<!tpu.dma_semaphore, #tpu.memory_space<semaphore_mem>>)
      %mul3A_206 = arith.constant 4 : i32
      %mul3A_207 = arith.muli %rem3A_162, %mul3A_206 : i32
      %mul3A_208 = arith.constant 80 : i32
      %mul3A_209 = arith.muli %mul3A_207, %mul3A_208 : i32
      %add3A_210 = arith.constant 160 : i32
      %add3A_211 = arith.addi %mul3A_209, %add3A_210 : i32
      %dma_start3A_212 = arith.constant 160 : i32
      %dma_start3A_213 = arith.constant 0 : i32
      %dma_start3A_214 = tpu.memref_slice %arg7[%dma_start3A_212, %dma_start3A_213] : memref<320x128xf32, #tpu.memory_space<vmem>> -> memref<80x128xf32, #tpu.memory_space<vmem>>
      %dma_start3A_215 = tpu.memref_slice %arg5[%add3A_211] : memref<640xi32, #tpu.memory_space<vmem>> -> memref<80xi32, #tpu.memory_space<vmem>>
      %dma_start3A_216 = arith.constant 0 : i32
      %dma_start3A_217 = arith.constant 0 : i32
      %dma_start3A_218 = tpu.memref_slice %arg2[%dma_start3A_216, %dma_start3A_217] : memref<10000x128xf32, #tpu.memory_space<hbm>> -> memref<10000x128xf32, #tpu.memory_space<hbm>>
      tpu.enqueue_indirect_dma source(%dma_start3A_218 : memref<10000x128xf32, #tpu.memory_space<hbm>>) target(%dma_start3A_214 : memref<80x128xf32, #tpu.memory_space<vmem>>) offsets(%dma_start3A_215 : memref<80xi32, #tpu.memory_space<vmem>>) semaphore(%arg11 : memref<!tpu.dma_semaphore, #tpu.memory_space<semaphore_mem>>)
      %mul3A_219 = arith.constant 4 : i32
      %mul3A_220 = arith.muli %rem3A_162, %mul3A_219 : i32
      %mul3A_221 = arith.constant 80 : i32
      %mul3A_222 = arith.muli %mul3A_220, %mul3A_221 : i32
      %add3A_223 = arith.constant 240 : i32
      %add3A_224 = arith.addi %mul3A_222, %add3A_223 : i32
      %dma_start3A_225 = arith.constant 240 : i32
      %dma_start3A_226 = arith.constant 0 : i32
      %dma_start3A_227 = tpu.memref_slice %arg7[%dma_start3A_225, %dma_start3A_226] : memref<320x128xf32, #tpu.memory_space<vmem>> -> memref<80x128xf32, #tpu.memory_space<vmem>>
      %dma_start3A_228 = tpu.memref_slice %arg5[%add3A_224] : memref<640xi32, #tpu.memory_space<vmem>> -> memref<80xi32, #tpu.memory_space<vmem>>
      %dma_start3A_229 = arith.constant 0 : i32
      %dma_start3A_230 = arith.constant 0 : i32
      %dma_start3A_231 = tpu.memref_slice %arg2[%dma_start3A_229, %dma_start3A_230] : memref<10000x128xf32, #tpu.memory_space<hbm>> -> memref<10000x128xf32, #tpu.memory_space<hbm>>
      tpu.enqueue_indirect_dma source(%dma_start3A_231 : memref<10000x128xf32, #tpu.memory_space<hbm>>) target(%dma_start3A_227 : memref<80x128xf32, #tpu.memory_space<vmem>>) offsets(%dma_start3A_228 : memref<80xi32, #tpu.memory_space<vmem>>) semaphore(%arg11 : memref<!tpu.dma_semaphore, #tpu.memory_space<semaphore_mem>>)
      %dma_wait3A_232 = arith.constant 0 : i32
      %dma_wait3A_233 = arith.constant 0 : i32
      %dma_wait3A_234 = tpu.memref_slice %arg7[%dma_wait3A_232, %dma_wait3A_233] : memref<320x128xf32, #tpu.memory_space<vmem>> -> memref<80x128xf32, #tpu.memory_space<vmem>>
      %dma_wait3A_235 = tpu.memref_slice %arg5[%add3A_185] : memref<640xi32, #tpu.memory_space<vmem>> -> memref<80xi32, #tpu.memory_space<vmem>>
      %dma_wait3A_236 = arith.constant 0 : i32
      %dma_wait3A_237 = arith.constant 0 : i32
      %dma_wait3A_238 = tpu.memref_slice %arg2[%dma_wait3A_236, %dma_wait3A_237] : memref<10000x128xf32, #tpu.memory_space<hbm>> -> memref<10000x128xf32, #tpu.memory_space<hbm>>
      tpu.wait_indirect_dma semaphore(%arg11 : memref<!tpu.dma_semaphore, #tpu.memory_space<semaphore_mem>>) src(%dma_wait3A_238 : memref<10000x128xf32, #tpu.memory_space<hbm>>) dst(%dma_wait3A_234 : memref<80x128xf32, #tpu.memory_space<vmem>>)
      %dma_start3A_239 = arith.constant 0 : i32
      %dma_start3A_240 = arith.constant 0 : i32
      %dma_start3A_241 = arith.constant 0 : i32
      %dma_start3A_242 = tpu.memref_slice %arg7[%dma_start3A_240, %dma_start3A_241] : memref<320x128xf32, #tpu.memory_space<vmem>> -> memref<80x128xf32, #tpu.memory_space<vmem>>
      %dma_start3A_243 = arith.constant 0 : i32
      %dma_start3A_244 = tpu.memref_slice %arg6[%rem3A_162, %dma_start3A_239, %dma_start3A_243] : memref<2x4x80xi32, #tpu.memory_space<vmem>> -> memref<1x1x80xi32, #tpu.memory_space<vmem>>
      %dma_start3A_245 = tpu.memref_squeeze %dma_start3A_244 : memref<1x1x80xi32, #tpu.memory_space<vmem>> -> memref<80xi32, #tpu.memory_space<vmem>>
      %dma_start3A_246 = arith.constant 0 : i32
      %dma_start3A_247 = arith.constant 0 : i32
      %dma_start3A_248 = tpu.memref_slice %arg8[%dma_start3A_246, %dma_start3A_247] : memref<10112x128xf32, #tpu.memory_space<vmem_shared>> -> memref<10112x128xf32, #tpu.memory_space<vmem_shared>>
      tpu.enqueue_indirect_dma source(%dma_start3A_242 : memref<80x128xf32, #tpu.memory_space<vmem>>) target(%dma_start3A_248 : memref<10112x128xf32, #tpu.memory_space<vmem_shared>>) offsets(%dma_start3A_245 : memref<80xi32, #tpu.memory_space<vmem>>) semaphore(%arg12 : memref<!tpu.dma_semaphore, #tpu.memory_space<semaphore_mem>>) {add = true}
      %dma_wait3A_249 = arith.constant 80 : i32
      %dma_wait3A_250 = arith.constant 0 : i32
      %dma_wait3A_251 = tpu.memref_slice %arg7[%dma_wait3A_249, %dma_wait3A_250] : memref<320x128xf32, #tpu.memory_space<vmem>> -> memref<80x128xf32, #tpu.memory_space<vmem>>
      %dma_wait3A_252 = tpu.memref_slice %arg5[%add3A_198] : memref<640xi32, #tpu.memory_space<vmem>> -> memref<80xi32, #tpu.memory_space<vmem>>
      %dma_wait3A_253 = arith.constant 0 : i32
      %dma_wait3A_254 = arith.constant 0 : i32
      %dma_wait3A_255 = tpu.memref_slice %arg2[%dma_wait3A_253, %dma_wait3A_254] : memref<10000x128xf32, #tpu.memory_space<hbm>> -> memref<10000x128xf32, #tpu.memory_space<hbm>>
      tpu.wait_indirect_dma semaphore(%arg11 : memref<!tpu.dma_semaphore, #tpu.memory_space<semaphore_mem>>) src(%dma_wait3A_255 : memref<10000x128xf32, #tpu.memory_space<hbm>>) dst(%dma_wait3A_251 : memref<80x128xf32, #tpu.memory_space<vmem>>)
      %dma_start3A_256 = arith.constant 1 : i32
      %dma_start3A_257 = arith.constant 80 : i32
      %dma_start3A_258 = arith.constant 0 : i32
      %dma_start3A_259 = tpu.memref_slice %arg7[%dma_start3A_257, %dma_start3A_258] : memref<320x128xf32, #tpu.memory_space<vmem>> -> memref<80x128xf32, #tpu.memory_space<vmem>>
      %dma_start3A_260 = arith.constant 0 : i32
      %dma_start3A_261 = tpu.memref_slice %arg6[%rem3A_162, %dma_start3A_256, %dma_start3A_260] : memref<2x4x80xi32, #tpu.memory_space<vmem>> -> memref<1x1x80xi32, #tpu.memory_space<vmem>>
      %dma_start3A_262 = tpu.memref_squeeze %dma_start3A_261 : memref<1x1x80xi32, #tpu.memory_space<vmem>> -> memref<80xi32, #tpu.memory_space<vmem>>
      %dma_start3A_263 = arith.constant 0 : i32
      %dma_start3A_264 = arith.constant 0 : i32
      %dma_start3A_265 = tpu.memref_slice %arg8[%dma_start3A_263, %dma_start3A_264] : memref<10112x128xf32, #tpu.memory_space<vmem_shared>> -> memref<10112x128xf32, #tpu.memory_space<vmem_shared>>
      tpu.enqueue_indirect_dma source(%dma_start3A_259 : memref<80x128xf32, #tpu.memory_space<vmem>>) target(%dma_start3A_265 : memref<10112x128xf32, #tpu.memory_space<vmem_shared>>) offsets(%dma_start3A_262 : memref<80xi32, #tpu.memory_space<vmem>>) semaphore(%arg12 : memref<!tpu.dma_semaphore, #tpu.memory_space<semaphore_mem>>) {add = true}
      %dma_wait3A_266 = arith.constant 160 : i32
      %dma_wait3A_267 = arith.constant 0 : i32
      %dma_wait3A_268 = tpu.memref_slice %arg7[%dma_wait3A_266, %dma_wait3A_267] : memref<320x128xf32, #tpu.memory_space<vmem>> -> memref<80x128xf32, #tpu.memory_space<vmem>>
      %dma_wait3A_269 = tpu.memref_slice %arg5[%add3A_211] : memref<640xi32, #tpu.memory_space<vmem>> -> memref<80xi32, #tpu.memory_space<vmem>>
      %dma_wait3A_270 = arith.constant 0 : i32
      %dma_wait3A_271 = arith.constant 0 : i32
      %dma_wait3A_272 = tpu.memref_slice %arg2[%dma_wait3A_270, %dma_wait3A_271] : memref<10000x128xf32, #tpu.memory_space<hbm>> -> memref<10000x128xf32, #tpu.memory_space<hbm>>
      tpu.wait_indirect_dma semaphore(%arg11 : memref<!tpu.dma_semaphore, #tpu.memory_space<semaphore_mem>>) src(%dma_wait3A_272 : memref<10000x128xf32, #tpu.memory_space<hbm>>) dst(%dma_wait3A_268 : memref<80x128xf32, #tpu.memory_space<vmem>>)
      %dma_start3A_273 = arith.constant 2 : i32
      %dma_start3A_274 = arith.constant 160 : i32
      %dma_start3A_275 = arith.constant 0 : i32
      %dma_start3A_276 = tpu.memref_slice %arg7[%dma_start3A_274, %dma_start3A_275] : memref<320x128xf32, #tpu.memory_space<vmem>> -> memref<80x128xf32, #tpu.memory_space<vmem>>
      %dma_start3A_277 = arith.constant 0 : i32
      %dma_start3A_278 = tpu.memref_slice %arg6[%rem3A_162, %dma_start3A_273, %dma_start3A_277] : memref<2x4x80xi32, #tpu.memory_space<vmem>> -> memref<1x1x80xi32, #tpu.memory_space<vmem>>
      %dma_start3A_279 = tpu.memref_squeeze %dma_start3A_278 : memref<1x1x80xi32, #tpu.memory_space<vmem>> -> memref<80xi32, #tpu.memory_space<vmem>>
      %dma_start3A_280 = arith.constant 0 : i32
      %dma_start3A_281 = arith.constant 0 : i32
      %dma_start3A_282 = tpu.memref_slice %arg8[%dma_start3A_280, %dma_start3A_281] : memref<10112x128xf32, #tpu.memory_space<vmem_shared>> -> memref<10112x128xf32, #tpu.memory_space<vmem_shared>>
      tpu.enqueue_indirect_dma source(%dma_start3A_276 : memref<80x128xf32, #tpu.memory_space<vmem>>) target(%dma_start3A_282 : memref<10112x128xf32, #tpu.memory_space<vmem_shared>>) offsets(%dma_start3A_279 : memref<80xi32, #tpu.memory_space<vmem>>) semaphore(%arg12 : memref<!tpu.dma_semaphore, #tpu.memory_space<semaphore_mem>>) {add = true}
      %dma_wait3A_283 = arith.constant 240 : i32
      %dma_wait3A_284 = arith.constant 0 : i32
      %dma_wait3A_285 = tpu.memref_slice %arg7[%dma_wait3A_283, %dma_wait3A_284] : memref<320x128xf32, #tpu.memory_space<vmem>> -> memref<80x128xf32, #tpu.memory_space<vmem>>
      %dma_wait3A_286 = tpu.memref_slice %arg5[%add3A_224] : memref<640xi32, #tpu.memory_space<vmem>> -> memref<80xi32, #tpu.memory_space<vmem>>
      %dma_wait3A_287 = arith.constant 0 : i32
      %dma_wait3A_288 = arith.constant 0 : i32
      %dma_wait3A_289 = tpu.memref_slice %arg2[%dma_wait3A_287, %dma_wait3A_288] : memref<10000x128xf32, #tpu.memory_space<hbm>> -> memref<10000x128xf32, #tpu.memory_space<hbm>>
      tpu.wait_indirect_dma semaphore(%arg11 : memref<!tpu.dma_semaphore, #tpu.memory_space<semaphore_mem>>) src(%dma_wait3A_289 : memref<10000x128xf32, #tpu.memory_space<hbm>>) dst(%dma_wait3A_285 : memref<80x128xf32, #tpu.memory_space<vmem>>)
      %dma_start3A_290 = arith.constant 3 : i32
      %dma_start3A_291 = arith.constant 240 : i32
      %dma_start3A_292 = arith.constant 0 : i32
      %dma_start3A_293 = tpu.memref_slice %arg7[%dma_start3A_291, %dma_start3A_292] : memref<320x128xf32, #tpu.memory_space<vmem>> -> memref<80x128xf32, #tpu.memory_space<vmem>>
      %dma_start3A_294 = arith.constant 0 : i32
      %dma_start3A_295 = tpu.memref_slice %arg6[%rem3A_162, %dma_start3A_290, %dma_start3A_294] : memref<2x4x80xi32, #tpu.memory_space<vmem>> -> memref<1x1x80xi32, #tpu.memory_space<vmem>>
      %dma_start3A_296 = tpu.memref_squeeze %dma_start3A_295 : memref<1x1x80xi32, #tpu.memory_space<vmem>> -> memref<80xi32, #tpu.memory_space<vmem>>
      %dma_start3A_297 = arith.constant 0 : i32
      %dma_start3A_298 = arith.constant 0 : i32
      %dma_start3A_299 = tpu.memref_slice %arg8[%dma_start3A_297, %dma_start3A_298] : memref<10112x128xf32, #tpu.memory_space<vmem_shared>> -> memref<10112x128xf32, #tpu.memory_space<vmem_shared>>
      tpu.enqueue_indirect_dma source(%dma_start3A_293 : memref<80x128xf32, #tpu.memory_space<vmem>>) target(%dma_start3A_299 : memref<10112x128xf32, #tpu.memory_space<vmem_shared>>) offsets(%dma_start3A_296 : memref<80xi32, #tpu.memory_space<vmem>>) semaphore(%arg12 : memref<!tpu.dma_semaphore, #tpu.memory_space<semaphore_mem>>) {add = true}
    }
    %scan3A_107 = arith.constant 31 : i32
    %dma_wait3A = arith.constant 0 : i32
    %dma_wait3A_108 = arith.constant 0 : i32
    %dma_wait3A_109 = tpu.memref_slice %arg2[%dma_wait3A, %dma_wait3A_108] : memref<10000x128xf32, #tpu.memory_space<hbm>> -> memref<320x128xf32, #tpu.memory_space<hbm>>
    %dma_wait3A_110 = arith.constant 0 : i32
    %dma_wait3A_111 = arith.constant 0 : i32
    %dma_wait3A_112 = tpu.memref_slice %arg2[%dma_wait3A_110, %dma_wait3A_111] : memref<10000x128xf32, #tpu.memory_space<hbm>> -> memref<320x128xf32, #tpu.memory_space<hbm>>
    tpu.wait_dma2 semaphore(%arg12 : memref<!tpu.dma_semaphore, #tpu.memory_space<semaphore_mem>>) src(%dma_wait3A_112 : memref<320x128xf32, #tpu.memory_space<hbm>>) dst(%arg7 : memref<320x128xf32, #tpu.memory_space<vmem>>)
    %add3A_113 = arith.constant 9920 : i32
    %add3A_114 = arith.addi %mul3A_2, %add3A_113 : i32
    "tpu.region"() ({
      %run_scoped3A_161 = tpu.sem_alloc : memref<!tpu.dma_semaphore, #tpu.memory_space<semaphore_mem>>
      %dma_start3A_162 = arith.constant 0 : i32
      %dma_start3A_163 = tpu.memref_slice %arg5[%dma_start3A_162] : memref<640xi32, #tpu.memory_space<vmem>> -> memref<80xi32, #tpu.memory_space<vmem>>
      %dma_start3A_164 = tpu.memref_slice %arg3[%add3A_114] : memref<640000xi32, #tpu.memory_space<hbm>> -> memref<80xi32, #tpu.memory_space<hbm>>
      %dma_start3A_165 = arith.constant 0 : i32
      %dma_start3A_166 = tpu.memref_slice %arg5[%dma_start3A_165] : memref<640xi32, #tpu.memory_space<vmem>> -> memref<80xi32, #tpu.memory_space<vmem>>
      %dma_start3A_167 = tpu.memref_slice %arg3[%add3A_114] : memref<640000xi32, #tpu.memory_space<hbm>> -> memref<80xi32, #tpu.memory_space<hbm>>
      tpu.enqueue_dma source(%dma_start3A_167 : memref<80xi32, #tpu.memory_space<hbm>>) target(%dma_start3A_166 : memref<80xi32, #tpu.memory_space<vmem>>) target_semaphore(%run_scoped3A_161 : memref<!tpu.dma_semaphore, #tpu.memory_space<semaphore_mem>>)
      %dma_wait3A_168 = arith.constant 0 : i32
      %dma_wait3A_169 = tpu.memref_slice %arg5[%dma_wait3A_168] : memref<640xi32, #tpu.memory_space<vmem>> -> memref<80xi32, #tpu.memory_space<vmem>>
      %dma_wait3A_170 = tpu.memref_slice %arg3[%add3A_114] : memref<640000xi32, #tpu.memory_space<hbm>> -> memref<80xi32, #tpu.memory_space<hbm>>
      %dma_wait3A_171 = arith.constant 0 : i32
      %dma_wait3A_172 = tpu.memref_slice %arg5[%dma_wait3A_171] : memref<640xi32, #tpu.memory_space<vmem>> -> memref<80xi32, #tpu.memory_space<vmem>>
      %dma_wait3A_173 = tpu.memref_slice %arg3[%add3A_114] : memref<640000xi32, #tpu.memory_space<hbm>> -> memref<80xi32, #tpu.memory_space<hbm>>
      tpu.wait_dma2 semaphore(%run_scoped3A_161 : memref<!tpu.dma_semaphore, #tpu.memory_space<semaphore_mem>>) src(%dma_wait3A_173 : memref<80xi32, #tpu.memory_space<hbm>>) dst(%dma_wait3A_172 : memref<80xi32, #tpu.memory_space<vmem>>)
      tpu.yield
    }) : () -> ()
    %add3A_115 = arith.constant 320000 : i32
    %add3A_116 = arith.addi %add3A_115, %add3A_114 : i32
    %run_scoped3A = arith.constant 0 : i32
    %run_scoped3A_117 = arith.constant 0 : i32
    "tpu.region"() ({
      %run_scoped3A_161 = tpu.sem_alloc : memref<!tpu.dma_semaphore, #tpu.memory_space<semaphore_mem>>
      %dma_start3A_162 = arith.constant 0 : i32
      %dma_start3A_163 = tpu.memref_slice %arg6[%run_scoped3A, %run_scoped3A_117, %dma_start3A_162] : memref<2x4x80xi32, #tpu.memory_space<vmem>> -> memref<1x1x80xi32, #tpu.memory_space<vmem>>
      %dma_start3A_164 = tpu.memref_squeeze %dma_start3A_163 : memref<1x1x80xi32, #tpu.memory_space<vmem>> -> memref<80xi32, #tpu.memory_space<vmem>>
      %dma_start3A_165 = tpu.memref_slice %arg3[%add3A_116] : memref<640000xi32, #tpu.memory_space<hbm>> -> memref<80xi32, #tpu.memory_space<hbm>>
      %dma_start3A_166 = arith.constant 0 : i32
      %dma_start3A_167 = tpu.memref_slice %arg6[%run_scoped3A, %run_scoped3A_117, %dma_start3A_166] : memref<2x4x80xi32, #tpu.memory_space<vmem>> -> memref<1x1x80xi32, #tpu.memory_space<vmem>>
      %dma_start3A_168 = tpu.memref_squeeze %dma_start3A_167 : memref<1x1x80xi32, #tpu.memory_space<vmem>> -> memref<80xi32, #tpu.memory_space<vmem>>
      %dma_start3A_169 = tpu.memref_slice %arg3[%add3A_116] : memref<640000xi32, #tpu.memory_space<hbm>> -> memref<80xi32, #tpu.memory_space<hbm>>
      tpu.enqueue_dma source(%dma_start3A_169 : memref<80xi32, #tpu.memory_space<hbm>>) target(%dma_start3A_168 : memref<80xi32, #tpu.memory_space<vmem>>) target_semaphore(%run_scoped3A_161 : memref<!tpu.dma_semaphore, #tpu.memory_space<semaphore_mem>>)
      %dma_wait3A_170 = arith.constant 0 : i32
      %dma_wait3A_171 = tpu.memref_slice %arg6[%run_scoped3A, %run_scoped3A_117, %dma_wait3A_170] : memref<2x4x80xi32, #tpu.memory_space<vmem>> -> memref<1x1x80xi32, #tpu.memory_space<vmem>>
      %dma_wait3A_172 = tpu.memref_squeeze %dma_wait3A_171 : memref<1x1x80xi32, #tpu.memory_space<vmem>> -> memref<80xi32, #tpu.memory_space<vmem>>
      %dma_wait3A_173 = tpu.memref_slice %arg3[%add3A_116] : memref<640000xi32, #tpu.memory_space<hbm>> -> memref<80xi32, #tpu.memory_space<hbm>>
      %dma_wait3A_174 = arith.constant 0 : i32
      %dma_wait3A_175 = tpu.memref_slice %arg6[%run_scoped3A, %run_scoped3A_117, %dma_wait3A_174] : memref<2x4x80xi32, #tpu.memory_space<vmem>> -> memref<1x1x80xi32, #tpu.memory_space<vmem>>
      %dma_wait3A_176 = tpu.memref_squeeze %dma_wait3A_175 : memref<1x1x80xi32, #tpu.memory_space<vmem>> -> memref<80xi32, #tpu.memory_space<vmem>>
      %dma_wait3A_177 = tpu.memref_slice %arg3[%add3A_116] : memref<640000xi32, #tpu.memory_space<hbm>> -> memref<80xi32, #tpu.memory_space<hbm>>
      tpu.wait_dma2 semaphore(%run_scoped3A_161 : memref<!tpu.dma_semaphore, #tpu.memory_space<semaphore_mem>>) src(%dma_wait3A_177 : memref<80xi32, #tpu.memory_space<hbm>>) dst(%dma_wait3A_176 : memref<80xi32, #tpu.memory_space<vmem>>)
      tpu.yield
    }) : () -> ()
    %dma_start3A_118 = arith.constant 0 : i32
    %dma_start3A_119 = arith.constant 0 : i32
    %dma_start3A_120 = tpu.memref_slice %arg7[%dma_start3A_118, %dma_start3A_119] : memref<320x128xf32, #tpu.memory_space<vmem>> -> memref<80x128xf32, #tpu.memory_space<vmem>>
    %dma_start3A_121 = arith.constant 0 : i32
    %dma_start3A_122 = tpu.memref_slice %arg5[%dma_start3A_121] : memref<640xi32, #tpu.memory_space<vmem>> -> memref<80xi32, #tpu.memory_space<vmem>>
    %dma_start3A_123 = arith.constant 0 : i32
    %dma_start3A_124 = arith.constant 0 : i32
    %dma_start3A_125 = tpu.memref_slice %arg2[%dma_start3A_123, %dma_start3A_124] : memref<10000x128xf32, #tpu.memory_space<hbm>> -> memref<10000x128xf32, #tpu.memory_space<hbm>>
    tpu.enqueue_indirect_dma source(%dma_start3A_125 : memref<10000x128xf32, #tpu.memory_space<hbm>>) target(%dma_start3A_120 : memref<80x128xf32, #tpu.memory_space<vmem>>) offsets(%dma_start3A_122 : memref<80xi32, #tpu.memory_space<vmem>>) semaphore(%arg11 : memref<!tpu.dma_semaphore, #tpu.memory_space<semaphore_mem>>)
    %dma_wait3A_126 = arith.constant 0 : i32
    %dma_wait3A_127 = arith.constant 0 : i32
    %dma_wait3A_128 = tpu.memref_slice %arg7[%dma_wait3A_126, %dma_wait3A_127] : memref<320x128xf32, #tpu.memory_space<vmem>> -> memref<80x128xf32, #tpu.memory_space<vmem>>
    %dma_wait3A_129 = arith.constant 0 : i32
    %dma_wait3A_130 = tpu.memref_slice %arg5[%dma_wait3A_129] : memref<640xi32, #tpu.memory_space<vmem>> -> memref<80xi32, #tpu.memory_space<vmem>>
    %dma_wait3A_131 = arith.constant 0 : i32
    %dma_wait3A_132 = arith.constant 0 : i32
    %dma_wait3A_133 = tpu.memref_slice %arg2[%dma_wait3A_131, %dma_wait3A_132] : memref<10000x128xf32, #tpu.memory_space<hbm>> -> memref<10000x128xf32, #tpu.memory_space<hbm>>
    tpu.wait_indirect_dma semaphore(%arg11 : memref<!tpu.dma_semaphore, #tpu.memory_space<semaphore_mem>>) src(%dma_wait3A_133 : memref<10000x128xf32, #tpu.memory_space<hbm>>) dst(%dma_wait3A_128 : memref<80x128xf32, #tpu.memory_space<vmem>>)
    %dma_start3A_134 = arith.constant 0 : i32
    %dma_start3A_135 = arith.constant 0 : i32
    %dma_start3A_136 = arith.constant 0 : i32
    %dma_start3A_137 = arith.constant 0 : i32
    %dma_start3A_138 = tpu.memref_slice %arg7[%dma_start3A_136, %dma_start3A_137] : memref<320x128xf32, #tpu.memory_space<vmem>> -> memref<80x128xf32, #tpu.memory_space<vmem>>
    %dma_start3A_139 = arith.constant 0 : i32
    %dma_start3A_140 = tpu.memref_slice %arg6[%dma_start3A_134, %dma_start3A_135, %dma_start3A_139] : memref<2x4x80xi32, #tpu.memory_space<vmem>> -> memref<1x1x80xi32, #tpu.memory_space<vmem>>
    %dma_start3A_141 = tpu.memref_squeeze %dma_start3A_140 : memref<1x1x80xi32, #tpu.memory_space<vmem>> -> memref<80xi32, #tpu.memory_space<vmem>>
    %dma_start3A_142 = arith.constant 0 : i32
    %dma_start3A_143 = arith.constant 0 : i32
    %dma_start3A_144 = tpu.memref_slice %arg8[%dma_start3A_142, %dma_start3A_143] : memref<10112x128xf32, #tpu.memory_space<vmem_shared>> -> memref<10112x128xf32, #tpu.memory_space<vmem_shared>>
    tpu.enqueue_indirect_dma source(%dma_start3A_138 : memref<80x128xf32, #tpu.memory_space<vmem>>) target(%dma_start3A_144 : memref<10112x128xf32, #tpu.memory_space<vmem_shared>>) offsets(%dma_start3A_141 : memref<80xi32, #tpu.memory_space<vmem>>) semaphore(%arg12 : memref<!tpu.dma_semaphore, #tpu.memory_space<semaphore_mem>>) {add = true}
    %dma_wait3A_145 = arith.constant 0 : i32
    %dma_wait3A_146 = arith.constant 0 : i32
    %dma_wait3A_147 = arith.constant 0 : i32
    %dma_wait3A_148 = arith.constant 0 : i32
    %dma_wait3A_149 = tpu.memref_slice %arg7[%dma_wait3A_147, %dma_wait3A_148] : memref<320x128xf32, #tpu.memory_space<vmem>> -> memref<80x128xf32, #tpu.memory_space<vmem>>
    %dma_wait3A_150 = arith.constant 0 : i32
    %dma_wait3A_151 = tpu.memref_slice %arg6[%dma_wait3A_145, %dma_wait3A_146, %dma_wait3A_150] : memref<2x4x80xi32, #tpu.memory_space<vmem>> -> memref<1x1x80xi32, #tpu.memory_space<vmem>>
    %dma_wait3A_152 = tpu.memref_squeeze %dma_wait3A_151 : memref<1x1x80xi32, #tpu.memory_space<vmem>> -> memref<80xi32, #tpu.memory_space<vmem>>
    %dma_wait3A_153 = arith.constant 0 : i32
    %dma_wait3A_154 = arith.constant 0 : i32
    %dma_wait3A_155 = tpu.memref_slice %arg8[%dma_wait3A_153, %dma_wait3A_154] : memref<10112x128xf32, #tpu.memory_space<vmem_shared>> -> memref<10112x128xf32, #tpu.memory_space<vmem_shared>>
    tpu.wait_indirect_dma semaphore(%arg12 : memref<!tpu.dma_semaphore, #tpu.memory_space<semaphore_mem>>) src(%dma_wait3A_149 : memref<80x128xf32, #tpu.memory_space<vmem>>) dst(%dma_wait3A_155 : memref<10112x128xf32, #tpu.memory_space<vmem_shared>>)
    %barrier3A_156 = arith.constant 0 : index
    tpu.barrier barrier_id(%barrier3A_156)
    %mul3A_157 = arith.constant 632 : i32
    %mul3A_158 = arith.muli %arg1, %mul3A_157 : i32
    %mul3A_159 = arith.constant 632 : i32
    %mul3A_160 = arith.muli %arg1, %mul3A_159 : i32
    "tpu.region"() ({
      %run_scoped3A_161 = tpu.sem_alloc : memref<!tpu.dma_semaphore, #tpu.memory_space<semaphore_mem>>
      %dma_start3A_162 = arith.constant 0 : i32
      %dma_start3A_163 = tpu.memref_slice %arg4[%arg0, %mul3A_160, %dma_start3A_162] : memref<2x10112x128xf32, #tpu.memory_space<hbm>> -> memref<1x632x128xf32, #tpu.memory_space<hbm>>
      %dma_start3A_164 = tpu.memref_squeeze %dma_start3A_163 : memref<1x632x128xf32, #tpu.memory_space<hbm>> -> memref<632x128xf32, #tpu.memory_space<hbm>>
      %dma_start3A_165 = arith.constant 0 : i32
      %dma_start3A_166 = tpu.memref_slice %arg8[%mul3A_158, %dma_start3A_165] : memref<10112x128xf32, #tpu.memory_space<vmem_shared>> -> memref<632x128xf32, #tpu.memory_space<vmem_shared>>
      tpu.enqueue_dma source(%dma_start3A_166 : memref<632x128xf32, #tpu.memory_space<vmem_shared>>) target(%dma_start3A_164 : memref<632x128xf32, #tpu.memory_space<hbm>>) target_semaphore(%run_scoped3A_161 : memref<!tpu.dma_semaphore, #tpu.memory_space<semaphore_mem>>)
      %dma_wait3A_167 = arith.constant 0 : i32
      %dma_wait3A_168 = tpu.memref_slice %arg4[%arg0, %mul3A_160, %dma_wait3A_167] : memref<2x10112x128xf32, #tpu.memory_space<hbm>> -> memref<1x632x128xf32, #tpu.memory_space<hbm>>
      %dma_wait3A_169 = tpu.memref_squeeze %dma_wait3A_168 : memref<1x632x128xf32, #tpu.memory_space<hbm>> -> memref<632x128xf32, #tpu.memory_space<hbm>>
      %dma_wait3A_170 = arith.constant 0 : i32
      %dma_wait3A_171 = tpu.memref_slice %arg8[%mul3A_158, %dma_wait3A_170] : memref<10112x128xf32, #tpu.memory_space<vmem_shared>> -> memref<632x128xf32, #tpu.memory_space<vmem_shared>>
      tpu.wait_dma2 semaphore(%run_scoped3A_161 : memref<!tpu.dma_semaphore, #tpu.memory_space<semaphore_mem>>) src(%dma_wait3A_171 : memref<632x128xf32, #tpu.memory_space<vmem_shared>>) dst(%dma_wait3A_169 : memref<632x128xf32, #tpu.memory_space<hbm>>)
      tpu.yield
    }) : () -> ()
    return
  }
}

module attributes {stable_mosaic.version = 14 : i64} {
  func.func @_linear_kernel(%arg0: i32, %arg1: memref<1000x128xf32, #tpu.memory_space<vmem>>, %arg2: memref<128x128xf32, #tpu.memory_space<vmem>>, %arg3: memref<1x128xf32, #tpu.memory_space<vmem>>, %arg4: memref<1000x128xf32, #tpu.memory_space<vmem>>) attributes {dimension_semantics = [#tpu.dimension_semantics<arbitrary>], iteration_bounds = array<i64: 10>, scalar_prefetch = 0 : i64, scratch_operands = 0 : i64, tpu.core_type = #tpu.core_type<tc>, window_params = [{transform_indices = @transform_0, window_bounds = array<i64: 1000, 128>}, {pipeline_mode = #tpu.pipeline_mode<synchronous>, transform_indices = @transform_1, window_bounds = array<i64: 128, 128>}, {pipeline_mode = #tpu.pipeline_mode<synchronous>, transform_indices = @transform_2, window_bounds = array<i64: 1, 128>}, {transform_indices = @transform_3, window_bounds = array<i64: 1000, 128>}]} {
    %get3A = arith.constant 0 : index
    %get3A_0 = arith.constant 0 : index
    %get3A_1 = vector.load %arg1[%get3A, %get3A_0] : memref<1000x128xf32, #tpu.memory_space<vmem>>, vector<1000x128xf32>
    %get3A_2 = arith.constant 0 : index
    %get3A_3 = arith.constant 0 : index
    %get3A_4 = vector.load %arg2[%get3A_2, %get3A_3] : memref<128x128xf32, #tpu.memory_space<vmem>>, vector<128x128xf32>
    %convert_element_type3A = arith.truncf %get3A_1 : vector<1000x128xf32> to vector<1000x128xbf16>
    %convert_element_type3A_5 = arith.truncf %get3A_4 : vector<128x128xf32> to vector<128x128xbf16>
    %convert_element_type3A_6 = arith.extf %convert_element_type3A : vector<1000x128xbf16> to vector<1000x128xf32>
    %sub3A = arith.subf %get3A_1, %convert_element_type3A_6 : vector<1000x128xf32>
    %convert_element_type3A_7 = arith.truncf %sub3A : vector<1000x128xf32> to vector<1000x128xbf16>
    %convert_element_type3A_8 = arith.extf %convert_element_type3A_5 : vector<128x128xbf16> to vector<128x128xf32>
    %sub3A_9 = arith.subf %get3A_4, %convert_element_type3A_8 : vector<128x128xf32>
    %convert_element_type3A_10 = arith.truncf %sub3A_9 : vector<128x128xf32> to vector<128x128xbf16>
    %dot_general3A = arith.constant dense<0.000000e+00> : vector<1000x128xf32>
    %dot_general3A_11 = tpu.matmul %convert_element_type3A, %convert_element_type3A_5, %dot_general3A {dimension_numbers = #tpu.dot_dimension_numbers<[1], [0], [0], [1], [0, 0, 1, 1], [], []>, transpose_lhs_hint = false} : vector<1000x128xbf16>, vector<128x128xbf16>, vector<1000x128xf32> -> vector<1000x128xf32>
    %dot_general3A_12 = arith.constant dense<0.000000e+00> : vector<1000x128xf32>
    %dot_general3A_13 = tpu.matmul %convert_element_type3A, %convert_element_type3A_10, %dot_general3A_12 {dimension_numbers = #tpu.dot_dimension_numbers<[1], [0], [0], [1], [0, 0, 1, 1], [], []>, transpose_lhs_hint = false} : vector<1000x128xbf16>, vector<128x128xbf16>, vector<1000x128xf32> -> vector<1000x128xf32>
    %add3A = arith.addf %dot_general3A_11, %dot_general3A_13 : vector<1000x128xf32>
    %dot_general3A_14 = arith.constant dense<0.000000e+00> : vector<1000x128xf32>
    %dot_general3A_15 = tpu.matmul %convert_element_type3A_7, %convert_element_type3A_5, %dot_general3A_14 {dimension_numbers = #tpu.dot_dimension_numbers<[1], [0], [0], [1], [0, 0, 1, 1], [], []>, transpose_lhs_hint = false} : vector<1000x128xbf16>, vector<128x128xbf16>, vector<1000x128xf32> -> vector<1000x128xf32>
    %add3A_16 = arith.addf %add3A, %dot_general3A_15 : vector<1000x128xf32>
    %get3A_17 = arith.constant 0 : index
    %get3A_18 = arith.constant 0 : index
    %get3A_19 = vector.load %arg3[%get3A_17, %get3A_18] : memref<1x128xf32, #tpu.memory_space<vmem>>, vector<1x128xf32>
    %add3A_20 = vector.broadcast %get3A_19 : vector<1x128xf32> to vector<1000x128xf32>
    %add3A_21 = arith.addf %add3A_16, %add3A_20 : vector<1000x128xf32>
    %swap3A = arith.constant 0 : index
    %swap3A_22 = arith.constant 0 : index
    %swap3A_23 = vector.load %arg4[%swap3A, %swap3A_22] : memref<1000x128xf32, #tpu.memory_space<vmem>>, vector<1000x128xf32>
    tpu.vector_store %arg4[%swap3A, %swap3A_22], %add3A_21 {strides = array<i32>} : memref<1000x128xf32, #tpu.memory_space<vmem>>, vector<1000x128xf32>,
    return
  }
  func.func @transform_0(%arg0: i32) -> (i32, i32) {
    %c0_i32 = arith.constant 0 : i32
    %c0_i32_0 = arith.constant 0 : i32
    return %arg0, %c0_i32 : i32, i32
  }
  func.func @transform_1(%arg0: i32) -> (i32, i32) {
    %c0_i32 = arith.constant 0 : i32
    %c0_i32_0 = arith.constant 0 : i32
    %c0_i32_1 = arith.constant 0 : i32
    return %c0_i32, %c0_i32_0 : i32, i32
  }
  func.func @transform_2(%arg0: i32) -> (i32, i32) {
    %c0_i32 = arith.constant 0 : i32
    %c0_i32_0 = arith.constant 0 : i32
    %c0_i32_1 = arith.constant 0 : i32
    return %c0_i32, %c0_i32_0 : i32, i32
  }
  func.func @transform_3(%arg0: i32) -> (i32, i32) {
    %c0_i32 = arith.constant 0 : i32
    %c0_i32_0 = arith.constant 0 : i32
    return %arg0, %c0_i32 : i32, i32
  }
}

module attributes {stable_mosaic.version = 14 : i64} {
  func.func @_combine_linear_kernel(%arg0: i32, %arg1: memref<2x1000x128xf32, #tpu.memory_space<vmem>>, %arg2: memref<128x128xf32, #tpu.memory_space<vmem>>, %arg3: memref<1x128xf32, #tpu.memory_space<vmem>>, %arg4: memref<1000x128xf32, #tpu.memory_space<vmem>>) attributes {dimension_semantics = [#tpu.dimension_semantics<arbitrary>], iteration_bounds = array<i64: 10>, scalar_prefetch = 0 : i64, scratch_operands = 0 : i64, tpu.core_type = #tpu.core_type<tc>, window_params = [{transform_indices = @transform_0, window_bounds = array<i64: 2, 1000, 128>}, {pipeline_mode = #tpu.pipeline_mode<synchronous>, transform_indices = @transform_1, window_bounds = array<i64: 128, 128>}, {pipeline_mode = #tpu.pipeline_mode<synchronous>, transform_indices = @transform_2, window_bounds = array<i64: 1, 128>}, {transform_indices = @transform_3, window_bounds = array<i64: 1000, 128>}]} {
    %get3A = arith.constant 0 : index
    %get3A_0 = arith.constant 0 : index
    %get3A_1 = arith.constant 0 : index
    %get3A_2 = vector.load %arg1[%get3A, %get3A_0, %get3A_1] : memref<2x1000x128xf32, #tpu.memory_space<vmem>>, vector<1x1000x128xf32>
    %get3A_3 = vector.shape_cast %get3A_2 : vector<1x1000x128xf32> to vector<1000x128xf32>
    %get3A_4 = arith.constant 1 : index
    %get3A_5 = arith.constant 0 : index
    %get3A_6 = arith.constant 0 : index
    %get3A_7 = vector.load %arg1[%get3A_4, %get3A_5, %get3A_6] : memref<2x1000x128xf32, #tpu.memory_space<vmem>>, vector<1x1000x128xf32>
    %get3A_8 = vector.shape_cast %get3A_7 : vector<1x1000x128xf32> to vector<1000x128xf32>
    %add3A = arith.addf %get3A_3, %get3A_8 : vector<1000x128xf32>
    %max3A = arith.constant 0.000000e+00 : f32
    %max3A_9 = vector.broadcast %max3A : f32 to vector<1000x128xf32>
    %max3A_10 = arith.maximumf %add3A, %max3A_9 : vector<1000x128xf32>
    %get3A_11 = arith.constant 0 : index
    %get3A_12 = arith.constant 0 : index
    %get3A_13 = vector.load %arg2[%get3A_11, %get3A_12] : memref<128x128xf32, #tpu.memory_space<vmem>>, vector<128x128xf32>
    %convert_element_type3A = arith.truncf %max3A_10 : vector<1000x128xf32> to vector<1000x128xbf16>
    %convert_element_type3A_14 = arith.truncf %get3A_13 : vector<128x128xf32> to vector<128x128xbf16>
    %convert_element_type3A_15 = arith.extf %convert_element_type3A : vector<1000x128xbf16> to vector<1000x128xf32>
    %sub3A = arith.subf %max3A_10, %convert_element_type3A_15 : vector<1000x128xf32>
    %convert_element_type3A_16 = arith.truncf %sub3A : vector<1000x128xf32> to vector<1000x128xbf16>
    %convert_element_type3A_17 = arith.extf %convert_element_type3A_14 : vector<128x128xbf16> to vector<128x128xf32>
    %sub3A_18 = arith.subf %get3A_13, %convert_element_type3A_17 : vector<128x128xf32>
    %convert_element_type3A_19 = arith.truncf %sub3A_18 : vector<128x128xf32> to vector<128x128xbf16>
    %dot_general3A = arith.constant dense<0.000000e+00> : vector<1000x128xf32>
    %dot_general3A_20 = tpu.matmul %convert_element_type3A, %convert_element_type3A_14, %dot_general3A {dimension_numbers = #tpu.dot_dimension_numbers<[1], [0], [0], [1], [0, 0, 1, 1], [], []>, transpose_lhs_hint = false} : vector<1000x128xbf16>, vector<128x128xbf16>, vector<1000x128xf32> -> vector<1000x128xf32>
    %dot_general3A_21 = arith.constant dense<0.000000e+00> : vector<1000x128xf32>
    %dot_general3A_22 = tpu.matmul %convert_element_type3A, %convert_element_type3A_19, %dot_general3A_21 {dimension_numbers = #tpu.dot_dimension_numbers<[1], [0], [0], [1], [0, 0, 1, 1], [], []>, transpose_lhs_hint = false} : vector<1000x128xbf16>, vector<128x128xbf16>, vector<1000x128xf32> -> vector<1000x128xf32>
    %add3A_23 = arith.addf %dot_general3A_20, %dot_general3A_22 : vector<1000x128xf32>
    %dot_general3A_24 = arith.constant dense<0.000000e+00> : vector<1000x128xf32>
    %dot_general3A_25 = tpu.matmul %convert_element_type3A_16, %convert_element_type3A_14, %dot_general3A_24 {dimension_numbers = #tpu.dot_dimension_numbers<[1], [0], [0], [1], [0, 0, 1, 1], [], []>, transpose_lhs_hint = false} : vector<1000x128xbf16>, vector<128x128xbf16>, vector<1000x128xf32> -> vector<1000x128xf32>
    %add3A_26 = arith.addf %add3A_23, %dot_general3A_25 : vector<1000x128xf32>
    %get3A_27 = arith.constant 0 : index
    %get3A_28 = arith.constant 0 : index
    %get3A_29 = vector.load %arg3[%get3A_27, %get3A_28] : memref<1x128xf32, #tpu.memory_space<vmem>>, vector<1x128xf32>
    %add3A_30 = vector.broadcast %get3A_29 : vector<1x128xf32> to vector<1000x128xf32>
    %add3A_31 = arith.addf %add3A_26, %add3A_30 : vector<1000x128xf32>
    %swap3A = arith.constant 0 : index
    %swap3A_32 = arith.constant 0 : index
    %swap3A_33 = vector.load %arg4[%swap3A, %swap3A_32] : memref<1000x128xf32, #tpu.memory_space<vmem>>, vector<1000x128xf32>
    tpu.vector_store %arg4[%swap3A, %swap3A_32], %add3A_31 {strides = array<i32>} : memref<1000x128xf32, #tpu.memory_space<vmem>>, vector<1000x128xf32>,
    return
  }
  func.func @transform_0(%arg0: i32) -> (i32, i32, i32) {
    %c0_i32 = arith.constant 0 : i32
    %c0_i32_0 = arith.constant 0 : i32
    %c0_i32_1 = arith.constant 0 : i32
    return %c0_i32, %arg0, %c0_i32_0 : i32, i32, i32
  }
  func.func @transform_1(%arg0: i32) -> (i32, i32) {
    %c0_i32 = arith.constant 0 : i32
    %c0_i32_0 = arith.constant 0 : i32
    %c0_i32_1 = arith.constant 0 : i32
    return %c0_i32, %c0_i32_0 : i32, i32
  }
  func.func @transform_2(%arg0: i32) -> (i32, i32) {
    %c0_i32 = arith.constant 0 : i32
    %c0_i32_0 = arith.constant 0 : i32
    %c0_i32_1 = arith.constant 0 : i32
    return %c0_i32, %c0_i32_0 : i32, i32
  }
  func.func @transform_3(%arg0: i32) -> (i32, i32) {
    %c0_i32 = arith.constant 0 : i32
    %c0_i32_0 = arith.constant 0 : i32
    return %arg0, %c0_i32 : i32, i32
  }
}

module attributes {stable_mosaic.version = 14 : i64} {
  func.func @_pool_fc_kernel(%arg0: i32, %arg1: memref<2x1000x128xf32, #tpu.memory_space<vmem>>, %arg2: memref<1x1x1000xi32, #tpu.memory_space<vmem>>, %arg3: memref<128x64xf32, #tpu.memory_space<vmem>>, %arg4: memref<1x64xf32, #tpu.memory_space<vmem>>, %arg5: memref<64x16xf32, #tpu.memory_space<vmem>>, %arg6: memref<1x16xf32, #tpu.memory_space<vmem>>, %arg7: memref<64x16xf32, #tpu.memory_space<vmem>>, %arg8: memref<64x128xf32, #tpu.memory_space<vmem>>) attributes {dimension_semantics = [#tpu.dimension_semantics<arbitrary>], iteration_bounds = array<i64: 10>, scalar_prefetch = 0 : i64, scratch_operands = 1 : i64, tpu.core_type = #tpu.core_type<tc>, window_params = [{transform_indices = @transform_0, window_bounds = array<i64: 2, 1000, 128>}, {transform_indices = @transform_1, window_bounds = array<i64: 1, 1, 1000>}, {pipeline_mode = #tpu.pipeline_mode<synchronous>, transform_indices = @transform_2, window_bounds = array<i64: 128, 64>}, {pipeline_mode = #tpu.pipeline_mode<synchronous>, transform_indices = @transform_3, window_bounds = array<i64: 1, 64>}, {pipeline_mode = #tpu.pipeline_mode<synchronous>, transform_indices = @transform_4, window_bounds = array<i64: 64, 16>}, {pipeline_mode = #tpu.pipeline_mode<synchronous>, transform_indices = @transform_5, window_bounds = array<i64: 1, 16>}, {pipeline_mode = #tpu.pipeline_mode<synchronous>, transform_indices = @transform_6, window_bounds = array<i64: 64, 16>}]} {
    %eq3A = arith.constant 0 : i32
    %eq3A_0 = arith.cmpi eq, %arg0, %eq3A : i32
    %convert_element_type3A = arith.extui %eq3A_0 : i1 to i32
    %cond3A = arith.constant 0 : i32
    %cond3A_1 = arith.cmpi ne, %convert_element_type3A, %cond3A : i32
    scf.if %cond3A_1 {
      %broadcast_in_dim3A = arith.constant 0.000000e+00 : f32
      %broadcast_in_dim3A_41 = vector.broadcast %broadcast_in_dim3A : f32 to vector<64x128xf32>
      %swap3A_42 = arith.constant 0 : index
      %swap3A_43 = arith.constant 0 : index
      %swap3A_44 = vector.load %arg8[%swap3A_42, %swap3A_43] : memref<64x128xf32, #tpu.memory_space<vmem>>, vector<64x128xf32>
      tpu.vector_store %arg8[%swap3A_42, %swap3A_43], %broadcast_in_dim3A_41 {strides = array<i32>} : memref<64x128xf32, #tpu.memory_space<vmem>>, vector<64x128xf32>,
    } else {
    }
    %get3A = arith.constant 0 : index
    %get3A_2 = arith.constant 0 : index
    %get3A_3 = arith.constant 0 : index
    %get3A_4 = vector.load %arg1[%get3A, %get3A_2, %get3A_3] : memref<2x1000x128xf32, #tpu.memory_space<vmem>>, vector<1x1000x128xf32>
    %get3A_5 = vector.shape_cast %get3A_4 : vector<1x1000x128xf32> to vector<1000x128xf32>
    %get3A_6 = arith.constant 1 : index
    %get3A_7 = arith.constant 0 : index
    %get3A_8 = arith.constant 0 : index
    %get3A_9 = vector.load %arg1[%get3A_6, %get3A_7, %get3A_8] : memref<2x1000x128xf32, #tpu.memory_space<vmem>>, vector<1x1000x128xf32>
    %get3A_10 = vector.shape_cast %get3A_9 : vector<1x1000x128xf32> to vector<1000x128xf32>
    %add3A = arith.addf %get3A_5, %get3A_10 : vector<1000x128xf32>
    %max3A = arith.constant 0.000000e+00 : f32
    %max3A_11 = vector.broadcast %max3A : f32 to vector<1000x128xf32>
    %max3A_12 = arith.maximumf %add3A, %max3A_11 : vector<1000x128xf32>
    %get3A_13 = arith.constant 0 : index
    %get3A_14 = arith.constant 0 : index
    %get3A_15 = arith.constant 0 : index
    %get3A_16 = vector.load %arg2[%get3A_13, %get3A_14, %get3A_15] : memref<1x1x1000xi32, #tpu.memory_space<vmem>>, vector<1x1x1000xi32>
    %get3A_17 = vector.shape_cast %get3A_16 : vector<1x1x1000xi32> to vector<1x1000xi32>
    %iota3A = tpu.iota {dimensions = array<i32: 0>} : vector<64x1000xi32>
    %eq3A_18 = vector.broadcast %get3A_17 : vector<1x1000xi32> to vector<64x1000xi32>
    %eq3A_19 = arith.cmpi eq, %iota3A, %eq3A_18 : vector<64x1000xi32>
    %convert_element_type3A_20 = arith.extui %eq3A_19 : vector<64x1000xi1> to vector<64x1000xi32>
    %convert_element_type3A_21 = arith.sitofp %convert_element_type3A_20 : vector<64x1000xi32> to vector<64x1000xf32>
    %convert_element_type3A_22 = arith.truncf %convert_element_type3A_21 : vector<64x1000xf32> to vector<64x1000xbf16>
    %convert_element_type3A_23 = arith.truncf %max3A_12 : vector<1000x128xf32> to vector<1000x128xbf16>
    %convert_element_type3A_24 = arith.extf %convert_element_type3A_23 : vector<1000x128xbf16> to vector<1000x128xf32>
    %sub3A = arith.subf %max3A_12, %convert_element_type3A_24 : vector<1000x128xf32>
    %convert_element_type3A_25 = arith.truncf %sub3A : vector<1000x128xf32> to vector<1000x128xbf16>
    %get3A_26 = arith.constant 0 : index
    %get3A_27 = arith.constant 0 : index
    %get3A_28 = vector.load %arg8[%get3A_26, %get3A_27] : memref<64x128xf32, #tpu.memory_space<vmem>>, vector<64x128xf32>
    %dot_general3A = arith.constant dense<0.000000e+00> : vector<64x128xf32>
    %dot_general3A_29 = tpu.matmul %convert_element_type3A_22, %convert_element_type3A_23, %dot_general3A {dimension_numbers = #tpu.dot_dimension_numbers<[1], [0], [0], [1], [0, 0, 1, 1], [], []>, transpose_lhs_hint = false} : vector<64x1000xbf16>, vector<1000x128xbf16>, vector<64x128xf32> -> vector<64x128xf32>
    %dot_general3A_30 = arith.constant dense<0.000000e+00> : vector<64x128xf32>
    %dot_general3A_31 = tpu.matmul %convert_element_type3A_22, %convert_element_type3A_25, %dot_general3A_30 {dimension_numbers = #tpu.dot_dimension_numbers<[1], [0], [0], [1], [0, 0, 1, 1], [], []>, transpose_lhs_hint = false} : vector<64x1000xbf16>, vector<1000x128xbf16>, vector<64x128xf32> -> vector<64x128xf32>
    %add3A_32 = arith.addf %dot_general3A_29, %dot_general3A_31 : vector<64x128xf32>
    %add3A_33 = arith.addf %get3A_28, %add3A_32 : vector<64x128xf32>
    %swap3A = arith.constant 0 : index
    %swap3A_34 = arith.constant 0 : index
    %swap3A_35 = vector.load %arg8[%swap3A, %swap3A_34] : memref<64x128xf32, #tpu.memory_space<vmem>>, vector<64x128xf32>
    tpu.vector_store %arg8[%swap3A, %swap3A_34], %add3A_33 {strides = array<i32>} : memref<64x128xf32, #tpu.memory_space<vmem>>, vector<64x128xf32>,
    %eq3A_36 = arith.constant 9 : i32
    %eq3A_37 = arith.cmpi eq, %arg0, %eq3A_36 : i32
    %convert_element_type3A_38 = arith.extui %eq3A_37 : i1 to i32
    %cond3A_39 = arith.constant 0 : i32
    %cond3A_40 = arith.cmpi ne, %convert_element_type3A_38, %cond3A_39 : i32
    scf.if %cond3A_40 {
      %get3A_41 = arith.constant 0 : index
      %get3A_42 = arith.constant 0 : index
      %get3A_43 = vector.load %arg8[%get3A_41, %get3A_42] : memref<64x128xf32, #tpu.memory_space<vmem>>, vector<64x128xf32>
      %get3A_44 = arith.constant 0 : index
      %get3A_45 = arith.constant 0 : index
      %get3A_46 = vector.load %arg3[%get3A_44, %get3A_45] : memref<128x64xf32, #tpu.memory_space<vmem>>, vector<128x64xf32>
      %dot_general3A_47 = arith.constant dense<0.000000e+00> : vector<64x64xf32>
      %dot_general3A_48 = tpu.matmul %get3A_43, %get3A_46, %dot_general3A_47 {dimension_numbers = #tpu.dot_dimension_numbers<[1], [0], [0], [1], [0, 0, 1, 1], [], []>, precision = #tpu.contract_precision<fp32>, transpose_lhs_hint = false} : vector<64x128xf32>, vector<128x64xf32>, vector<64x64xf32> -> vector<64x64xf32>
      %get3A_49 = arith.constant 0 : index
      %get3A_50 = arith.constant 0 : index
      %get3A_51 = vector.load %arg4[%get3A_49, %get3A_50] : memref<1x64xf32, #tpu.memory_space<vmem>>, vector<1x64xf32>
      %add3A_52 = vector.broadcast %get3A_51 : vector<1x64xf32> to vector<64x64xf32>
      %add3A_53 = arith.addf %dot_general3A_48, %add3A_52 : vector<64x64xf32>
      %get3A_54 = arith.constant 0 : index
      %get3A_55 = arith.constant 0 : index
      %get3A_56 = vector.load %arg5[%get3A_54, %get3A_55] : memref<64x16xf32, #tpu.memory_space<vmem>>, vector<64x16xf32>
      %dot_general3A_57 = arith.constant dense<0.000000e+00> : vector<64x16xf32>
      %dot_general3A_58 = tpu.matmul %add3A_53, %get3A_56, %dot_general3A_57 {dimension_numbers = #tpu.dot_dimension_numbers<[1], [0], [0], [1], [0, 0, 1, 1], [], []>, precision = #tpu.contract_precision<fp32>, transpose_lhs_hint = false} : vector<64x64xf32>, vector<64x16xf32>, vector<64x16xf32> -> vector<64x16xf32>
      %get3A_59 = arith.constant 0 : index
      %get3A_60 = arith.constant 0 : index
      %get3A_61 = vector.load %arg6[%get3A_59, %get3A_60] : memref<1x16xf32, #tpu.memory_space<vmem>>, vector<1x16xf32>
      %add3A_62 = vector.broadcast %get3A_61 : vector<1x16xf32> to vector<64x16xf32>
      %add3A_63 = arith.addf %dot_general3A_58, %add3A_62 : vector<64x16xf32>
      %reduce_max3A = arith.constant dense<0xFF800000> : vector<64xf32>
      %reduce_max3A_64 = vector.multi_reduction <maximumf>, %add3A_63, %reduce_max3A [1] : vector<64x16xf32> to vector<64xf32>
      %broadcast_in_dim3A = vector.shape_cast %reduce_max3A_64 : vector<64xf32> to vector<64x1xf32>
      %sub3A_65 = vector.broadcast %broadcast_in_dim3A : vector<64x1xf32> to vector<64x16xf32>
      %sub3A_66 = arith.subf %add3A_63, %sub3A_65 : vector<64x16xf32>
      %exp3A = math.exp %sub3A_66 : vector<64x16xf32>
      %reduce_sum3A = arith.constant dense<0.000000e+00> : vector<64xf32>
      %reduce_sum3A_67 = vector.multi_reduction <add>, %exp3A, %reduce_sum3A [1] : vector<64x16xf32> to vector<64xf32>
      %broadcast_in_dim3A_68 = vector.shape_cast %reduce_sum3A_67 : vector<64xf32> to vector<64x1xf32>
      %div3A = vector.broadcast %broadcast_in_dim3A_68 : vector<64x1xf32> to vector<64x16xf32>
      %div3A_69 = arith.divf %exp3A, %div3A : vector<64x16xf32>
      %swap3A_70 = arith.constant 0 : index
      %swap3A_71 = arith.constant 0 : index
      %swap3A_72 = vector.load %arg7[%swap3A_70, %swap3A_71] : memref<64x16xf32, #tpu.memory_space<vmem>>, vector<64x16xf32>
      tpu.vector_store %arg7[%swap3A_70, %swap3A_71], %div3A_69 {strides = array<i32>} : memref<64x16xf32, #tpu.memory_space<vmem>>, vector<64x16xf32>,
    } else {
    }
    return
  }
  func.func @transform_0(%arg0: i32) -> (i32, i32, i32) {
    %c0_i32 = arith.constant 0 : i32
    %c0_i32_0 = arith.constant 0 : i32
    %c0_i32_1 = arith.constant 0 : i32
    return %c0_i32, %arg0, %c0_i32_0 : i32, i32, i32
  }
  func.func @transform_1(%arg0: i32) -> (i32, i32, i32) {
    %c0_i32 = arith.constant 0 : i32
    %c0_i32_0 = arith.constant 0 : i32
    %c0_i32_1 = arith.constant 0 : i32
    return %arg0, %c0_i32, %c0_i32_0 : i32, i32, i32
  }
  func.func @transform_2(%arg0: i32) -> (i32, i32) {
    %c0_i32 = arith.constant 0 : i32
    %c0_i32_0 = arith.constant 0 : i32
    %c0_i32_1 = arith.constant 0 : i32
    return %c0_i32, %c0_i32_0 : i32, i32
  }
  func.func @transform_3(%arg0: i32) -> (i32, i32) {
    %c0_i32 = arith.constant 0 : i32
    %c0_i32_0 = arith.constant 0 : i32
    %c0_i32_1 = arith.constant 0 : i32
    return %c0_i32, %c0_i32_0 : i32, i32
  }
  func.func @transform_4(%arg0: i32) -> (i32, i32) {
    %c0_i32 = arith.constant 0 : i32
    %c0_i32_0 = arith.constant 0 : i32
    %c0_i32_1 = arith.constant 0 : i32
    return %c0_i32, %c0_i32_0 : i32, i32
  }
  func.func @transform_5(%arg0: i32) -> (i32, i32) {
    %c0_i32 = arith.constant 0 : i32
    %c0_i32_0 = arith.constant 0 : i32
    %c0_i32_1 = arith.constant 0 : i32
    return %c0_i32, %c0_i32_0 : i32, i32
  }
  func.func @transform_6(%arg0: i32) -> (i32, i32) {
    %c0_i32 = arith.constant 0 : i32
    %c0_i32_0 = arith.constant 0 : i32
    %c0_i32_1 = arith.constant 0 : i32
    return %c0_i32, %c0_i32_0 : i32, i32
  }
}

</mosaic_0001>

<sc_bundles>
// kernel: kernel.10.cloned.1.call-start
scs
__scs_entry_jumppad:
0x0: {  	(pc) =	sbr.rel $0x88, $3  }
0x1: {  	(tag) =	ssettag $0x0;
	lr =	simm.s32 $0x1  }
0x2: {  	[smem:$0x3F96] =	sst lr;
	_ =	strace $0xD0000000  }
0x3: {  	_ = 	snop  }
0x4: {  	_ = 	snop  }
0x5: {  	_ = 	snop  }
0x6: {  	_ = 	snop  }
0x7: {  	_ = 	snop  }
__scs_overlays_trampoline_lowered:
0x8: {  	[smem:$0x3FA5] =	sst s0  }
0x9: {  	[smem:$0x3FA6] =	sst s1  }
0xa: {  	[smem:$0x3FA7] =	sst s2  }
0xb: {  	[smem:$0x3FA8] =	sst s3  }
0xc: {  	[smem:$0x3FA9] =	sst s4  }
0xd: {  	[smem:$0x3FAA] =	sst s5  }
0xe: {  	[smem:$0x3FAB] =	sst s6  }
0xf: {  	[smem:$0x3FAC] =	sst s7  }
0x10: {  	[smem:$0x3FAD] =	sst s8  }
0x11: {  	[smem:$0x3FAE] =	sst s9;
	s0 =	simm.s32 @!p0 $0x0  }
0x12: {  	s1 =	sld [smem:$0x3F94];
	s0 =	simm.s32 @p0 $0x1  }
0x13: {  	[smem:$0x3FAF] =	sst s0;
	s0 =	simm.s32 @!p1 $0x0  }
0x14: {  	s2 =	sld [smem:$0x3F93];
	s0 =	simm.s32 @p1 $0x1  }
0x15: {  	[smem:$0x3FB0] =	sst s0;
	s0 =	simm.s32 @!p2 $0x0  }
0x16: {  	s3 =	sld [smem:$0x3FDB];
	s0 =	simm.s32 @p2 $0x1  }
0x17: {  	s4 =	simm.s32 $0x1BF5;
	[smem:$0x3FB2] =	sst s0  }
0x18: {  	s0 =	sld [smem:$0x3F95];
	_ =	swait.ge [sflag:s4], $0x0  }
0x19: {  	s7 =	sld [smem:$0x3F96]  }
0x1a: {  	s8 =	sadd.s32 $0xFFFFE003, lr  }
0x1b: {  	s9 =	sadd.s32 $0xFFFFFEF7, lr;
	s5 =	simm.s32 $0xFFFFFFFF;
	p2 =	slt.u32 s8, $0xFFFFF086  }
0x1c: {  	p1 =	slt.u32 s9, $0xF7A;
	s5 =	simm.s32 @!p2 $0x0  }
0x1d: {  	s5 =	simm.s32 @p1 $0x1;
	p0 =	seq.s32 s7, s2  }
0x1e: {  	s7 =	smul.u32 @!p0 $0xF7A, s2;
	p2 =	seq.s32 @!p0 s5, $0x0  }
0x1f: {  	s9 =	smul.u32 $0xF7A, s1;
	s8 =	simm.s32 @!p0 $0x1BF5;
	p2 =	por !p2, p0  }
0x20: {  	[sflag:s8] =	ssyncset.s32 @!p0 $0xFFFFF086;
	s6 =	sadd.s32 @!p0 s3, s7;
	s7 =	simm.s32 @!p0 $0x108  }
0x21: {  	s3 =	sadd.s32 s3, s9;
	s6 =	sadd.s32 @!p0 $0x88, s6;
	s7 =	simm.s32 @p2 $0x1082  }
0x22: {  	[simem:s7], [sflag:s8] =	dma.local @!p0 [hbm:s6], $0xF7A  }
0x23: {  	s9 =	sor.u32 $0xD0000000, s2;
	s6 =	simm.s32 $0x108;
	_ =	swait.ge @!p0 [sflag:s8], $0x0  }
0x24: {  	s3 =	sadd.s32 $0x88, s3;
	s6 =	simm.s32 @!p1 $0x1082;
	[sflag:s4] =	ssyncset.s32 $0xFFFFF086  }
0x25: {  	[simem:s6], [sflag:s4] =	dma.local [hbm:s3], $0xF7A  }
0x26: {  	[smem:$0x3F96] =	sst s1;
	(tag) =	ssettag s2;
	_ =	strace s9  }
0x27: {  	s1 =	sld [smem:$0x3FA6]  }
0x28: {  	s2 =	sld [smem:$0x3FA7]  }
0x29: {  	s4 =	sld [smem:$0x3FA9]  }
0x2a: {  	p0 =	seq.s32 s5, $0x0;
	s5 =	sld [smem:$0x3FAA]  }
0x2b: {  	s6 =	sld [smem:$0x3FAB]  }
0x2c: {  	s7 =	sld [smem:$0x3FAC]  }
0x2d: {  	s3 =	simm.s32 $0x108;
	s8 =	sld [smem:$0x3FAD]  }
0x2e: {  	s3 =	simm.s32 @!p0 $0x1082;
	s9 =	sld [smem:$0x3FAE]  }
0x2f: {  	lr =	sadd.s32 s0, s3;
	s0 =	sld [smem:$0x3FA5]  }
0x30: {  	s3 =	sld [smem:$0x3FA8]  }
0x31: {  	[smem:$0x3FB1] =	sst s10  }
0x32: {  	s10 =	sld [smem:$0x3FAF];
	_ =	sdelay $0x3  }
0x33: {  	p0 =	seq.s32 s10, $0x1;
	s10 =	sld [smem:$0x3FB1];
	_ =	sdelay $0x3  }
0x34: {  	[smem:$0x3FB1] =	sst s10  }
0x35: {  	s10 =	sld [smem:$0x3FB0];
	_ =	sdelay $0x3  }
0x36: {  	p1 =	seq.s32 s10, $0x1;
	s10 =	sld [smem:$0x3FB1];
	_ =	sdelay $0x3  }
0x37: {  	[smem:$0x3FB1] =	sst s10  }
0x38: {  	s10 =	sld [smem:$0x3FB2]  }
0x39: {  	_ = 	snop;
	(pc) =	sbr.ind lr, $3  }
0x3a: {  	_ = 	snop  }
0x3b: {  	_ = 	snop  }
0x3c: {  	p2 =	seq.s32 s10, $0x1;
	s10 =	sld [smem:$0x3FB1]  }
0x3d: {  	_ =	shalt  }
0x3e: {  	_ =	shalt  }
0x3f: {  	_ =	shalt  }
0x40: {  	_ =	shalt  }
0x41: {  	_ =	shalt  }
0x42: {  	_ =	shalt  }
0x43: {  	_ =	shalt  }
0x44: {  	_ =	shalt  }
0x45: {  	_ =	shalt  }
0x46: {  	_ =	shalt  }
0x47: {  	_ =	shalt  }
0x48: {  	_ =	shalt  }
0x49: {  	_ =	shalt  }
0x4a: {  	_ =	shalt  }
0x4b: {  	_ =	shalt  }
0x4c: {  	_ =	shalt  }
0x4d: {  	_ =	shalt  }
0x4e: {  	_ =	shalt  }
0x4f: {  	_ =	shalt  }
0x50: {  	_ =	shalt  }
0x51: {  	_ =	shalt  }
0x52: {  	_ =	shalt  }
0x53: {  	_ =	shalt  }
0x54: {  	_ =	shalt  }
0x55: {  	_ =	shalt  }
0x56: {  	_ =	shalt  }
0x57: {  	_ =	shalt  }
0x58: {  	_ =	shalt  }
0x59: {  	_ =	shalt  }
0x5a: {  	_ =	shalt  }
0x5b: {  	_ =	shalt  }
0x5c: {  	_ =	shalt  }
0x5d: {  	_ =	shalt  }
0x5e: {  	_ =	shalt  }
0x5f: {  	_ =	shalt  }
0x60: {  	_ =	shalt  }
0x61: {  	_ =	shalt  }
0x62: {  	_ =	shalt  }
0x63: {  	_ =	shalt  }
0x64: {  	_ =	shalt  }
0x65: {  	_ =	shalt  }
0x66: {  	_ =	shalt  }
0x67: {  	_ =	shalt  }
0x68: {  	_ =	shalt  }
0x69: {  	_ =	shalt  }
0x6a: {  	_ =	shalt  }
0x6b: {  	_ =	shalt  }
0x6c: {  	_ =	shalt  }
0x6d: {  	_ =	shalt  }
0x6e: {  	_ =	shalt  }
0x6f: {  	_ =	shalt  }
0x70: {  	_ =	shalt  }
0x71: {  	_ =	shalt  }
0x72: {  	_ =	shalt  }
0x73: {  	_ =	shalt  }
0x74: {  	_ =	shalt  }
0x75: {  	_ =	shalt  }
0x76: {  	_ =	shalt  }
0x77: {  	_ =	shalt  }
0x78: {  	_ =	shalt  }
0x79: {  	_ =	shalt  }
0x7a: {  	_ =	shalt  }
0x7b: {  	_ =	shalt  }
0x7c: {  	_ =	shalt  }
0x7d: {  	_ =	shalt  }
0x7e: {  	_ =	shalt  }
0x7f: {  	_ =	shalt  }
0x80: {  	_ =	shalt  }
0x81: {  	_ =	shalt  }
0x82: {  	_ =	shalt  }
0x83: {  	_ =	shalt  }
0x84: {  	_ =	shalt  }
0x85: {  	_ =	shalt  }
0x86: {  	_ =	shalt  }
0x87: {  	_ =	shalt  }
.Lfunc_end0:
.L_simem_size_0:
called_computation.1_lowered:
.L_overlay_start_0:
0x88: {  	s2 =	sld [smem:$0x3FD9]  }
0x89: {  	s3 =	sld [smem:$0x3FFE];
	_ =	sdelay $0x1  }
0x8a: {  	s1 =	srdreg.scid  }
0x8b: {  	s0 =	sand.u32 $0x1, s1  }
0x8c: {  	s16 =	sshll.u32 s0, $0xA;
	s2 =	sadd.s32 s3, s2  }
0x8d: {  	s2 =	sadd.s32 s2, s16  }
0x8e: {  	[smem:$0x3FBD] =	sst s2  }
0x8f: {  	_ = 	snop  }
0x90: {  	(tm) =	ssettm $0x1  }
0x91: {  	s17 =	sld [smem:$0x3FFB];
	_ =	sdelay $0x3  }
0x92: {  	_ =	strace s17  }
0x93: {  	s2 =	sld [smem:$0x3FFC];
	_ =	sdelay $0x3  }
0x94: {  	_ =	strace s2  }
0x95: {  	s2 =	sld [smem:$0x3FFD];
	_ =	sdelay $0x3  }
0x96: {  	_ =	strace s2  }
0x97: {  	_ =	strace $0x8FFFFFFF  }
0x98: {  	s18 =	sld [smem:$0x3FDB];
	_ =	sdelay $0x1  }
0x99: {  	s19 =	simm.s32 $_scs_section_size  }
0x9a: {  	s4 =	simm.s32 $_size__tile_overlayer_lowered;
	s5 =	simm.s32 $_tile_overlayer_lowered  }
0x9b: {  	s22 =	simm.s32 $0x1BFF;
	s21 =	sshll.u32 s5, $0x1;
	s2 =	sadd.s32 s19, s18  }
0x9c: {  	s6 =	simm.s32 $0x0;
	s20 =	sshll.u32 s4, $0x1;
	s4 =	sadd.s32 s21, s2  }
0x9d: {  	[timem:s6], [sflag:s22] =	dma.local [hbm:s4], s20  }
0x9e: {  	_ =	swait.ge [sflag:s22], s20  }
0x9f: {  	s3 =	ssub.s32 $0x0, s20;
	[sflag:s22] =	ssyncset.done $0x0  }
0xa0: {  	[sflag:s22] =	ssyncadd.s32 s3;
	_ =	sdelay $0x1  }
0xa1: {  	s23 =	simm.s32 $0x1B8B  }
0xa2: {  	_ =	swait.ge [sflag:s23], $0x1  }
0xa3: {  	[sflag:s23] =	ssyncset.done $0x0  }
0xa4: {  	s25 =	simm.s32 $0x1B8E;
	s24 =	sld [smem:$0x3FFE];
	[sflag:s23] =	ssyncadd.s32 $0xFFFFFFFF  }
0xa5: {  	s26 =	simm.s32 $execute0_lowered;
	[smem:$0x3FD2] =	sst s25  }
0xa6: {  	s4 =	sshll.u32 s26, $0x1;
	_ =	strace $0x80000049;
	[dreg:$0x1] =	wrdreg $0xFFFFFFFF  }
0xa7: {  	s28 =	simm.s32 $_size_execute0_lowered;
	s2 =	sadd.s32 s2, s4;
	[dreg:$0x0] =	wrdreg $0x0  }
0xa8: {  	s4 =	sshll.u32 s28, $0x1;
	[dreg:$0x2] =	wrdreg s2  }
0xa9: {  	[dreg:$0x3] =	wrdreg s4  }
0xaa: {  	[dreg:$0x4] =	wrdreg $0xC0  }
0xab: {  	_ =	task [dreg:s6], $0x5FFFF  }
0xac: {  	[dreg:$0x1] =	wrdreg $0xFFFFFFFF  }
0xad: {  	[dreg:$0x0] =	wrdreg $0x60  }
0xae: {  	[dreg:$0x2] =	wrdreg s24  }
0xaf: {  	[dreg:$0x3] =	wrdreg $0xA6800  }
0xb0: {  	[dreg:$0x4] =	wrdreg $0x9  }
0xb1: {  	_ =	task.clear_ibuf [dreg:s6], $0x5FFFF;
	_ =	strace $0x90000049  }
0xb2: {  	s29 =	simm.s32 $0x9;
	_ =	strace $0x8000004B  }
0xb3: {  	_ =	swait.ge [sflag:s29], $0x1  }
0xb4: {  	[sflag:s29] =	ssyncadd.s32 $0xFFFFFFFF  }
0xb5: {  	_ =	strace $0x9000004B  }
0xb6: {  	_ =	sfence  }
0xb7: {  	s30 =	sld [smem:$0x0];
	_ =	sdelay $0x2  }
0xb8: {  	s31 =	sshll.u32 s1, $0xD;
	s1 =	sshrl.u32 s1, $0x2  }
0xb9: {  	s3 =	sand.u32 $0x4000, s31;
	s1 =	sadd.s32 s1, s30  }
0xba: {  	s0 =	sor.u32 s3, s0;
	s1 =	sshll.u32 s1, $0x11  }
0xbb: {  	s0 =	sor.u32 s1, s0  }
0xbc: {  	s0 =	sadd.s32 $0x8F2B, s0  }
0xbd: {  	[sflag:s0] =	ssyncadd.remote.s32 $0x1  }
0xbe: {  	_ =	sfence.sel $0xFFFF  }
0xbf: {  	[dreg:$0x0] =	wrdreg $0xFFFFFFFF;
	(pc) =	sbr.abs _section_cstart, $3  }
0xc0: {  	[dreg:$0x1] =	wrdreg $0xFFFFFFFF  }
0xc1: {  	_ =	task.clear_ibuf [dreg:s6], $0x2FFFF;
	_ =	strace $0x9FFFFFFF  }
0xc2: {  	(tm) =	ssettm $0x7FFFFFFF  }
0xc3: {  	_ =	shalt  }
tec
execute0_lowered:
.L_overlay_start_1:
0x0: {  	(tag) =	ssettag $0x1  }
0x1: {  	s0 =	rddreg [dreg:$0x0]  }
0x2: {  	s2 =	rddreg [dreg:$0x1]  }
0x3: {  	s1 =	srdreg.scid;
	s9 =	stileid.u32  }
0x4: {  	s3 =	simm.s32 $0x0;
	s28 =	simm.s32 $0x380;
	s29 =	simm.s32 $0x400  }
0x5: {  	s30 =	simm.s32 $0x680;
	s31 =	simm.s32 $0x5;
	s5 =	smul.u32 $0x13C00, s9  }
0x6: {  	s1 =	sand.u32 $0x1, s1;
	s6 =	sshll.u32 s9, $0x1;
	s9 =	smul.u32 $0x4F000, s9  }
0x7: {  	s12 =	simm.s32 $0x1;
	[smem:$0x7FF] =	sst s3;
	s4 =	smul.u32 $0x13C000, s1  }
0x8: {  	s6 =	sor.u32 s1, s6;
	_ =	strace $0x8000004A;
	s1 =	ssub.s32 $0x2, s1  }
0x9: {  	s10 =	sshrl.u32 s1, $0x1;
	s14 =	sshrl.u32 s9, $0x2;
	s9 =	simm.s32 $0x580  }
0xa: {  	s7 =	sadd.s32 s5, s4;
	s4 =	smul.u32 $0x2710, s6;
	s11 =	sadd.s32 s14, s2  }
0xb: {  	s5 =	sadd.s32 $0x15E00, s0;
	s6 =	sadd.s32 $0x2400, s0;
	s18 =	sadd.s32 $0x2800, s11  }
0xc: {  	s1 =	ssub.s32 s1, s10;
	s19 =	sadd.s32 $0x5000, s11;
	[dreg:$0x8] =	wrdreg s18  }
0xd: {  	s10 =	simm.s32 $0x600;
	s20 =	sadd.s32 $0x7800, s11;
	[dreg:$0x9] =	wrdreg s19  }
0xe: {  	s14 =	simm.s32 $0x2E80;
	s21 =	sadd.s32 $0xA000, s11;
	[dreg:$0xa] =	wrdreg s20  }
0xf: {  	s7 =	sshrl.u32 s7, $0x3;
	s22 =	sadd.s32 $0xC800, s11;
	[dreg:$0xb] =	wrdreg s21  }
0x10: {  	s23 =	sadd.s32 $0xF000, s11;
	s24 =	sadd.s32 $0x11800, s11;
	[dreg:$0xc] =	wrdreg s22  }
0x11: {  	s26 =	smax.u32 s1, $0x1;
	s1 =	simm.s32 $0x480;
	[dreg:$0xd] =	wrdreg s23  }
0x12: {  	s8 =	sshrl.u32 s4, $0x3;
	s0 =	sadd.s32 s7, s0;
	[dreg:$0xe] =	wrdreg s24  }
0x13: {  	s20 =	sadd.s32 $0x140, s4;
	[dreg:$0x12] =	wrdreg s26;
	s13 =	sadd.s32 s6, s8  }
0x14: {  	s26 =	simm.s32 $0x300;
	s0 =	sadd.s32 $0x3D000, s0;
	[dreg:$0x3] =	wrdreg s13  }
0x15: {  	s18 =	simm.s32 $0x4;
	s8 =	sadd.s32 $0x9C40, s13;
	[dreg:$0x11] =	wrdreg s0  }
0x16: {  	s19 =	simm.s32 $0x2;
	s15 =	sadd.s32 $0x9C4A, s13;
	[dreg:$0x4] =	wrdreg s8  }
0x17: {  	s21 =	simm.s32 $0x0;
	s16 =	sadd.s32 $0x9C54, s13;
	[dreg:$0x5] =	wrdreg s15  }
.Ltmp0:
0x18: {  	s17 =	sadd.s32 $0x9C5E, s13;
	[dreg:$0x6] =	wrdreg s16;
	(pc) =	sbr.rel .LBB2_1-.Ltmp0, $4  }
0x19: {  	s25 =	sadd.s32 $0x4D8, s13;
	s7 =	sadd.s32 $0xA118, s13;
	[dreg:$0x7] =	wrdreg s17  }
0x1a: {  	s0 =	simm.s32 $0x140;
	s13 =	simm.s32 $0x50;
	[dreg:$0xf] =	wrdreg s25  }
0x1b: {  	[dreg:$0x10] =	wrdreg s7;
	s25 =	simm.s32 $0x280;
	s8 =	simm.s32 $0x500  }
0x1c: {  	v0 =	vimm.f32 $0.0e+00;
	s15 =	simm.s32 $0x5680;
	s16 =	simm.s32 $0x7E80;
	s17 =	simm.s32 $0x3  }
.LBB2_12:
0x1d: {  	_ =	swait.ge [sflag:s18], $0xA000  }
0x1e: {  	[sflag:s18] =	ssyncset.done $0x0  }
0x1f: {  	s7 =	rddreg [dreg:$0xf];
	[sflag:s18] =	ssyncadd.s32 $0xFFFF6000  }
0x20: {  	[tilespmem:s3], [sflag:$0x5] =	stream.linear.gather [hbm4b:s7+s3], $0x50, $0x38;
	[tilespmem:$0x1E280] =	vst v63  }
0x21: {  	_ =	swait.ge [sflag:s31], $0x50  }
0x22: {  	[sflag:s31] =	ssyncset.done $0x0  }
0x23: {  	s22 =	rddreg [dreg:$0x10];
	[sflag:s31] =	ssyncadd.s32 $0xFFFFFFB0  }
0x24: {  	[tilespmem:s25], [sflag:$0x5] =	stream.linear.gather [hbm4b:s22+s3], $0x50, $0x38;
	[tilespmem:$0x1E280] =	vst v63  }
0x25: {  	_ =	swait.ge [sflag:s31], $0x50  }
0x26: {  	[sflag:s31] =	ssyncset.done $0x0  }
0x27: {  	[sflag:s31] =	ssyncadd.s32 $0xFFFFFFB0  }
0x28: {  	[tilespmem:s30], [sflag:$0x3] =	stream.indirect.gather [hbm4b:s5+s13], $0x80, s3, s13, $0xb8;
	[tilespmem:$0x1E280] =	vst v63  }
0x29: {  	_ =	swait.ge [sflag:s17], $0x2800  }
0x2a: {  	[sflag:s17] =	ssyncset.done $0x0  }
0x2b: {  	[sflag:s17] =	ssyncadd.s32 $0xFFFFD800  }
0x2c: {  	[spmem:s2] =	stream.indirect.scatter.add.f32 [tilespmem:s30], [sflag:$0x4], $0x80, s25, s13, $0xb8;
	[tilespmem:$0x1E280] =	vst v63  }
0x2d: {  	_ =	swait.ge [sflag:s18], $0x2800  }
0x2e: {  	[sflag:s18] =	ssyncset.done $0x0  }
0x2f: {  	s23 =	stileid.u32;
	[sflag:s18] =	ssyncadd.s32 $0xFFFFD800  }
0x30: {  	s7 =	sshll.u32 s23, $0x6;
	[bflag:$0x0] =	sbarrier.arrive $0xFFFF  }
0x31: {  	s7 =	sor.u32 $0x1C05, s7;
	s22 =	sshrl.u32 s11, $0x3;
	s23 =	rddreg [dreg:$0x11]  }
0x32: {  	[hbm:s23], [sflag:s7] =	dma.local [spmem:s22], $0x2780  }
0x33: {  	_ =	swait.ge [sflag:s31], $0x2780  }
0x34: {  	s21 =	sadd.s32 $0x1, s21;
	s24 =	rddreg [dreg:$0x12]  }
0x35: {  	p0 =	sne.s32 s21, s24  }
.Ltmp1:
0x36: {  	_ = 	snop;
	(pc) =	sbr.rel @!p0 .LBB2_13-.Ltmp1, $3  }
0x37: {  	_ =	sdelay $0x1  }
0x38: {  	[sflag:s31] =	ssyncset.done $0x0  }
0x39: {  	[sflag:s31] =	ssyncadd.s32 $0xFFFFD880  }
.LBB2_1:
0x3a: {  	s7 =	rddreg [dreg:$0x3]  }
0x3b: {  	[tilespmem:s3], [sflag:$0x1] =	stream.linear.gather [hbm4b:s7+s3], $0x140, $0x38;
	[tilespmem:$0x1E280] =	vst v63  }
0x3c: {  	s24 =	rddreg [dreg:$0x4]  }
0x3d: {  	[tilespmem:s25], [sflag:$0x1] =	stream.linear.gather [hbm4b:s24+s3], $0x50, $0x38;
	[tilespmem:$0x1E280] =	vst v63  }
0x3e: {  	s22 =	rddreg [dreg:$0x5]  }
0x3f: {  	[tilespmem:s26], [sflag:$0x1] =	stream.linear.gather [hbm4b:s22+s3], $0x50, $0x38;
	[tilespmem:$0x1E280] =	vst v63  }
0x40: {  	s23 =	rddreg [dreg:$0x6]  }
0x41: {  	[tilespmem:s28], [sflag:$0x1] =	stream.linear.gather [hbm4b:s23+s3], $0x50, $0x38;
	[tilespmem:$0x1E280] =	vst v63  }
0x42: {  	s24 =	rddreg [dreg:$0x7];
	s22 =	simm.s32 $0x0;
	s23 =	simm.s32 $0x200  }
0x43: {  	[tilespmem:s29], [sflag:$0x1] =	stream.linear.gather [hbm4b:s24+s3], $0x50, $0x38;
	[tilespmem:$0x1E280] =	vst v63  }
.LBB2_2:
0x44: {  	p0 =	sne.s32 s23, $0x9E00;
	[tilespmem:s22+$0x6F0] =	vst v0  }
0x45: {  	[tilespmem:s22+$0x680] =	vst v0  }
0x46: {  	[tilespmem:s22+$0x690] =	vst v0  }
.Ltmp2:
0x47: {  	[tilespmem:s22+$0x6A0] =	vst v0;
	(pc) =	sbr.rel @p0 .LBB2_2-.Ltmp2, $4  }
0x48: {  	[tilespmem:s22+$0x6B0] =	vst v0  }
0x49: {  	[tilespmem:s22+$0x6C0] =	vst v0  }
0x4a: {  	[tilespmem:s22+$0x6D0] =	vst v0  }
0x4b: {  	[tilespmem:s22+$0x6E0] =	vst v0;
	s22 =	sshra.s32 s23, $0x2;
	s23 =	sadd.s32 $0x200, s23  }
0x4c: {  	[tilespmem:s22+$0x6F0] =	vst v0  }
0x4d: {  	[tilespmem:s22+$0x680] =	vst v0  }
0x4e: {  	[tilespmem:s22+$0x690] =	vst v0  }
0x4f: {  	[tilespmem:s22+$0x6A0] =	vst v0  }
0x50: {  	[tilespmem:s22+$0x6B0] =	vst v0  }
0x51: {  	[tilespmem:s22+$0x6C0] =	vst v0  }
0x52: {  	[tilespmem:s22+$0x6D0] =	vst v0  }
0x53: {  	[tilespmem:s22+$0x6E0] =	vst v0  }
0x54: {  	[spmem:s11] =	stream.linear.scatter [tilespmem:s30], [sflag:$0x5], $0x2800, $0x38;
	[tilespmem:$0x1E280] =	vst v63  }
0x55: {  	_ =	swait.ge [sflag:s31], $0x2800  }
0x56: {  	[sflag:s31] =	ssyncset.done $0x0  }
0x57: {  	s7 =	rddreg [dreg:$0x8];
	[sflag:s31] =	ssyncadd.s32 $0xFFFFD800  }
0x58: {  	[spmem:s7] =	stream.linear.scatter [tilespmem:s30], [sflag:$0x5], $0x2800, $0x38;
	[tilespmem:$0x1E280] =	vst v63  }
0x59: {  	_ =	swait.ge [sflag:s31], $0x2800  }
0x5a: {  	[sflag:s31] =	ssyncset.done $0x0  }
0x5b: {  	s22 =	rddreg [dreg:$0x9];
	[sflag:s31] =	ssyncadd.s32 $0xFFFFD800  }
0x5c: {  	[spmem:s22] =	stream.linear.scatter [tilespmem:s30], [sflag:$0x5], $0x2800, $0x38;
	[tilespmem:$0x1E280] =	vst v63  }
0x5d: {  	_ =	swait.ge [sflag:s31], $0x2800  }
0x5e: {  	[sflag:s31] =	ssyncset.done $0x0  }
0x5f: {  	s23 =	rddreg [dreg:$0xa];
	[sflag:s31] =	ssyncadd.s32 $0xFFFFD800  }
0x60: {  	[spmem:s23] =	stream.linear.scatter [tilespmem:s30], [sflag:$0x5], $0x2800, $0x38;
	[tilespmem:$0x1E280] =	vst v63  }
0x61: {  	_ =	swait.ge [sflag:s31], $0x2800  }
0x62: {  	[sflag:s31] =	ssyncset.done $0x0  }
0x63: {  	s24 =	rddreg [dreg:$0xb];
	[sflag:s31] =	ssyncadd.s32 $0xFFFFD800  }
0x64: {  	[spmem:s24] =	stream.linear.scatter [tilespmem:s30], [sflag:$0x5], $0x2800, $0x38;
	[tilespmem:$0x1E280] =	vst v63  }
0x65: {  	_ =	swait.ge [sflag:s31], $0x2800  }
0x66: {  	[sflag:s31] =	ssyncset.done $0x0  }
0x67: {  	s22 =	rddreg [dreg:$0xc];
	[sflag:s31] =	ssyncadd.s32 $0xFFFFD800  }
0x68: {  	[spmem:s22] =	stream.linear.scatter [tilespmem:s30], [sflag:$0x5], $0x2800, $0x38;
	[tilespmem:$0x1E280] =	vst v63  }
0x69: {  	_ =	swait.ge [sflag:s31], $0x2800  }
0x6a: {  	[sflag:s31] =	ssyncset.done $0x0  }
0x6b: {  	s23 =	rddreg [dreg:$0xd];
	[sflag:s31] =	ssyncadd.s32 $0xFFFFD800  }
0x6c: {  	[spmem:s23] =	stream.linear.scatter [tilespmem:s30], [sflag:$0x5], $0x2800, $0x38;
	[tilespmem:$0x1E280] =	vst v63  }
0x6d: {  	_ =	swait.ge [sflag:s31], $0x2800  }
0x6e: {  	[sflag:s31] =	ssyncset.done $0x0  }
0x6f: {  	s24 =	rddreg [dreg:$0xe];
	[sflag:s31] =	ssyncadd.s32 $0xFFFFD800  }
0x70: {  	[spmem:s24] =	stream.linear.scatter [tilespmem:s30], [sflag:$0x5], $0x2400, $0x38;
	[tilespmem:$0x1E280] =	vst v63  }
.Ltmp3:
0x71: {  	_ =	swait.ge [sflag:s31], $0x2400;
	(pc) =	sbr.rel .LBB2_4-.Ltmp3, $4  }
0x72: {  	[sflag:s31] =	ssyncset.done $0x0  }
0x73: {  	[sflag:s31] =	ssyncadd.s32 $0xFFFFDC00  }
0x74: {  	[bflag:$0x0] =	sbarrier.arrive $0xFFFF  }
0x75: {  	s22 =	simm.s32 $0x0  }
.LBB2_14:
0x76: {  	s7 =	sshrl.u32 s22, $0x3  }
0x77: {  	s7 =	sadd.s32 s6, s7  }
0x78: {  	[tilespmem:s3], [sflag:$0x1] =	stream.linear.gather [hbm4b:s7+s3], $0x140, $0x38;
	[tilespmem:$0x1E280] =	vst v63  }
0x79: {  	s22 =	sadd.s32 $0x9C40, s7  }
0x7a: {  	[tilespmem:s25], [sflag:$0x1] =	stream.linear.gather [hbm4b:s22+s3], $0x50, $0x38;
	[tilespmem:$0x1E280] =	vst v63  }
0x7b: {  	s22 =	sadd.s32 $0x9C4A, s7  }
0x7c: {  	[tilespmem:s26], [sflag:$0x1] =	stream.linear.gather [hbm4b:s22+s3], $0x50, $0x38;
	[tilespmem:$0x1E280] =	vst v63  }
0x7d: {  	s22 =	sadd.s32 $0x9C54, s7  }
0x7e: {  	[tilespmem:s28], [sflag:$0x1] =	stream.linear.gather [hbm4b:s22+s3], $0x50, $0x38;
	[tilespmem:$0x1E280] =	vst v63  }
0x7f: {  	s7 =	sadd.s32 $0x9C5E, s7  }
0x80: {  	[tilespmem:s29], [sflag:$0x1] =	stream.linear.gather [hbm4b:s7+s3], $0x50, $0x38;
	[tilespmem:$0x1E280] =	vst v63  }
.LBB2_10:
0x81: {  	_ =	swait.ge [sflag:s19], $0x140  }
0x82: {  	[sflag:s19] =	ssyncset.done $0x0  }
0x83: {  	[sflag:s19] =	ssyncadd.s32 $0xFFFFFEC0  }
0x84: {  	_ =	swait.ge [sflag:s19], $0x140  }
0x85: {  	[sflag:s19] =	ssyncset.done $0x0  }
0x86: {  	[sflag:s19] =	ssyncadd.s32 $0xFFFFFEC0  }
.LBB2_11:
0x87: {  	s7 =	smul.u32 $0x500, s23;
	_ =	sdelay $0x1  }
0x88: {  	s7 =	sshrl.u32 s7, $0x2  }
0x89: {  	[tilespmem:s30], [sflag:$0x3] =	stream.indirect.gather [hbm4b:s5+s13], $0x80, s7, s13, $0xb8;
	[tilespmem:$0x1E280] =	vst v63  }
0x8a: {  	s22 =	sadd.s32 $0x50, s7  }
0x8b: {  	[tilespmem:s14], [sflag:$0x3] =	stream.indirect.gather [hbm4b:s5+s13], $0x80, s22, s13, $0xb8;
	[tilespmem:$0x1E280] =	vst v63  }
0x8c: {  	s22 =	sadd.s32 $0xA0, s7  }
0x8d: {  	[tilespmem:s15], [sflag:$0x3] =	stream.indirect.gather [hbm4b:s5+s13], $0x80, s22, s13, $0xb8;
	[tilespmem:$0x1E280] =	vst v63  }
0x8e: {  	s7 =	sadd.s32 $0xF0, s7  }
0x8f: {  	[tilespmem:s16], [sflag:$0x3] =	stream.indirect.gather [hbm4b:s5+s13], $0x80, s7, s13, $0xb8;
	[tilespmem:$0x1E280] =	vst v63  }
0x90: {  	_ =	swait.ge [sflag:s17], $0x2800  }
0x91: {  	s7 =	sshll.u32 s23, $0x9;
	[sflag:s17] =	ssyncset.done $0x0  }
0x92: {  	s23 =	sadd.s32 $0x280, s7;
	[sflag:s17] =	ssyncadd.s32 $0xFFFFD800  }
0x93: {  	[spmem:s2] =	stream.indirect.scatter.add.f32 [tilespmem:s30], [sflag:$0x4], $0x80, s23, s13, $0xb8;
	[tilespmem:$0x1E280] =	vst v63  }
0x94: {  	_ =	swait.ge [sflag:s17], $0x2800  }
0x95: {  	[sflag:s17] =	ssyncset.done $0x0  }
0x96: {  	s23 =	sadd.s32 $0x300, s7;
	[sflag:s17] =	ssyncadd.s32 $0xFFFFD800  }
0x97: {  	[spmem:s2] =	stream.indirect.scatter.add.f32 [tilespmem:s14], [sflag:$0x4], $0x80, s23, s13, $0xb8;
	[tilespmem:$0x1E280] =	vst v63  }
0x98: {  	_ =	swait.ge [sflag:s17], $0x2800  }
0x99: {  	[sflag:s17] =	ssyncset.done $0x0  }
0x9a: {  	p0 =	slt.u32 s24, $0x1F;
	s23 =	sadd.s32 $0x380, s7;
	[sflag:s17] =	ssyncadd.s32 $0xFFFFD800  }
0x9b: {  	[spmem:s2] =	stream.indirect.scatter.add.f32 [tilespmem:s15], [sflag:$0x4], $0x80, s23, s13, $0xb8;
	[tilespmem:$0x1E280] =	vst v63  }
.Ltmp4:
0x9c: {  	_ = 	snop;
	(pc) =	sbr.rel @!p0 .LBB2_12-.Ltmp4, $4  }
0x9d: {  	_ =	swait.ge [sflag:s17], $0x2800  }
0x9e: {  	[sflag:s17] =	ssyncset.done $0x0  }
0x9f: {  	s22 =	smov.u32 s24;
	s7 =	sor.u32 $0x400, s7;
	[sflag:s17] =	ssyncadd.s32 $0xFFFFD800  }
0xa0: {  	[spmem:s2] =	stream.indirect.scatter.add.f32 [tilespmem:s16], [sflag:$0x4], $0x80, s7, s13, $0xb8;
	[tilespmem:$0x1E280] =	vst v63  }
.LBB2_4:
0xa1: {  	p0 =	seq.s32 s22, $0x0  }
.Ltmp5:
0xa2: {  	_ = 	snop;
	(pc) =	sbr.rel @p0 .LBB2_5-.Ltmp5, $2  }
0xa3: {  	_ =	sdelay $0x2  }
0xa4: {  	s23 =	sand.u32 $0x1, s22  }
0xa5: {  	p0 =	seq.s32 s22, $0x1E  }
.Ltmp6:
0xa6: {  	_ = 	snop;
	(pc) =	sbr.rel @p0 .LBB2_9-.Ltmp6, $4  }
0xa7: {  	_ = 	snop  }
0xa8: {  	_ =	swait.ge [sflag:s18], $0xA000  }
0xa9: {  	[sflag:s18] =	ssyncset.done $0x0  }
0xaa: {  	s24 =	simm.s32 $0x1F;
	[sflag:s18] =	ssyncadd.s32 $0xFFFF6000  }
0xab: {  	p0 =	seq.s32 s23, $0x1  }
.Ltmp7:
0xac: {  	_ = 	snop;
	(pc) =	sbr.rel @p0 .LBB2_14-.Ltmp7, $4  }
.Ltmp8:
0xad: {  	s24 =	sadd.s32 $0x1, s22;
	(pc) =	sbr.rel @!p0 .LBB2_8-.Ltmp8, $4  }
0xae: {  	s22 =	smul.u32 $0x140, s24  }
0xaf: {  	_ = 	snop  }
0xb0: {  	s22 =	sadd.s32 s4, s22  }
0xb1: {  	_ = 	snop  }
.LBB2_5:
0xb2: {  	s24 =	simm.s32 $0x1;
	s22 =	smov.u32 s20  }
.LBB2_8:
0xb3: {  	s22 =	sshrl.u32 s22, $0x3  }
0xb4: {  	s22 =	sadd.s32 s6, s22  }
0xb5: {  	[tilespmem:s0], [sflag:$0x2] =	stream.linear.gather [hbm4b:s22+s3], $0x140, $0x38;
	[tilespmem:$0x1E280] =	vst v63  }
0xb6: {  	s7 =	sadd.s32 $0x9C40, s22  }
0xb7: {  	[tilespmem:s1], [sflag:$0x2] =	stream.linear.gather [hbm4b:s7+s3], $0x50, $0x38;
	[tilespmem:$0x1E280] =	vst v63  }
0xb8: {  	s7 =	sadd.s32 $0x9C4A, s22  }
0xb9: {  	[tilespmem:s8], [sflag:$0x2] =	stream.linear.gather [hbm4b:s7+s3], $0x50, $0x38;
	[tilespmem:$0x1E280] =	vst v63  }
0xba: {  	s7 =	sadd.s32 $0x9C54, s22  }
0xbb: {  	[tilespmem:s9], [sflag:$0x2] =	stream.linear.gather [hbm4b:s7+s3], $0x50, $0x38;
	[tilespmem:$0x1E280] =	vst v63  }
0xbc: {  	s22 =	sadd.s32 $0x9C5E, s22  }
0xbd: {  	[tilespmem:s10], [sflag:$0x2] =	stream.linear.gather [hbm4b:s22+s3], $0x50, $0x38;
	[tilespmem:$0x1E280] =	vst v63  }
.LBB2_9:
0xbe: {  	_ =	swait.ge [sflag:s12], $0x140;
	p0 =	seq.s32 s23, $0x0  }
.Ltmp9:
0xbf: {  	[sflag:s12] =	ssyncset.done $0x0;
	(pc) =	sbr.rel @p0 .LBB2_11-.Ltmp9, $4  }
.Ltmp10:
0xc0: {  	[sflag:s12] =	ssyncadd.s32 $0xFFFFFEC0;
	(pc) =	sbr.rel @!p0 .LBB2_10-.Ltmp10, $4  }
0xc1: {  	_ =	swait.ge [sflag:s12], $0x140  }
0xc2: {  	[sflag:s12] =	ssyncset.done $0x0  }
0xc3: {  	[sflag:s12] =	ssyncadd.s32 $0xFFFFFEC0  }
0xc4: {  	_ = 	snop  }
.LBB2_13:
0xc5: {  	_ =	sfence.sel $0x180000  }
0xc6: {  	[bflag:$0x0] =	sbarrier.arrive $0xFFFF  }
0xc7: {  	_ =	strace $0x9000004A  }
0xc8: {  	s0 =	stileid.u32;
	[bflag:$0x2] =	sbarrier.arrive $0xFFFF  }
0xc9: {  	p0 =	sne.s32 s0, $0x0;
	s0 =	rddreg [dreg:$0x2]  }
0xca: {  	s0 =	sadd.s32 @!p0 $0x100000, s0  }
0xcb: {  	[sflag:s0] =	ssyncadd.tile.s32 @!p0 $0x1;
	_ =	shalt  }
.Lfunc_end2:
_tile_overlayer_lowered:
.L_overlay_start_2:
0xcc: {  	(tag) =	ssettag $0x2  }
0xcd: {  	s0 =	rddreg [dreg:$0x0];
	s2 =	stileid.u32  }
0xce: {  	s1 =	rddreg [dreg:$0x1];
	p0 =	sne.s32 s2, $0x0  }
0xcf: {  	s3 =	rddreg [dreg:$0x2];
	[bflag:$0x3] =	sbarrier.arrive $0xFFFF;
	s2 =	simm.s32 @!p0 $0x1C05  }
0xd0: {  	[timem:s3], [sflag:s2] =	dma.local @!p0 [hbm:s0], s1  }
0xd1: {  	s0 =	simm.s32 @!p0 $0x5  }
0xd2: {  	_ =	swait.ge @!p0 [sflag:s0], s1  }
0xd3: {  	s1 =	ssub.s32 @!p0 $0x0, s1;
	[sflag:s0] =	ssyncset.done @!p0 $0x0  }
0xd4: {  	[sflag:s0] =	ssyncadd.s32 @!p0 s1  }
0xd5: {  	[bflag:$0x3] =	sbarrier.arrive $0xFFFF  }
0xd6: {  	_ =	shalt  }

// kernel: kernel.7.cloned.1.call-start
scs
__scs_entry_jumppad:
0x0: {  	(pc) =	sbr.rel $0x88, $3  }
0x1: {  	(tag) =	ssettag $0x0;
	lr =	simm.s32 $0x1  }
0x2: {  	[smem:$0x3F96] =	sst lr;
	_ =	strace $0xD0000000  }
0x3: {  	_ = 	snop  }
0x4: {  	_ = 	snop  }
0x5: {  	_ = 	snop  }
0x6: {  	_ = 	snop  }
0x7: {  	_ = 	snop  }
__scs_overlays_trampoline_lowered:
0x8: {  	[smem:$0x3FA5] =	sst s0  }
0x9: {  	[smem:$0x3FA6] =	sst s1  }
0xa: {  	[smem:$0x3FA7] =	sst s2  }
0xb: {  	[smem:$0x3FA8] =	sst s3  }
0xc: {  	[smem:$0x3FA9] =	sst s4  }
0xd: {  	[smem:$0x3FAA] =	sst s5  }
0xe: {  	[smem:$0x3FAB] =	sst s6  }
0xf: {  	[smem:$0x3FAC] =	sst s7  }
0x10: {  	[smem:$0x3FAD] =	sst s8  }
0x11: {  	[smem:$0x3FAE] =	sst s9;
	s0 =	simm.s32 @!p0 $0x0  }
0x12: {  	s1 =	sld [smem:$0x3F94];
	s0 =	simm.s32 @p0 $0x1  }
0x13: {  	[smem:$0x3FAF] =	sst s0;
	s0 =	simm.s32 @!p1 $0x0  }
0x14: {  	s2 =	sld [smem:$0x3F93];
	s0 =	simm.s32 @p1 $0x1  }
0x15: {  	[smem:$0x3FB0] =	sst s0;
	s0 =	simm.s32 @!p2 $0x0  }
0x16: {  	s3 =	sld [smem:$0x3FDB];
	s0 =	simm.s32 @p2 $0x1  }
0x17: {  	s4 =	simm.s32 $0x1BF5;
	[smem:$0x3FB2] =	sst s0  }
0x18: {  	s0 =	sld [smem:$0x3F95];
	_ =	swait.ge [sflag:s4], $0x0  }
0x19: {  	s7 =	sld [smem:$0x3F96]  }
0x1a: {  	s8 =	sadd.s32 $0xFFFFE003, lr  }
0x1b: {  	s9 =	sadd.s32 $0xFFFFFEF7, lr;
	s5 =	simm.s32 $0xFFFFFFFF;
	p2 =	slt.u32 s8, $0xFFFFF086  }
0x1c: {  	p1 =	slt.u32 s9, $0xF7A;
	s5 =	simm.s32 @!p2 $0x0  }
0x1d: {  	s5 =	simm.s32 @p1 $0x1;
	p0 =	seq.s32 s7, s2  }
0x1e: {  	s7 =	smul.u32 @!p0 $0xF7A, s2;
	p2 =	seq.s32 @!p0 s5, $0x0  }
0x1f: {  	s9 =	smul.u32 $0xF7A, s1;
	s8 =	simm.s32 @!p0 $0x1BF5;
	p2 =	por !p2, p0  }
0x20: {  	[sflag:s8] =	ssyncset.s32 @!p0 $0xFFFFF086;
	s6 =	sadd.s32 @!p0 s3, s7;
	s7 =	simm.s32 @!p0 $0x108  }
0x21: {  	s3 =	sadd.s32 s3, s9;
	s6 =	sadd.s32 @!p0 $0x88, s6;
	s7 =	simm.s32 @p2 $0x1082  }
0x22: {  	[simem:s7], [sflag:s8] =	dma.local @!p0 [hbm:s6], $0xF7A  }
0x23: {  	s9 =	sor.u32 $0xD0000000, s2;
	s6 =	simm.s32 $0x108;
	_ =	swait.ge @!p0 [sflag:s8], $0x0  }
0x24: {  	s3 =	sadd.s32 $0x88, s3;
	s6 =	simm.s32 @!p1 $0x1082;
	[sflag:s4] =	ssyncset.s32 $0xFFFFF086  }
0x25: {  	[simem:s6], [sflag:s4] =	dma.local [hbm:s3], $0xF7A  }
0x26: {  	[smem:$0x3F96] =	sst s1;
	(tag) =	ssettag s2;
	_ =	strace s9  }
0x27: {  	s1 =	sld [smem:$0x3FA6]  }
0x28: {  	s2 =	sld [smem:$0x3FA7]  }
0x29: {  	s4 =	sld [smem:$0x3FA9]  }
0x2a: {  	p0 =	seq.s32 s5, $0x0;
	s5 =	sld [smem:$0x3FAA]  }
0x2b: {  	s6 =	sld [smem:$0x3FAB]  }
0x2c: {  	s7 =	sld [smem:$0x3FAC]  }
0x2d: {  	s3 =	simm.s32 $0x108;
	s8 =	sld [smem:$0x3FAD]  }
0x2e: {  	s3 =	simm.s32 @!p0 $0x1082;
	s9 =	sld [smem:$0x3FAE]  }
0x2f: {  	lr =	sadd.s32 s0, s3;
	s0 =	sld [smem:$0x3FA5]  }
0x30: {  	s3 =	sld [smem:$0x3FA8]  }
0x31: {  	[smem:$0x3FB1] =	sst s10  }
0x32: {  	s10 =	sld [smem:$0x3FAF];
	_ =	sdelay $0x3  }
0x33: {  	p0 =	seq.s32 s10, $0x1;
	s10 =	sld [smem:$0x3FB1];
	_ =	sdelay $0x3  }
0x34: {  	[smem:$0x3FB1] =	sst s10  }
0x35: {  	s10 =	sld [smem:$0x3FB0];
	_ =	sdelay $0x3  }
0x36: {  	p1 =	seq.s32 s10, $0x1;
	s10 =	sld [smem:$0x3FB1];
	_ =	sdelay $0x3  }
0x37: {  	[smem:$0x3FB1] =	sst s10  }
0x38: {  	s10 =	sld [smem:$0x3FB2]  }
0x39: {  	_ = 	snop;
	(pc) =	sbr.ind lr, $3  }
0x3a: {  	_ = 	snop  }
0x3b: {  	_ = 	snop  }
0x3c: {  	p2 =	seq.s32 s10, $0x1;
	s10 =	sld [smem:$0x3FB1]  }
0x3d: {  	_ =	shalt  }
0x3e: {  	_ =	shalt  }
0x3f: {  	_ =	shalt  }
0x40: {  	_ =	shalt  }
0x41: {  	_ =	shalt  }
0x42: {  	_ =	shalt  }
0x43: {  	_ =	shalt  }
0x44: {  	_ =	shalt  }
0x45: {  	_ =	shalt  }
0x46: {  	_ =	shalt  }
0x47: {  	_ =	shalt  }
0x48: {  	_ =	shalt  }
0x49: {  	_ =	shalt  }
0x4a: {  	_ =	shalt  }
0x4b: {  	_ =	shalt  }
0x4c: {  	_ =	shalt  }
0x4d: {  	_ =	shalt  }
0x4e: {  	_ =	shalt  }
0x4f: {  	_ =	shalt  }
0x50: {  	_ =	shalt  }
0x51: {  	_ =	shalt  }
0x52: {  	_ =	shalt  }
0x53: {  	_ =	shalt  }
0x54: {  	_ =	shalt  }
0x55: {  	_ =	shalt  }
0x56: {  	_ =	shalt  }
0x57: {  	_ =	shalt  }
0x58: {  	_ =	shalt  }
0x59: {  	_ =	shalt  }
0x5a: {  	_ =	shalt  }
0x5b: {  	_ =	shalt  }
0x5c: {  	_ =	shalt  }
0x5d: {  	_ =	shalt  }
0x5e: {  	_ =	shalt  }
0x5f: {  	_ =	shalt  }
0x60: {  	_ =	shalt  }
0x61: {  	_ =	shalt  }
0x62: {  	_ =	shalt  }
0x63: {  	_ =	shalt  }
0x64: {  	_ =	shalt  }
0x65: {  	_ =	shalt  }
0x66: {  	_ =	shalt  }
0x67: {  	_ =	shalt  }
0x68: {  	_ =	shalt  }
0x69: {  	_ =	shalt  }
0x6a: {  	_ =	shalt  }
0x6b: {  	_ =	shalt  }
0x6c: {  	_ =	shalt  }
0x6d: {  	_ =	shalt  }
0x6e: {  	_ =	shalt  }
0x6f: {  	_ =	shalt  }
0x70: {  	_ =	shalt  }
0x71: {  	_ =	shalt  }
0x72: {  	_ =	shalt  }
0x73: {  	_ =	shalt  }
0x74: {  	_ =	shalt  }
0x75: {  	_ =	shalt  }
0x76: {  	_ =	shalt  }
0x77: {  	_ =	shalt  }
0x78: {  	_ =	shalt  }
0x79: {  	_ =	shalt  }
0x7a: {  	_ =	shalt  }
0x7b: {  	_ =	shalt  }
0x7c: {  	_ =	shalt  }
0x7d: {  	_ =	shalt  }
0x7e: {  	_ =	shalt  }
0x7f: {  	_ =	shalt  }
0x80: {  	_ =	shalt  }
0x81: {  	_ =	shalt  }
0x82: {  	_ =	shalt  }
0x83: {  	_ =	shalt  }
0x84: {  	_ =	shalt  }
0x85: {  	_ =	shalt  }
0x86: {  	_ =	shalt  }
0x87: {  	_ =	shalt  }
.Lfunc_end0:
.L_simem_size_0:
called_computation_lowered:
.L_overlay_start_0:
0x88: {  	s2 =	sld [smem:$0x3FD9]  }
0x89: {  	s3 =	sld [smem:$0x3FFE];
	_ =	sdelay $0x1  }
0x8a: {  	s1 =	srdreg.scid  }
0x8b: {  	s0 =	sand.u32 $0x1, s1  }
0x8c: {  	s16 =	sshll.u32 s0, $0xA;
	s2 =	sadd.s32 s3, s2  }
0x8d: {  	s2 =	sadd.s32 s2, s16  }
0x8e: {  	[smem:$0x3FBD] =	sst s2  }
0x8f: {  	_ = 	snop  }
0x90: {  	(tm) =	ssettm $0x1  }
0x91: {  	s17 =	sld [smem:$0x3FFB];
	_ =	sdelay $0x3  }
0x92: {  	_ =	strace s17  }
0x93: {  	s2 =	sld [smem:$0x3FFC];
	_ =	sdelay $0x3  }
0x94: {  	_ =	strace s2  }
0x95: {  	s2 =	sld [smem:$0x3FFD];
	_ =	sdelay $0x3  }
0x96: {  	_ =	strace s2  }
0x97: {  	_ =	strace $0x8FFFFFFF  }
0x98: {  	s18 =	sld [smem:$0x3FDB];
	_ =	sdelay $0x1  }
0x99: {  	s19 =	simm.s32 $_scs_section_size  }
0x9a: {  	s4 =	simm.s32 $_size__tile_overlayer_lowered;
	s5 =	simm.s32 $_tile_overlayer_lowered  }
0x9b: {  	s22 =	simm.s32 $0x1BFF;
	s21 =	sshll.u32 s5, $0x1;
	s2 =	sadd.s32 s19, s18  }
0x9c: {  	s6 =	simm.s32 $0x0;
	s20 =	sshll.u32 s4, $0x1;
	s4 =	sadd.s32 s21, s2  }
0x9d: {  	[timem:s6], [sflag:s22] =	dma.local [hbm:s4], s20  }
0x9e: {  	_ =	swait.ge [sflag:s22], s20  }
0x9f: {  	s3 =	ssub.s32 $0x0, s20;
	[sflag:s22] =	ssyncset.done $0x0  }
0xa0: {  	[sflag:s22] =	ssyncadd.s32 s3;
	_ =	sdelay $0x1  }
0xa1: {  	s23 =	simm.s32 $0x1B8B  }
0xa2: {  	_ =	swait.ge [sflag:s23], $0x1  }
0xa3: {  	[sflag:s23] =	ssyncset.done $0x0  }
0xa4: {  	s25 =	simm.s32 $0x1B8E;
	s24 =	sld [smem:$0x3FFE];
	[sflag:s23] =	ssyncadd.s32 $0xFFFFFFFF  }
0xa5: {  	s26 =	simm.s32 $execute0_lowered;
	[smem:$0x3FD2] =	sst s25  }
0xa6: {  	s4 =	sshll.u32 s26, $0x1;
	_ =	strace $0x80000046;
	[dreg:$0x1] =	wrdreg $0xFFFFFFFF  }
0xa7: {  	s28 =	simm.s32 $_size_execute0_lowered;
	s2 =	sadd.s32 s2, s4;
	[dreg:$0x0] =	wrdreg $0x0  }
0xa8: {  	s4 =	sshll.u32 s28, $0x1;
	[dreg:$0x2] =	wrdreg s2  }
0xa9: {  	[dreg:$0x3] =	wrdreg s4  }
0xaa: {  	[dreg:$0x4] =	wrdreg $0xC0  }
0xab: {  	_ =	task [dreg:s6], $0x5FFFF  }
0xac: {  	[dreg:$0x1] =	wrdreg $0xFFFFFFFF  }
0xad: {  	[dreg:$0x0] =	wrdreg $0x60  }
0xae: {  	[dreg:$0x2] =	wrdreg s24  }
0xaf: {  	[dreg:$0x3] =	wrdreg $0xA6800  }
0xb0: {  	[dreg:$0x4] =	wrdreg $0x9  }
0xb1: {  	_ =	task.clear_ibuf [dreg:s6], $0x5FFFF;
	_ =	strace $0x90000046  }
0xb2: {  	s29 =	simm.s32 $0x9;
	_ =	strace $0x80000048  }
0xb3: {  	_ =	swait.ge [sflag:s29], $0x1  }
0xb4: {  	[sflag:s29] =	ssyncadd.s32 $0xFFFFFFFF  }
0xb5: {  	_ =	strace $0x90000048  }
0xb6: {  	_ =	sfence  }
0xb7: {  	s30 =	sld [smem:$0x0];
	_ =	sdelay $0x2  }
0xb8: {  	s31 =	sshll.u32 s1, $0xD;
	s1 =	sshrl.u32 s1, $0x2  }
0xb9: {  	s3 =	sand.u32 $0x4000, s31;
	s1 =	sadd.s32 s1, s30  }
0xba: {  	s0 =	sor.u32 s3, s0;
	s1 =	sshll.u32 s1, $0x11  }
0xbb: {  	s0 =	sor.u32 s1, s0  }
0xbc: {  	s0 =	sadd.s32 $0x8F2B, s0  }
0xbd: {  	[sflag:s0] =	ssyncadd.remote.s32 $0x1  }
0xbe: {  	_ =	sfence.sel $0xFFFF  }
0xbf: {  	[dreg:$0x0] =	wrdreg $0xFFFFFFFF;
	(pc) =	sbr.abs _section_cstart, $3  }
0xc0: {  	[dreg:$0x1] =	wrdreg $0xFFFFFFFF  }
0xc1: {  	_ =	task.clear_ibuf [dreg:s6], $0x2FFFF;
	_ =	strace $0x9FFFFFFF  }
0xc2: {  	(tm) =	ssettm $0x7FFFFFFF  }
0xc3: {  	_ =	shalt  }
tec
execute0_lowered:
.L_overlay_start_1:
0x0: {  	(tag) =	ssettag $0x1  }
0x1: {  	s0 =	rddreg [dreg:$0x0]  }
0x2: {  	s2 =	rddreg [dreg:$0x1]  }
0x3: {  	s1 =	srdreg.scid;
	s9 =	stileid.u32  }
0x4: {  	s3 =	simm.s32 $0x0;
	s28 =	simm.s32 $0x380;
	s29 =	simm.s32 $0x400  }
0x5: {  	s30 =	simm.s32 $0x680;
	s31 =	simm.s32 $0x5;
	s5 =	smul.u32 $0x13C00, s9  }
0x6: {  	s1 =	sand.u32 $0x1, s1;
	s6 =	sshll.u32 s9, $0x1;
	s9 =	smul.u32 $0x4F000, s9  }
0x7: {  	s12 =	simm.s32 $0x1;
	[smem:$0x7FF] =	sst s3;
	s4 =	smul.u32 $0x13C000, s1  }
0x8: {  	s6 =	sor.u32 s1, s6;
	_ =	strace $0x80000047;
	s1 =	ssub.s32 $0x2, s1  }
0x9: {  	s10 =	sshrl.u32 s1, $0x1;
	s14 =	sshrl.u32 s9, $0x2;
	s9 =	simm.s32 $0x580  }
0xa: {  	s7 =	sadd.s32 s5, s4;
	s4 =	smul.u32 $0x2710, s6;
	s11 =	sadd.s32 s14, s2  }
0xb: {  	s5 =	sadd.s32 $0x15E00, s0;
	s6 =	sadd.s32 $0x2400, s0;
	s18 =	sadd.s32 $0x2800, s11  }
0xc: {  	s1 =	ssub.s32 s1, s10;
	s19 =	sadd.s32 $0x5000, s11;
	[dreg:$0x8] =	wrdreg s18  }
0xd: {  	s10 =	simm.s32 $0x600;
	s20 =	sadd.s32 $0x7800, s11;
	[dreg:$0x9] =	wrdreg s19  }
0xe: {  	s14 =	simm.s32 $0x2E80;
	s21 =	sadd.s32 $0xA000, s11;
	[dreg:$0xa] =	wrdreg s20  }
0xf: {  	s7 =	sshrl.u32 s7, $0x3;
	s22 =	sadd.s32 $0xC800, s11;
	[dreg:$0xb] =	wrdreg s21  }
0x10: {  	s23 =	sadd.s32 $0xF000, s11;
	s24 =	sadd.s32 $0x11800, s11;
	[dreg:$0xc] =	wrdreg s22  }
0x11: {  	s26 =	smax.u32 s1, $0x1;
	s1 =	simm.s32 $0x480;
	[dreg:$0xd] =	wrdreg s23  }
0x12: {  	s8 =	sshrl.u32 s4, $0x3;
	s0 =	sadd.s32 s7, s0;
	[dreg:$0xe] =	wrdreg s24  }
0x13: {  	s20 =	sadd.s32 $0x140, s4;
	[dreg:$0x12] =	wrdreg s26;
	s13 =	sadd.s32 s6, s8  }
0x14: {  	s26 =	simm.s32 $0x300;
	s0 =	sadd.s32 $0x3D000, s0;
	[dreg:$0x3] =	wrdreg s13  }
0x15: {  	s18 =	simm.s32 $0x4;
	s8 =	sadd.s32 $0x9C40, s13;
	[dreg:$0x11] =	wrdreg s0  }
0x16: {  	s19 =	simm.s32 $0x2;
	s15 =	sadd.s32 $0x9C4A, s13;
	[dreg:$0x4] =	wrdreg s8  }
0x17: {  	s21 =	simm.s32 $0x0;
	s16 =	sadd.s32 $0x9C54, s13;
	[dreg:$0x5] =	wrdreg s15  }
.Ltmp0:
0x18: {  	s17 =	sadd.s32 $0x9C5E, s13;
	[dreg:$0x6] =	wrdreg s16;
	(pc) =	sbr.rel .LBB2_1-.Ltmp0, $4  }
0x19: {  	s25 =	sadd.s32 $0x4D8, s13;
	s7 =	sadd.s32 $0xA118, s13;
	[dreg:$0x7] =	wrdreg s17  }
0x1a: {  	s0 =	simm.s32 $0x140;
	s13 =	simm.s32 $0x50;
	[dreg:$0xf] =	wrdreg s25  }
0x1b: {  	[dreg:$0x10] =	wrdreg s7;
	s25 =	simm.s32 $0x280;
	s8 =	simm.s32 $0x500  }
0x1c: {  	v0 =	vimm.f32 $0.0e+00;
	s15 =	simm.s32 $0x5680;
	s16 =	simm.s32 $0x7E80;
	s17 =	simm.s32 $0x3  }
.LBB2_12:
0x1d: {  	_ =	swait.ge [sflag:s18], $0xA000  }
0x1e: {  	[sflag:s18] =	ssyncset.done $0x0  }
0x1f: {  	s7 =	rddreg [dreg:$0xf];
	[sflag:s18] =	ssyncadd.s32 $0xFFFF6000  }
0x20: {  	[tilespmem:s3], [sflag:$0x5] =	stream.linear.gather [hbm4b:s7+s3], $0x50, $0x38;
	[tilespmem:$0x1E280] =	vst v63  }
0x21: {  	_ =	swait.ge [sflag:s31], $0x50  }
0x22: {  	[sflag:s31] =	ssyncset.done $0x0  }
0x23: {  	s22 =	rddreg [dreg:$0x10];
	[sflag:s31] =	ssyncadd.s32 $0xFFFFFFB0  }
0x24: {  	[tilespmem:s25], [sflag:$0x5] =	stream.linear.gather [hbm4b:s22+s3], $0x50, $0x38;
	[tilespmem:$0x1E280] =	vst v63  }
0x25: {  	_ =	swait.ge [sflag:s31], $0x50  }
0x26: {  	[sflag:s31] =	ssyncset.done $0x0  }
0x27: {  	[sflag:s31] =	ssyncadd.s32 $0xFFFFFFB0  }
0x28: {  	[tilespmem:s30], [sflag:$0x3] =	stream.indirect.gather [hbm4b:s5+s13], $0x80, s3, s13, $0xb8;
	[tilespmem:$0x1E280] =	vst v63  }
0x29: {  	_ =	swait.ge [sflag:s17], $0x2800  }
0x2a: {  	[sflag:s17] =	ssyncset.done $0x0  }
0x2b: {  	[sflag:s17] =	ssyncadd.s32 $0xFFFFD800  }
0x2c: {  	[spmem:s2] =	stream.indirect.scatter.add.f32 [tilespmem:s30], [sflag:$0x4], $0x80, s25, s13, $0xb8;
	[tilespmem:$0x1E280] =	vst v63  }
0x2d: {  	_ =	swait.ge [sflag:s18], $0x2800  }
0x2e: {  	[sflag:s18] =	ssyncset.done $0x0  }
0x2f: {  	s23 =	stileid.u32;
	[sflag:s18] =	ssyncadd.s32 $0xFFFFD800  }
0x30: {  	s7 =	sshll.u32 s23, $0x6;
	[bflag:$0x0] =	sbarrier.arrive $0xFFFF  }
0x31: {  	s7 =	sor.u32 $0x1C05, s7;
	s22 =	sshrl.u32 s11, $0x3;
	s23 =	rddreg [dreg:$0x11]  }
0x32: {  	[hbm:s23], [sflag:s7] =	dma.local [spmem:s22], $0x2780  }
0x33: {  	_ =	swait.ge [sflag:s31], $0x2780  }
0x34: {  	s21 =	sadd.s32 $0x1, s21;
	s24 =	rddreg [dreg:$0x12]  }
0x35: {  	p0 =	sne.s32 s21, s24  }
.Ltmp1:
0x36: {  	_ = 	snop;
	(pc) =	sbr.rel @!p0 .LBB2_13-.Ltmp1, $3  }
0x37: {  	_ =	sdelay $0x1  }
0x38: {  	[sflag:s31] =	ssyncset.done $0x0  }
0x39: {  	[sflag:s31] =	ssyncadd.s32 $0xFFFFD880  }
.LBB2_1:
0x3a: {  	s7 =	rddreg [dreg:$0x3]  }
0x3b: {  	[tilespmem:s3], [sflag:$0x1] =	stream.linear.gather [hbm4b:s7+s3], $0x140, $0x38;
	[tilespmem:$0x1E280] =	vst v63  }
0x3c: {  	s24 =	rddreg [dreg:$0x4]  }
0x3d: {  	[tilespmem:s25], [sflag:$0x1] =	stream.linear.gather [hbm4b:s24+s3], $0x50, $0x38;
	[tilespmem:$0x1E280] =	vst v63  }
0x3e: {  	s22 =	rddreg [dreg:$0x5]  }
0x3f: {  	[tilespmem:s26], [sflag:$0x1] =	stream.linear.gather [hbm4b:s22+s3], $0x50, $0x38;
	[tilespmem:$0x1E280] =	vst v63  }
0x40: {  	s23 =	rddreg [dreg:$0x6]  }
0x41: {  	[tilespmem:s28], [sflag:$0x1] =	stream.linear.gather [hbm4b:s23+s3], $0x50, $0x38;
	[tilespmem:$0x1E280] =	vst v63  }
0x42: {  	s24 =	rddreg [dreg:$0x7];
	s22 =	simm.s32 $0x0;
	s23 =	simm.s32 $0x200  }
0x43: {  	[tilespmem:s29], [sflag:$0x1] =	stream.linear.gather [hbm4b:s24+s3], $0x50, $0x38;
	[tilespmem:$0x1E280] =	vst v63  }
.LBB2_2:
0x44: {  	p0 =	sne.s32 s23, $0x9E00;
	[tilespmem:s22+$0x6F0] =	vst v0  }
0x45: {  	[tilespmem:s22+$0x680] =	vst v0  }
0x46: {  	[tilespmem:s22+$0x690] =	vst v0  }
.Ltmp2:
0x47: {  	[tilespmem:s22+$0x6A0] =	vst v0;
	(pc) =	sbr.rel @p0 .LBB2_2-.Ltmp2, $4  }
0x48: {  	[tilespmem:s22+$0x6B0] =	vst v0  }
0x49: {  	[tilespmem:s22+$0x6C0] =	vst v0  }
0x4a: {  	[tilespmem:s22+$0x6D0] =	vst v0  }
0x4b: {  	[tilespmem:s22+$0x6E0] =	vst v0;
	s22 =	sshra.s32 s23, $0x2;
	s23 =	sadd.s32 $0x200, s23  }
0x4c: {  	[tilespmem:s22+$0x6F0] =	vst v0  }
0x4d: {  	[tilespmem:s22+$0x680] =	vst v0  }
0x4e: {  	[tilespmem:s22+$0x690] =	vst v0  }
0x4f: {  	[tilespmem:s22+$0x6A0] =	vst v0  }
0x50: {  	[tilespmem:s22+$0x6B0] =	vst v0  }
0x51: {  	[tilespmem:s22+$0x6C0] =	vst v0  }
0x52: {  	[tilespmem:s22+$0x6D0] =	vst v0  }
0x53: {  	[tilespmem:s22+$0x6E0] =	vst v0  }
0x54: {  	[spmem:s11] =	stream.linear.scatter [tilespmem:s30], [sflag:$0x5], $0x2800, $0x38;
	[tilespmem:$0x1E280] =	vst v63  }
0x55: {  	_ =	swait.ge [sflag:s31], $0x2800  }
0x56: {  	[sflag:s31] =	ssyncset.done $0x0  }
0x57: {  	s7 =	rddreg [dreg:$0x8];
	[sflag:s31] =	ssyncadd.s32 $0xFFFFD800  }
0x58: {  	[spmem:s7] =	stream.linear.scatter [tilespmem:s30], [sflag:$0x5], $0x2800, $0x38;
	[tilespmem:$0x1E280] =	vst v63  }
0x59: {  	_ =	swait.ge [sflag:s31], $0x2800  }
0x5a: {  	[sflag:s31] =	ssyncset.done $0x0  }
0x5b: {  	s22 =	rddreg [dreg:$0x9];
	[sflag:s31] =	ssyncadd.s32 $0xFFFFD800  }
0x5c: {  	[spmem:s22] =	stream.linear.scatter [tilespmem:s30], [sflag:$0x5], $0x2800, $0x38;
	[tilespmem:$0x1E280] =	vst v63  }
0x5d: {  	_ =	swait.ge [sflag:s31], $0x2800  }
0x5e: {  	[sflag:s31] =	ssyncset.done $0x0  }
0x5f: {  	s23 =	rddreg [dreg:$0xa];
	[sflag:s31] =	ssyncadd.s32 $0xFFFFD800  }
0x60: {  	[spmem:s23] =	stream.linear.scatter [tilespmem:s30], [sflag:$0x5], $0x2800, $0x38;
	[tilespmem:$0x1E280] =	vst v63  }
0x61: {  	_ =	swait.ge [sflag:s31], $0x2800  }
0x62: {  	[sflag:s31] =	ssyncset.done $0x0  }
0x63: {  	s24 =	rddreg [dreg:$0xb];
	[sflag:s31] =	ssyncadd.s32 $0xFFFFD800  }
0x64: {  	[spmem:s24] =	stream.linear.scatter [tilespmem:s30], [sflag:$0x5], $0x2800, $0x38;
	[tilespmem:$0x1E280] =	vst v63  }
0x65: {  	_ =	swait.ge [sflag:s31], $0x2800  }
0x66: {  	[sflag:s31] =	ssyncset.done $0x0  }
0x67: {  	s22 =	rddreg [dreg:$0xc];
	[sflag:s31] =	ssyncadd.s32 $0xFFFFD800  }
0x68: {  	[spmem:s22] =	stream.linear.scatter [tilespmem:s30], [sflag:$0x5], $0x2800, $0x38;
	[tilespmem:$0x1E280] =	vst v63  }
0x69: {  	_ =	swait.ge [sflag:s31], $0x2800  }
0x6a: {  	[sflag:s31] =	ssyncset.done $0x0  }
0x6b: {  	s23 =	rddreg [dreg:$0xd];
	[sflag:s31] =	ssyncadd.s32 $0xFFFFD800  }
0x6c: {  	[spmem:s23] =	stream.linear.scatter [tilespmem:s30], [sflag:$0x5], $0x2800, $0x38;
	[tilespmem:$0x1E280] =	vst v63  }
0x6d: {  	_ =	swait.ge [sflag:s31], $0x2800  }
0x6e: {  	[sflag:s31] =	ssyncset.done $0x0  }
0x6f: {  	s24 =	rddreg [dreg:$0xe];
	[sflag:s31] =	ssyncadd.s32 $0xFFFFD800  }
0x70: {  	[spmem:s24] =	stream.linear.scatter [tilespmem:s30], [sflag:$0x5], $0x2400, $0x38;
	[tilespmem:$0x1E280] =	vst v63  }
.Ltmp3:
0x71: {  	_ =	swait.ge [sflag:s31], $0x2400;
	(pc) =	sbr.rel .LBB2_4-.Ltmp3, $4  }
0x72: {  	[sflag:s31] =	ssyncset.done $0x0  }
0x73: {  	[sflag:s31] =	ssyncadd.s32 $0xFFFFDC00  }
0x74: {  	[bflag:$0x0] =	sbarrier.arrive $0xFFFF  }
0x75: {  	s22 =	simm.s32 $0x0  }
.LBB2_14:
0x76: {  	s7 =	sshrl.u32 s22, $0x3  }
0x77: {  	s7 =	sadd.s32 s6, s7  }
0x78: {  	[tilespmem:s3], [sflag:$0x1] =	stream.linear.gather [hbm4b:s7+s3], $0x140, $0x38;
	[tilespmem:$0x1E280] =	vst v63  }
0x79: {  	s22 =	sadd.s32 $0x9C40, s7  }
0x7a: {  	[tilespmem:s25], [sflag:$0x1] =	stream.linear.gather [hbm4b:s22+s3], $0x50, $0x38;
	[tilespmem:$0x1E280] =	vst v63  }
0x7b: {  	s22 =	sadd.s32 $0x9C4A, s7  }
0x7c: {  	[tilespmem:s26], [sflag:$0x1] =	stream.linear.gather [hbm4b:s22+s3], $0x50, $0x38;
	[tilespmem:$0x1E280] =	vst v63  }
0x7d: {  	s22 =	sadd.s32 $0x9C54, s7  }
0x7e: {  	[tilespmem:s28], [sflag:$0x1] =	stream.linear.gather [hbm4b:s22+s3], $0x50, $0x38;
	[tilespmem:$0x1E280] =	vst v63  }
0x7f: {  	s7 =	sadd.s32 $0x9C5E, s7  }
0x80: {  	[tilespmem:s29], [sflag:$0x1] =	stream.linear.gather [hbm4b:s7+s3], $0x50, $0x38;
	[tilespmem:$0x1E280] =	vst v63  }
.LBB2_10:
0x81: {  	_ =	swait.ge [sflag:s19], $0x140  }
0x82: {  	[sflag:s19] =	ssyncset.done $0x0  }
0x83: {  	[sflag:s19] =	ssyncadd.s32 $0xFFFFFEC0  }
0x84: {  	_ =	swait.ge [sflag:s19], $0x140  }
0x85: {  	[sflag:s19] =	ssyncset.done $0x0  }
0x86: {  	[sflag:s19] =	ssyncadd.s32 $0xFFFFFEC0  }
.LBB2_11:
0x87: {  	s7 =	smul.u32 $0x500, s23;
	_ =	sdelay $0x1  }
0x88: {  	s7 =	sshrl.u32 s7, $0x2  }
0x89: {  	[tilespmem:s30], [sflag:$0x3] =	stream.indirect.gather [hbm4b:s5+s13], $0x80, s7, s13, $0xb8;
	[tilespmem:$0x1E280] =	vst v63  }
0x8a: {  	s22 =	sadd.s32 $0x50, s7  }
0x8b: {  	[tilespmem:s14], [sflag:$0x3] =	stream.indirect.gather [hbm4b:s5+s13], $0x80, s22, s13, $0xb8;
	[tilespmem:$0x1E280] =	vst v63  }
0x8c: {  	s22 =	sadd.s32 $0xA0, s7  }
0x8d: {  	[tilespmem:s15], [sflag:$0x3] =	stream.indirect.gather [hbm4b:s5+s13], $0x80, s22, s13, $0xb8;
	[tilespmem:$0x1E280] =	vst v63  }
0x8e: {  	s7 =	sadd.s32 $0xF0, s7  }
0x8f: {  	[tilespmem:s16], [sflag:$0x3] =	stream.indirect.gather [hbm4b:s5+s13], $0x80, s7, s13, $0xb8;
	[tilespmem:$0x1E280] =	vst v63  }
0x90: {  	_ =	swait.ge [sflag:s17], $0x2800  }
0x91: {  	s7 =	sshll.u32 s23, $0x9;
	[sflag:s17] =	ssyncset.done $0x0  }
0x92: {  	s23 =	sadd.s32 $0x280, s7;
	[sflag:s17] =	ssyncadd.s32 $0xFFFFD800  }
0x93: {  	[spmem:s2] =	stream.indirect.scatter.add.f32 [tilespmem:s30], [sflag:$0x4], $0x80, s23, s13, $0xb8;
	[tilespmem:$0x1E280] =	vst v63  }
0x94: {  	_ =	swait.ge [sflag:s17], $0x2800  }
0x95: {  	[sflag:s17] =	ssyncset.done $0x0  }
0x96: {  	s23 =	sadd.s32 $0x300, s7;
	[sflag:s17] =	ssyncadd.s32 $0xFFFFD800  }
0x97: {  	[spmem:s2] =	stream.indirect.scatter.add.f32 [tilespmem:s14], [sflag:$0x4], $0x80, s23, s13, $0xb8;
	[tilespmem:$0x1E280] =	vst v63  }
0x98: {  	_ =	swait.ge [sflag:s17], $0x2800  }
0x99: {  	[sflag:s17] =	ssyncset.done $0x0  }
0x9a: {  	p0 =	slt.u32 s24, $0x1F;
	s23 =	sadd.s32 $0x380, s7;
	[sflag:s17] =	ssyncadd.s32 $0xFFFFD800  }
0x9b: {  	[spmem:s2] =	stream.indirect.scatter.add.f32 [tilespmem:s15], [sflag:$0x4], $0x80, s23, s13, $0xb8;
	[tilespmem:$0x1E280] =	vst v63  }
.Ltmp4:
0x9c: {  	_ = 	snop;
	(pc) =	sbr.rel @!p0 .LBB2_12-.Ltmp4, $4  }
0x9d: {  	_ =	swait.ge [sflag:s17], $0x2800  }
0x9e: {  	[sflag:s17] =	ssyncset.done $0x0  }
0x9f: {  	s22 =	smov.u32 s24;
	s7 =	sor.u32 $0x400, s7;
	[sflag:s17] =	ssyncadd.s32 $0xFFFFD800  }
0xa0: {  	[spmem:s2] =	stream.indirect.scatter.add.f32 [tilespmem:s16], [sflag:$0x4], $0x80, s7, s13, $0xb8;
	[tilespmem:$0x1E280] =	vst v63  }
.LBB2_4:
0xa1: {  	p0 =	seq.s32 s22, $0x0  }
.Ltmp5:
0xa2: {  	_ = 	snop;
	(pc) =	sbr.rel @p0 .LBB2_5-.Ltmp5, $2  }
0xa3: {  	_ =	sdelay $0x2  }
0xa4: {  	s23 =	sand.u32 $0x1, s22  }
0xa5: {  	p0 =	seq.s32 s22, $0x1E  }
.Ltmp6:
0xa6: {  	_ = 	snop;
	(pc) =	sbr.rel @p0 .LBB2_9-.Ltmp6, $4  }
0xa7: {  	_ = 	snop  }
0xa8: {  	_ =	swait.ge [sflag:s18], $0xA000  }
0xa9: {  	[sflag:s18] =	ssyncset.done $0x0  }
0xaa: {  	s24 =	simm.s32 $0x1F;
	[sflag:s18] =	ssyncadd.s32 $0xFFFF6000  }
0xab: {  	p0 =	seq.s32 s23, $0x1  }
.Ltmp7:
0xac: {  	_ = 	snop;
	(pc) =	sbr.rel @p0 .LBB2_14-.Ltmp7, $4  }
.Ltmp8:
0xad: {  	s24 =	sadd.s32 $0x1, s22;
	(pc) =	sbr.rel @!p0 .LBB2_8-.Ltmp8, $4  }
0xae: {  	s22 =	smul.u32 $0x140, s24  }
0xaf: {  	_ = 	snop  }
0xb0: {  	s22 =	sadd.s32 s4, s22  }
0xb1: {  	_ = 	snop  }
.LBB2_5:
0xb2: {  	s24 =	simm.s32 $0x1;
	s22 =	smov.u32 s20  }
.LBB2_8:
0xb3: {  	s22 =	sshrl.u32 s22, $0x3  }
0xb4: {  	s22 =	sadd.s32 s6, s22  }
0xb5: {  	[tilespmem:s0], [sflag:$0x2] =	stream.linear.gather [hbm4b:s22+s3], $0x140, $0x38;
	[tilespmem:$0x1E280] =	vst v63  }
0xb6: {  	s7 =	sadd.s32 $0x9C40, s22  }
0xb7: {  	[tilespmem:s1], [sflag:$0x2] =	stream.linear.gather [hbm4b:s7+s3], $0x50, $0x38;
	[tilespmem:$0x1E280] =	vst v63  }
0xb8: {  	s7 =	sadd.s32 $0x9C4A, s22  }
0xb9: {  	[tilespmem:s8], [sflag:$0x2] =	stream.linear.gather [hbm4b:s7+s3], $0x50, $0x38;
	[tilespmem:$0x1E280] =	vst v63  }
0xba: {  	s7 =	sadd.s32 $0x9C54, s22  }
0xbb: {  	[tilespmem:s9], [sflag:$0x2] =	stream.linear.gather [hbm4b:s7+s3], $0x50, $0x38;
	[tilespmem:$0x1E280] =	vst v63  }
0xbc: {  	s22 =	sadd.s32 $0x9C5E, s22  }
0xbd: {  	[tilespmem:s10], [sflag:$0x2] =	stream.linear.gather [hbm4b:s22+s3], $0x50, $0x38;
	[tilespmem:$0x1E280] =	vst v63  }
.LBB2_9:
0xbe: {  	_ =	swait.ge [sflag:s12], $0x140;
	p0 =	seq.s32 s23, $0x0  }
.Ltmp9:
0xbf: {  	[sflag:s12] =	ssyncset.done $0x0;
	(pc) =	sbr.rel @p0 .LBB2_11-.Ltmp9, $4  }
.Ltmp10:
0xc0: {  	[sflag:s12] =	ssyncadd.s32 $0xFFFFFEC0;
	(pc) =	sbr.rel @!p0 .LBB2_10-.Ltmp10, $4  }
0xc1: {  	_ =	swait.ge [sflag:s12], $0x140  }
0xc2: {  	[sflag:s12] =	ssyncset.done $0x0  }
0xc3: {  	[sflag:s12] =	ssyncadd.s32 $0xFFFFFEC0  }
0xc4: {  	_ = 	snop  }
.LBB2_13:
0xc5: {  	_ =	sfence.sel $0x180000  }
0xc6: {  	[bflag:$0x0] =	sbarrier.arrive $0xFFFF  }
0xc7: {  	_ =	strace $0x90000047  }
0xc8: {  	s0 =	stileid.u32;
	[bflag:$0x2] =	sbarrier.arrive $0xFFFF  }
0xc9: {  	p0 =	sne.s32 s0, $0x0;
	s0 =	rddreg [dreg:$0x2]  }
0xca: {  	s0 =	sadd.s32 @!p0 $0x100000, s0  }
0xcb: {  	[sflag:s0] =	ssyncadd.tile.s32 @!p0 $0x1;
	_ =	shalt  }
.Lfunc_end2:
_tile_overlayer_lowered:
.L_overlay_start_2:
0xcc: {  	(tag) =	ssettag $0x2  }
0xcd: {  	s0 =	rddreg [dreg:$0x0];
	s2 =	stileid.u32  }
0xce: {  	s1 =	rddreg [dreg:$0x1];
	p0 =	sne.s32 s2, $0x0  }
0xcf: {  	s3 =	rddreg [dreg:$0x2];
	[bflag:$0x3] =	sbarrier.arrive $0xFFFF;
	s2 =	simm.s32 @!p0 $0x1C05  }
0xd0: {  	[timem:s3], [sflag:s2] =	dma.local @!p0 [hbm:s0], s1  }
0xd1: {  	s0 =	simm.s32 @!p0 $0x5  }
0xd2: {  	_ =	swait.ge @!p0 [sflag:s0], s1  }
0xd3: {  	s1 =	ssub.s32 @!p0 $0x0, s1;
	[sflag:s0] =	ssyncset.done @!p0 $0x0  }
0xd4: {  	[sflag:s0] =	ssyncadd.s32 @!p0 s1  }
0xd5: {  	[bflag:$0x3] =	sbarrier.arrive $0xFFFF  }
0xd6: {  	_ =	shalt  }

</sc_bundles>
